<compile_context>
chip_gen: v7x
topology: tpu7x:2x2x1
jax: 0.10.2.dev20260603
libtpu: 0.0.44.dev20260713+nightly
codegen_flags: <defaults>
</compile_context>

<pallas_src>
import functools

import jax
import jax.numpy as jnp
from jax import lax
from jax.experimental import pallas as pl
from jax.experimental.pallas import tpu as pltpu
from jax.experimental.pallas import tpu_sc as plsc

_N = 10000
_E = 320000
_NC = 2
_NS = 16
_NW = _NC * _NS
_CH = 64
_CPT0 = 174
_CPT1 = 140
_SRCW = _CPT0 * _CH
_E0 = _CPT0 * _CH * _NS
_E1PT = (_E - _E0) // _NS
_NPAD = 10112
_RPT = _NPAD // _NS
_BR = 2048


def _seg_sum_call(F):
    mesh = plsc.VectorSubcoreMesh(core_axis_name="c", subcore_axis_name="s")

    def body(y_hbm, src_hbm, dst_hbm, out_hbm, src_v, dst_v, rows0, rows1, acc,
             sem0, sem1, sem2, sem3):
        c = lax.axis_index("c")
        s = lax.axis_index("s")
        wid = c * _NS + s
        cpt = jnp.where(c == 0, _CPT0, _CPT1)
        npair = jnp.where(c == 0, (_CPT0 - 2) // 2, (_CPT1 - 2) // 2)

        def gat(j, buf, sem):
            off = pl.multiple_of(j * _CH, _CH)
            return pltpu.make_async_copy(
                y_hbm.at[src_v.at[pl.ds(off, _CH)]], buf, sem)

        @pl.loop(0, _CH)
        def _(i):
            @pl.loop(0, F, step=16)
            def _(l):
                rows0[i, pl.ds(l, 16)] = jnp.zeros((16,), jnp.float32)

        @pl.loop(0, _RPT // _CH)
        def _(r):
            pltpu.sync_copy(rows0, acc.at[pl.ds(s * _RPT + r * _CH, _CH)])

        rem = _RPT - (_RPT // _CH) * _CH
        pltpu.sync_copy(rows0.at[pl.ds(0, rem)],
                        acc.at[pl.ds(s * _RPT + _RPT - rem, rem)])

        pltpu.sync_copy(src_hbm.at[wid], src_v)
        pltpu.sync_copy(dst_hbm.at[wid], dst_v)
        plsc.subcore_barrier()

        gat(0, rows0, sem0).start()
        gat(1, rows1, sem1).start()

        @pl.loop(0, (_CPT0 - 2) // 2)
        def _(it):
            @pl.when(it < npair)
            def _():
                j = it * 2
                gat(j, rows0, sem0).wait()
                pltpu.sync_copy(rows0, acc.at[dst_v.at[j]], add=True)
                gat(j + 2, rows0, sem0).start()
                gat(j + 1, rows1, sem1).wait()
                pltpu.sync_copy(rows1, acc.at[dst_v.at[j + 1]], add=True)
                gat(j + 3, rows1, sem1).start()

        gat(cpt - 2, rows0, sem0).wait()
        pltpu.sync_copy(rows0, acc.at[dst_v.at[cpt - 2]], add=True)
        gat(cpt - 1, rows1, sem1).wait()
        pltpu.sync_copy(rows1, acc.at[dst_v.at[cpt - 1]], add=True)

        plsc.subcore_barrier()
        pltpu.sync_copy(acc.at[pl.ds(s * _RPT, _RPT)],
                        out_hbm.at[c, pl.ds(s * _RPT, _RPT)])

    return pl.kernel(
        body,
        mesh=mesh,
        out_type=jax.ShapeDtypeStruct((_NC, _NPAD, F), jnp.float32),
        scratch_types=[
            pltpu.VMEM((_SRCW,), jnp.int32),
            pltpu.VMEM((_CPT0, _CH), jnp.int32),
            pltpu.VMEM((_CH, F), jnp.float32),
            pltpu.VMEM((_CH, F), jnp.float32),
            pltpu.VMEM_SHARED((_NPAD, F), jnp.float32),
            pltpu.SemaphoreType.DMA,
            pltpu.SemaphoreType.DMA,
            pltpu.SemaphoreType.DMA,
            pltpu.SemaphoreType.DMA,
        ],
    )


def _count_call():
    mesh = plsc.VectorSubcoreMesh(core_axis_name="c", subcore_axis_name="s")

    def body(dst_hbm, out_hbm, dst_v, cnt_v):
        c = lax.axis_index("c")
        s = lax.axis_index("s")
        wid = c * _NS + s

        @pl.loop(0, _NPAD, step=16)
        def _(i):
            cnt_v[pl.ds(i, 16)] = jnp.zeros((16,), jnp.float32)

        pltpu.sync_copy(dst_hbm.at[wid], dst_v)

        @pl.loop(0, _CPT0)
        def _(j):
            @pl.loop(0, _CH, step=16)
            def _(l):
                idx = dst_v[j, pl.ds(l, 16)]
                plsc.addupdate_scatter(cnt_v, [idx], jnp.ones((16,), jnp.float32))

        pltpu.sync_copy(cnt_v, out_hbm.at[wid])

    return pl.kernel(
        body,
        mesh=mesh,
        out_type=jax.ShapeDtypeStruct((_NW, _NPAD), jnp.float32),
        scratch_types=[
            pltpu.VMEM((_CPT0, _CH), jnp.int32),
            pltpu.VMEM((_NPAD,), jnp.float32),
        ],
        compiler_params=pltpu.CompilerParams(needs_layout_passes=False),
    )


_DN = (((1,), (0,)), ((), ()))


def _prep_body(x_ref, w_ref, b_ref, y_ref, z_ref, *, Fo):
    r = lax.dot_general(x_ref[...], w_ref[...], _DN,
                        preferred_element_type=jnp.float32)
    y_ref[...] = r[:, :Fo]
    z_ref[...] = r[:, Fo:] + b_ref[...]


def _prep_call(x, wcat, b):
    Fi, F2 = wcat.shape
    Fo = F2 // 2
    return pl.pallas_call(
        functools.partial(_prep_body, Fo=Fo),
        grid=(-(-_N // _BR),),
        in_specs=[
            pl.BlockSpec((_BR, Fi), lambda i: (i, 0)),
            pl.BlockSpec((Fi, F2), lambda i: (0, 0)),
            pl.BlockSpec((1, Fo), lambda i: (0, 0)),
        ],
        out_specs=[
            pl.BlockSpec((_BR, Fo), lambda i: (i, 0)),
            pl.BlockSpec((_BR, Fo), lambda i: (i, 0)),
        ],
        out_shape=[jax.ShapeDtypeStruct((_N, Fo), jnp.float32)] * 2,
    )(x, wcat, b)


def _inv_cnt(c_ref):
    cnt = lax.dot_general(c_ref[...], jnp.ones((_NW, 1), jnp.float32),
                          (((0,), (0,)), ((), ())),
                          preferred_element_type=jnp.float32)
    return 1.0 / jnp.maximum(cnt, 1.0)


def _combine(p_ref, c_ref, z_ref):
    return (p_ref[0] + p_ref[1]) * _inv_cnt(c_ref) + z_ref[...]


def _mid_body(p_ref, c_ref, z_ref, w_ref, b_ref, y_ref, z2_ref, *, Fo):
    h = jnp.maximum(_combine(p_ref, c_ref, z_ref), 0.0)
    r = lax.dot_general(h, w_ref[...], _DN, preferred_element_type=jnp.float32)
    y_ref[...] = r[:, :Fo]
    z2_ref[...] = r[:, Fo:] + b_ref[...]


def _mid_call(p, pcnt, z, wcat, b):
    Fi, F2 = wcat.shape
    Fo = F2 // 2
    return pl.pallas_call(
        functools.partial(_mid_body, Fo=Fo),
        grid=(-(-_N // _BR),),
        in_specs=[
            pl.BlockSpec((_NC, _BR, Fi), lambda i: (0, i, 0)),
            pl.BlockSpec((_NW, _BR), lambda i: (0, i)),
            pl.BlockSpec((_BR, Fi), lambda i: (i, 0)),
            pl.BlockSpec((Fi, F2), lambda i: (0, 0)),
            pl.BlockSpec((1, Fo), lambda i: (0, 0)),
        ],
        out_specs=[
            pl.BlockSpec((_BR, Fo), lambda i: (i, 0)),
            pl.BlockSpec((_BR, Fo), lambda i: (i, 0)),
        ],
        out_shape=[jax.ShapeDtypeStruct((_N, Fo), jnp.float32)] * 2,
    )(p, pcnt, z, wcat, b)


def _mid2_body(p_ref, c_ref, z_ref, w_ref, b_ref, h_ref, z3_ref):
    h = jnp.maximum(_combine(p_ref, c_ref, z_ref), 0.0)
    h_ref[...] = h
    z3_ref[...] = lax.dot_general(h, w_ref[...], _DN,
                                  preferred_element_type=jnp.float32) + b_ref[...]


def _mid2_call(p, pcnt, z, wr, b):
    Fi, Fo = wr.shape
    return pl.pallas_call(
        _mid2_body,
        grid=(-(-_N // _BR),),
        in_specs=[
            pl.BlockSpec((_NC, _BR, Fi), lambda i: (0, i, 0)),
            pl.BlockSpec((_NW, _BR), lambda i: (0, i)),
            pl.BlockSpec((_BR, Fi), lambda i: (i, 0)),
            pl.BlockSpec((Fi, Fo), lambda i: (0, 0)),
            pl.BlockSpec((1, Fo), lambda i: (0, 0)),
        ],
        out_specs=[
            pl.BlockSpec((_BR, Fi), lambda i: (i, 0)),
            pl.BlockSpec((_BR, Fo), lambda i: (i, 0)),
        ],
        out_shape=[jax.ShapeDtypeStruct((_N, Fi), jnp.float32),
                   jax.ShapeDtypeStruct((_N, Fo), jnp.float32)],
    )(p, pcnt, z, wr, b)


def _final_body(p_ref, c_ref, z3_ref, w_ref, o_ref):
    mean = (p_ref[0] + p_ref[1]) * _inv_cnt(c_ref)
    o_ref[...] = lax.dot_general(mean, w_ref[...], _DN,
                                 preferred_element_type=jnp.float32) + z3_ref[...]


def _final_call(p, pcnt, z3, wl):
    Fi, Fo = wl.shape
    return pl.pallas_call(
        _final_body,
        grid=(-(-_N // _BR),),
        in_specs=[
            pl.BlockSpec((_NC, _BR, Fi), lambda i: (0, i, 0)),
            pl.BlockSpec((_NW, _BR), lambda i: (0, i)),
            pl.BlockSpec((_BR, Fo), lambda i: (i, 0)),
            pl.BlockSpec((Fi, Fo), lambda i: (0, 0)),
        ],
        out_specs=pl.BlockSpec((_BR, Fo), lambda i: (i, 0)),
        out_shape=jax.ShapeDtypeStruct((_N, Fo), jnp.float32),
    )(p, pcnt, z3, wl)


def kernel(x, edge_index, Wl1, bl1, Wr1, Wl2, bl2, Wr2, Wl3, bl3, Wr3):
    src = edge_index[0].astype(jnp.int32)
    dst = edge_index[1].astype(jnp.int32)
    s0 = src[:_E0].reshape(_NS, _SRCW)
    s1 = jnp.concatenate(
        [src[_E0:].reshape(_NS, _E1PT),
         jnp.zeros((_NS, _SRCW - _E1PT), jnp.int32)], axis=1)
    srcp = jnp.concatenate([s0, s1], axis=0)
    d0 = dst[:_E0].reshape(_NS, _CPT0, _CH)
    d1 = jnp.concatenate(
        [dst[_E0:].reshape(_NS, _E1PT),
         jnp.full((_NS, _SRCW - _E1PT), _N, jnp.int32)],
        axis=1).reshape(_NS, _CPT0, _CH)
    dstp = jnp.concatenate([d0, d1], axis=0)

    w1 = jnp.concatenate([Wl1, Wr1], axis=1)
    w2 = jnp.concatenate([Wl2, Wr2], axis=1)
    b1, b2, b3 = (b.reshape(1, -1) for b in (bl1, bl2, bl3))

    pcnt = _count_call()(dstp)
    y1, z1 = _prep_call(x, w1, b1)
    p1 = _seg_sum_call(128)(y1, srcp, dstp)
    y2, z2 = _mid_call(p1, pcnt, z1, w2, b2)
    p2 = _seg_sum_call(128)(y2, srcp, dstp)
    h2, z3 = _mid2_call(p2, pcnt, z2, Wr3, b3)
    p3 = _seg_sum_call(128)(h2, srcp, dstp)
    return _final_call(p3, pcnt, z3, Wl3)

# --- scband reference (transcript-rebuilt; emitter-appended) ---
"""Pipeline reference for scband-graph-sage-60997125538331 (READ-ONLY COPY).

The authoritative reference and input builder live on the scoring server;
editing this copy changes nothing except your own understanding.
"""

import jax, jax.numpy as jnp
import numpy as np

N_NODES = 10000
N_EDGES = 320000


def _sage_conv(x, src, dst, Wl, bl, Wr, num_nodes):
    # PyG SAGEConv (mean aggregation, flow source->target):
    # out = lin_l(mean_{j in N(i)} x_j) + lin_r(x_i)
    msgs = x[src]  # gather source node features per edge
    agg = jax.ops.segment_sum(msgs, dst, num_segments=num_nodes)
    cnt = jax.ops.segment_sum(jnp.ones((msgs.shape[0],), dtype=x.dtype), dst, num_segments=num_nodes)
    mean = agg / jnp.clip(cnt, 1.0, None)[:, None]
    return mean @ Wl + bl + x @ Wr


def setup_inputs(seed: int = 0) -> dict:
    key = jax.random.key(seed)
    ks = [jax.random.fold_in(key, i) for i in range(16)]
    x = jax.random.normal(ks[0], (N_NODES, 128), dtype=jnp.float32)
    edge_index = jax.random.randint(ks[1], (2, N_EDGES), 0, N_NODES, dtype=jnp.int64)
    def lin(k, fi, fo):
        return jax.random.normal(k, (fi, fo), dtype=jnp.float32) * (1.0 / np.sqrt(fi))
    inp = {
        "x": x,
        "edge_index": edge_index,
        "Wl1": lin(ks[2], 128, 128), "bl1": jnp.zeros((128,), dtype=jnp.float32), "Wr1": lin(ks[3], 128, 128),
        "Wl2": lin(ks[4], 128, 128), "bl2": jnp.zeros((128,), dtype=jnp.float32), "Wr2": lin(ks[5], 128, 128),
        "Wl3": lin(ks[6], 128, 64), "bl3": jnp.zeros((64,), dtype=jnp.float32), "Wr3": lin(ks[7], 128, 64),
    }
    return inp


def reference(x, edge_index, Wl1, bl1, Wr1, Wl2, bl2, Wr2, Wl3, bl3, Wr3):
    src = edge_index[0]
    dst = edge_index[1]
    n = x.shape[0]
    # layer 1 + relu (dropout is identity in eval mode)
    h = _sage_conv(x, src, dst, Wl1, bl1, Wr1, n)
    h = jax.nn.relu(h)
    # layer 2 + relu
    h = _sage_conv(h, src, dst, Wl2, bl2, Wr2, n)
    h = jax.nn.relu(h)
    # output layer
    out = _sage_conv(h, src, dst, Wl3, bl3, Wr3, n)
    return out

if __name__ == "__main__":
    import jax
    _d = setup_inputs()
    print(jax.jit(kernel)(*tuple(_d.values())))

</pallas_src>

<mosaic_0001>
#map = affine_map<(d0, d1) -> (0, 0)>
#map1 = affine_map<(d0, d1) -> (0, 0, 0)>
module attributes {stable_mosaic.version = 14 : i64} {
  func.func @body(%arg0: i32, %arg1: i32, %arg2: memref<10000x128xf32, #tpu.memory_space<hbm>>, %arg3: memref<32x11136xi32, #tpu.memory_space<hbm>>, %arg4: memref<32x174x64xi32, #tpu.memory_space<hbm>>, %arg5: memref<2x10112x128xf32, #tpu.memory_space<hbm>>, %arg6: memref<11136xi32, #tpu.memory_space<vmem>>, %arg7: memref<174x64xi32, #tpu.memory_space<vmem>>, %arg8: memref<64x128xf32, #tpu.memory_space<vmem>>, %arg9: memref<64x128xf32, #tpu.memory_space<vmem>>, %arg10: memref<10112x128xf32, #tpu.memory_space<vmem_shared>>, %arg11: memref<!tpu.dma_semaphore, #tpu.memory_space<semaphore_mem>>, %arg12: memref<!tpu.dma_semaphore, #tpu.memory_space<semaphore_mem>>, %arg13: memref<!tpu.dma_semaphore, #tpu.memory_space<semaphore_mem>>, %arg14: memref<!tpu.dma_semaphore, #tpu.memory_space<semaphore_mem>>) attributes {dimension_semantics = [#tpu.dimension_semantics<core_parallel>, #tpu.dimension_semantics<subcore_parallel>], iteration_bounds = array<i64: 2, 16>, scalar_prefetch = 0 : i64, scratch_operands = 9 : i64, tpu.core_type = #tpu.core_type<sc_vector_subcore>, window_params = [{transform_indices = #map}, {transform_indices = #map}, {transform_indices = #map1}, {transform_indices = #map1}]} {
    %mul3A = arith.constant 16 : i32
    %mul3A_0 = arith.muli %arg0, %mul3A : i32
    %add3A = arith.addi %mul3A_0, %arg1 : i32
    %eq3A = arith.constant 0 : i32
    %eq3A_1 = arith.cmpi eq, %arg0, %eq3A : i32
    %jit3A = arith.constant 174 : i32
    %jit3A_2 = arith.constant 140 : i32
    %select_n3A = arith.select %eq3A_1, %jit3A, %jit3A_2 : i32
    %eq3A_3 = arith.constant 0 : i32
    %eq3A_4 = arith.cmpi eq, %arg0, %eq3A_3 : i32
    %jit3A_5 = arith.constant 86 : i32
    %jit3A_6 = arith.constant 69 : i32
    %select_n3A_7 = arith.select %eq3A_4, %jit3A_5, %jit3A_6 : i32
    %scan3A = arith.constant 0 : i32
    %scan3A_8 = arith.constant 64 : i32
    %scan3A_9 = arith.addi %scan3A, %scan3A_8 : i32
    %scan3A_10 = arith.constant 1 : i32
    scf.for %scan3A_63 = %scan3A to %scan3A_9 step %scan3A_10  : i32 {
      %mul3A_64 = arith.constant 1 : i32
      %mul3A_65 = arith.muli %scan3A_63, %mul3A_64 : i32
      %add3A_66 = arith.constant 0 : i32
      %add3A_67 = arith.addi %add3A_66, %mul3A_65 : i32
      %scan3A_68 = arith.constant 0 : i32
      %scan3A_69 = arith.constant 8 : i32
      %scan3A_70 = arith.addi %scan3A_68, %scan3A_69 : i32
      %scan3A_71 = arith.constant 1 : i32
      scf.for %scan3A_73 = %scan3A_68 to %scan3A_70 step %scan3A_71  : i32 {
        %mul3A_74 = arith.constant 16 : i32
        %mul3A_75 = arith.muli %scan3A_73, %mul3A_74 : i32
        %add3A_76 = arith.constant 0 : i32
        %add3A_77 = arith.addi %add3A_76, %mul3A_75 : i32
        %broadcast_in_dim3A = arith.constant 0.000000e+00 : f32
        %broadcast_in_dim3A_78 = vector.broadcast %broadcast_in_dim3A : f32 to vector<16xf32>
        %swap3A = arith.index_cast %add3A_67 : i32 to index
        %swap3A_79 = arith.index_cast %add3A_77 : i32 to index
        %swap3A_80 = tpu.vector_load %arg8[%swap3A, %swap3A_79] {strides = array<i32>} : memref<64x128xf32, #tpu.memory_space<vmem>>, vector<1x16xf32>,
        %swap3A_81 = vector.shape_cast %swap3A_80 : vector<1x16xf32> to vector<16xf32>
        %swap3A_82 = vector.shape_cast %broadcast_in_dim3A_78 : vector<16xf32> to vector<1x16xf32>
        tpu.vector_store %arg8[%swap3A, %swap3A_79], %swap3A_82 {strides = array<i32>} : memref<64x128xf32, #tpu.memory_space<vmem>>, vector<1x16xf32>,
      }
      %scan3A_72 = arith.constant 8 : i32
    }
    %scan3A_11 = arith.constant 64 : i32
    %scan3A_12 = arith.constant 0 : i32
    %scan3A_13 = arith.constant 9 : i32
    %scan3A_14 = arith.addi %scan3A_12, %scan3A_13 : i32
    %scan3A_15 = arith.constant 1 : i32
    scf.for %scan3A_63 = %scan3A_12 to %scan3A_14 step %scan3A_15  : i32 {
      %mul3A_64 = arith.constant 1 : i32
      %mul3A_65 = arith.muli %scan3A_63, %mul3A_64 : i32
      %add3A_66 = arith.constant 0 : i32
      %add3A_67 = arith.addi %add3A_66, %mul3A_65 : i32
      %mul3A_68 = arith.constant 632 : i32
      %mul3A_69 = arith.muli %arg1, %mul3A_68 : i32
      %mul3A_70 = arith.constant 64 : i32
      %mul3A_71 = arith.muli %add3A_67, %mul3A_70 : i32
      %add3A_72 = arith.addi %mul3A_69, %mul3A_71 : i32
      "tpu.region"() ({
        %run_scoped3A = tpu.sem_alloc : memref<!tpu.dma_semaphore, #tpu.memory_space<semaphore_mem>>
        %dma_start3A_73 = arith.constant 0 : i32
        %dma_start3A_74 = tpu.memref_slice %arg10[%add3A_72, %dma_start3A_73] : memref<10112x128xf32, #tpu.memory_space<vmem_shared>> -> memref<64x128xf32, #tpu.memory_space<vmem_shared>>
        %dma_start3A_75 = arith.constant 0 : i32
        %dma_start3A_76 = tpu.memref_slice %arg10[%add3A_72, %dma_start3A_75] : memref<10112x128xf32, #tpu.memory_space<vmem_shared>> -> memref<64x128xf32, #tpu.memory_space<vmem_shared>>
        tpu.enqueue_dma source(%arg8 : memref<64x128xf32, #tpu.memory_space<vmem>>) target(%dma_start3A_76 : memref<64x128xf32, #tpu.memory_space<vmem_shared>>) target_semaphore(%run_scoped3A : memref<!tpu.dma_semaphore, #tpu.memory_space<semaphore_mem>>)
        %dma_wait3A_77 = arith.constant 0 : i32
        %dma_wait3A_78 = tpu.memref_slice %arg10[%add3A_72, %dma_wait3A_77] : memref<10112x128xf32, #tpu.memory_space<vmem_shared>> -> memref<64x128xf32, #tpu.memory_space<vmem_shared>>
        %dma_wait3A_79 = arith.constant 0 : i32
        %dma_wait3A_80 = tpu.memref_slice %arg10[%add3A_72, %dma_wait3A_79] : memref<10112x128xf32, #tpu.memory_space<vmem_shared>> -> memref<64x128xf32, #tpu.memory_space<vmem_shared>>
        tpu.wait_dma2 semaphore(%run_scoped3A : memref<!tpu.dma_semaphore, #tpu.memory_space<semaphore_mem>>) src(%arg8 : memref<64x128xf32, #tpu.memory_space<vmem>>) dst(%dma_wait3A_80 : memref<64x128xf32, #tpu.memory_space<vmem_shared>>)
        tpu.yield
      }) : () -> ()
    }
    %scan3A_16 = arith.constant 9 : i32
    %mul3A_17 = arith.constant 632 : i32
    %mul3A_18 = arith.muli %arg1, %mul3A_17 : i32
    %add3A_19 = arith.constant 632 : i32
    %add3A_20 = arith.addi %mul3A_18, %add3A_19 : i32
    %sub3A = arith.constant 56 : i32
    %sub3A_21 = arith.subi %add3A_20, %sub3A : i32
    "tpu.region"() ({
      %run_scoped3A = tpu.sem_alloc : memref<!tpu.dma_semaphore, #tpu.memory_space<semaphore_mem>>
      %dma_start3A_63 = arith.constant 0 : i32
      %dma_start3A_64 = arith.constant 0 : i32
      %dma_start3A_65 = tpu.memref_slice %arg8[%dma_start3A_63, %dma_start3A_64] : memref<64x128xf32, #tpu.memory_space<vmem>> -> memref<56x128xf32, #tpu.memory_space<vmem>>
      %dma_start3A_66 = arith.constant 0 : i32
      %dma_start3A_67 = tpu.memref_slice %arg10[%sub3A_21, %dma_start3A_66] : memref<10112x128xf32, #tpu.memory_space<vmem_shared>> -> memref<56x128xf32, #tpu.memory_space<vmem_shared>>
      %dma_start3A_68 = arith.constant 0 : i32
      %dma_start3A_69 = tpu.memref_slice %arg10[%sub3A_21, %dma_start3A_68] : memref<10112x128xf32, #tpu.memory_space<vmem_shared>> -> memref<56x128xf32, #tpu.memory_space<vmem_shared>>
      %dma_start3A_70 = arith.constant 0 : i32
      %dma_start3A_71 = arith.constant 0 : i32
      %dma_start3A_72 = tpu.memref_slice %arg8[%dma_start3A_70, %dma_start3A_71] : memref<64x128xf32, #tpu.memory_space<vmem>> -> memref<56x128xf32, #tpu.memory_space<vmem>>
      tpu.enqueue_dma source(%dma_start3A_72 : memref<56x128xf32, #tpu.memory_space<vmem>>) target(%dma_start3A_69 : memref<56x128xf32, #tpu.memory_space<vmem_shared>>) target_semaphore(%run_scoped3A : memref<!tpu.dma_semaphore, #tpu.memory_space<semaphore_mem>>)
      %dma_wait3A_73 = arith.constant 0 : i32
      %dma_wait3A_74 = arith.constant 0 : i32
      %dma_wait3A_75 = tpu.memref_slice %arg8[%dma_wait3A_73, %dma_wait3A_74] : memref<64x128xf32, #tpu.memory_space<vmem>> -> memref<56x128xf32, #tpu.memory_space<vmem>>
      %dma_wait3A_76 = arith.constant 0 : i32
      %dma_wait3A_77 = tpu.memref_slice %arg10[%sub3A_21, %dma_wait3A_76] : memref<10112x128xf32, #tpu.memory_space<vmem_shared>> -> memref<56x128xf32, #tpu.memory_space<vmem_shared>>
      %dma_wait3A_78 = arith.constant 0 : i32
      %dma_wait3A_79 = tpu.memref_slice %arg10[%sub3A_21, %dma_wait3A_78] : memref<10112x128xf32, #tpu.memory_space<vmem_shared>> -> memref<56x128xf32, #tpu.memory_space<vmem_shared>>
      %dma_wait3A_80 = arith.constant 0 : i32
      %dma_wait3A_81 = arith.constant 0 : i32
      %dma_wait3A_82 = tpu.memref_slice %arg8[%dma_wait3A_80, %dma_wait3A_81] : memref<64x128xf32, #tpu.memory_space<vmem>> -> memref<56x128xf32, #tpu.memory_space<vmem>>
      tpu.wait_dma2 semaphore(%run_scoped3A : memref<!tpu.dma_semaphore, #tpu.memory_space<semaphore_mem>>) src(%dma_wait3A_82 : memref<56x128xf32, #tpu.memory_space<vmem>>) dst(%dma_wait3A_79 : memref<56x128xf32, #tpu.memory_space<vmem_shared>>)
      tpu.yield
    }) : () -> ()
    "tpu.region"() ({
      %run_scoped3A = tpu.sem_alloc : memref<!tpu.dma_semaphore, #tpu.memory_space<semaphore_mem>>
      %dma_start3A_63 = arith.constant 0 : i32
      %dma_start3A_64 = tpu.memref_slice %arg3[%add3A, %dma_start3A_63] : memref<32x11136xi32, #tpu.memory_space<hbm>> -> memref<1x11136xi32, #tpu.memory_space<hbm>>
      %dma_start3A_65 = tpu.memref_squeeze %dma_start3A_64 : memref<1x11136xi32, #tpu.memory_space<hbm>> -> memref<11136xi32, #tpu.memory_space<hbm>>
      %dma_start3A_66 = arith.constant 0 : i32
      %dma_start3A_67 = tpu.memref_slice %arg3[%add3A, %dma_start3A_66] : memref<32x11136xi32, #tpu.memory_space<hbm>> -> memref<1x11136xi32, #tpu.memory_space<hbm>>
      %dma_start3A_68 = tpu.memref_squeeze %dma_start3A_67 : memref<1x11136xi32, #tpu.memory_space<hbm>> -> memref<11136xi32, #tpu.memory_space<hbm>>
      tpu.enqueue_dma source(%dma_start3A_68 : memref<11136xi32, #tpu.memory_space<hbm>>) target(%arg6 : memref<11136xi32, #tpu.memory_space<vmem>>) target_semaphore(%run_scoped3A : memref<!tpu.dma_semaphore, #tpu.memory_space<semaphore_mem>>)
      %dma_wait3A_69 = arith.constant 0 : i32
      %dma_wait3A_70 = tpu.memref_slice %arg3[%add3A, %dma_wait3A_69] : memref<32x11136xi32, #tpu.memory_space<hbm>> -> memref<1x11136xi32, #tpu.memory_space<hbm>>
      %dma_wait3A_71 = tpu.memref_squeeze %dma_wait3A_70 : memref<1x11136xi32, #tpu.memory_space<hbm>> -> memref<11136xi32, #tpu.memory_space<hbm>>
      %dma_wait3A_72 = arith.constant 0 : i32
      %dma_wait3A_73 = tpu.memref_slice %arg3[%add3A, %dma_wait3A_72] : memref<32x11136xi32, #tpu.memory_space<hbm>> -> memref<1x11136xi32, #tpu.memory_space<hbm>>
      %dma_wait3A_74 = tpu.memref_squeeze %dma_wait3A_73 : memref<1x11136xi32, #tpu.memory_space<hbm>> -> memref<11136xi32, #tpu.memory_space<hbm>>
      tpu.wait_dma2 semaphore(%run_scoped3A : memref<!tpu.dma_semaphore, #tpu.memory_space<semaphore_mem>>) src(%dma_wait3A_74 : memref<11136xi32, #tpu.memory_space<hbm>>) dst(%arg6 : memref<11136xi32, #tpu.memory_space<vmem>>)
      tpu.yield
    }) : () -> ()
    "tpu.region"() ({
      %run_scoped3A = tpu.sem_alloc : memref<!tpu.dma_semaphore, #tpu.memory_space<semaphore_mem>>
      %dma_start3A_63 = arith.constant 0 : i32
      %dma_start3A_64 = arith.constant 0 : i32
      %dma_start3A_65 = tpu.memref_slice %arg4[%add3A, %dma_start3A_63, %dma_start3A_64] : memref<32x174x64xi32, #tpu.memory_space<hbm>> -> memref<1x174x64xi32, #tpu.memory_space<hbm>>
      %dma_start3A_66 = tpu.memref_squeeze %dma_start3A_65 : memref<1x174x64xi32, #tpu.memory_space<hbm>> -> memref<174x64xi32, #tpu.memory_space<hbm>>
      %dma_start3A_67 = arith.constant 0 : i32
      %dma_start3A_68 = arith.constant 0 : i32
      %dma_start3A_69 = tpu.memref_slice %arg4[%add3A, %dma_start3A_67, %dma_start3A_68] : memref<32x174x64xi32, #tpu.memory_space<hbm>> -> memref<1x174x64xi32, #tpu.memory_space<hbm>>
      %dma_start3A_70 = tpu.memref_squeeze %dma_start3A_69 : memref<1x174x64xi32, #tpu.memory_space<hbm>> -> memref<174x64xi32, #tpu.memory_space<hbm>>
      tpu.enqueue_dma source(%dma_start3A_70 : memref<174x64xi32, #tpu.memory_space<hbm>>) target(%arg7 : memref<174x64xi32, #tpu.memory_space<vmem>>) target_semaphore(%run_scoped3A : memref<!tpu.dma_semaphore, #tpu.memory_space<semaphore_mem>>)
      %dma_wait3A_71 = arith.constant 0 : i32
      %dma_wait3A_72 = arith.constant 0 : i32
      %dma_wait3A_73 = tpu.memref_slice %arg4[%add3A, %dma_wait3A_71, %dma_wait3A_72] : memref<32x174x64xi32, #tpu.memory_space<hbm>> -> memref<1x174x64xi32, #tpu.memory_space<hbm>>
      %dma_wait3A_74 = tpu.memref_squeeze %dma_wait3A_73 : memref<1x174x64xi32, #tpu.memory_space<hbm>> -> memref<174x64xi32, #tpu.memory_space<hbm>>
      %dma_wait3A_75 = arith.constant 0 : i32
      %dma_wait3A_76 = arith.constant 0 : i32
      %dma_wait3A_77 = tpu.memref_slice %arg4[%add3A, %dma_wait3A_75, %dma_wait3A_76] : memref<32x174x64xi32, #tpu.memory_space<hbm>> -> memref<1x174x64xi32, #tpu.memory_space<hbm>>
      %dma_wait3A_78 = tpu.memref_squeeze %dma_wait3A_77 : memref<1x174x64xi32, #tpu.memory_space<hbm>> -> memref<174x64xi32, #tpu.memory_space<hbm>>
      tpu.wait_dma2 semaphore(%run_scoped3A : memref<!tpu.dma_semaphore, #tpu.memory_space<semaphore_mem>>) src(%dma_wait3A_78 : memref<174x64xi32, #tpu.memory_space<hbm>>) dst(%arg7 : memref<174x64xi32, #tpu.memory_space<vmem>>)
      tpu.yield
    }) : () -> ()
    %barrier3A = arith.constant 0 : index
    tpu.barrier barrier_id(%barrier3A)
    %multiple_of3A = arith.constant 0 : i32
    %multiple_of3A_22 = tpu.assume_multiple %multiple_of3A, 64 : i32
    %dma_start3A = tpu.memref_slice %arg6[%multiple_of3A_22] : memref<11136xi32, #tpu.memory_space<vmem>> -> memref<64xi32, #tpu.memory_space<vmem>>
    %dma_start3A_23 = arith.constant 0 : i32
    %dma_start3A_24 = arith.constant 0 : i32
    %dma_start3A_25 = tpu.memref_slice %arg2[%dma_start3A_23, %dma_start3A_24] : memref<10000x128xf32, #tpu.memory_space<hbm>> -> memref<10000x128xf32, #tpu.memory_space<hbm>>
    tpu.enqueue_indirect_dma source(%dma_start3A_25 : memref<10000x128xf32, #tpu.memory_space<hbm>>) target(%arg8 : memref<64x128xf32, #tpu.memory_space<vmem>>) offsets(%dma_start3A : memref<64xi32, #tpu.memory_space<vmem>>) semaphore(%arg11 : memref<!tpu.dma_semaphore, #tpu.memory_space<semaphore_mem>>)
    %multiple_of3A_26 = arith.constant 64 : i32
    %multiple_of3A_27 = tpu.assume_multiple %multiple_of3A_26, 64 : i32
    %dma_start3A_28 = tpu.memref_slice %arg6[%multiple_of3A_27] : memref<11136xi32, #tpu.memory_space<vmem>> -> memref<64xi32, #tpu.memory_space<vmem>>
    %dma_start3A_29 = arith.constant 0 : i32
    %dma_start3A_30 = arith.constant 0 : i32
    %dma_start3A_31 = tpu.memref_slice %arg2[%dma_start3A_29, %dma_start3A_30] : memref<10000x128xf32, #tpu.memory_space<hbm>> -> memref<10000x128xf32, #tpu.memory_space<hbm>>
    tpu.enqueue_indirect_dma source(%dma_start3A_31 : memref<10000x128xf32, #tpu.memory_space<hbm>>) target(%arg9 : memref<64x128xf32, #tpu.memory_space<vmem>>) offsets(%dma_start3A_28 : memref<64xi32, #tpu.memory_space<vmem>>) semaphore(%arg12 : memref<!tpu.dma_semaphore, #tpu.memory_space<semaphore_mem>>)
    %scan3A_32 = arith.constant 0 : i32
    %scan3A_33 = arith.constant 86 : i32
    %scan3A_34 = arith.addi %scan3A_32, %scan3A_33 : i32
    %scan3A_35 = arith.constant 1 : i32
    scf.for %scan3A_63 = %scan3A_32 to %scan3A_34 step %scan3A_35  : i32 {
      %mul3A_64 = arith.constant 1 : i32
      %mul3A_65 = arith.muli %scan3A_63, %mul3A_64 : i32
      %add3A_66 = arith.constant 0 : i32
      %add3A_67 = arith.addi %add3A_66, %mul3A_65 : i32
      %lt3A = arith.cmpi slt, %add3A_67, %select_n3A_7 : i32
      %convert_element_type3A = arith.extui %lt3A : i1 to i32
      %cond3A = arith.constant 0 : i32
      %cond3A_68 = arith.cmpi ne, %convert_element_type3A, %cond3A : i32
      scf.if %cond3A_68 {
        %mul3A_69 = arith.constant 2 : i32
        %mul3A_70 = arith.muli %add3A_67, %mul3A_69 : i32
        %mul3A_71 = arith.constant 64 : i32
        %mul3A_72 = arith.muli %mul3A_70, %mul3A_71 : i32
        %multiple_of3A_73 = tpu.assume_multiple %mul3A_72, 64 : i32
        %dma_wait3A_74 = tpu.memref_slice %arg6[%multiple_of3A_73] : memref<11136xi32, #tpu.memory_space<vmem>> -> memref<64xi32, #tpu.memory_space<vmem>>
        %dma_wait3A_75 = arith.constant 0 : i32
        %dma_wait3A_76 = arith.constant 0 : i32
        %dma_wait3A_77 = tpu.memref_slice %arg2[%dma_wait3A_75, %dma_wait3A_76] : memref<10000x128xf32, #tpu.memory_space<hbm>> -> memref<10000x128xf32, #tpu.memory_space<hbm>>
        tpu.wait_indirect_dma semaphore(%arg11 : memref<!tpu.dma_semaphore, #tpu.memory_space<semaphore_mem>>) src(%dma_wait3A_77 : memref<10000x128xf32, #tpu.memory_space<hbm>>) dst(%arg8 : memref<64x128xf32, #tpu.memory_space<vmem>>)
        "tpu.region"() ({
          %run_scoped3A = tpu.sem_alloc : memref<!tpu.dma_semaphore, #tpu.memory_space<semaphore_mem>>
          %dma_start3A_107 = arith.constant 0 : i32
          %dma_start3A_108 = tpu.memref_slice %arg7[%mul3A_70, %dma_start3A_107] : memref<174x64xi32, #tpu.memory_space<vmem>> -> memref<1x64xi32, #tpu.memory_space<vmem>>
          %dma_start3A_109 = tpu.memref_squeeze %dma_start3A_108 : memref<1x64xi32, #tpu.memory_space<vmem>> -> memref<64xi32, #tpu.memory_space<vmem>>
          %dma_start3A_110 = arith.constant 0 : i32
          %dma_start3A_111 = arith.constant 0 : i32
          %dma_start3A_112 = tpu.memref_slice %arg10[%dma_start3A_110, %dma_start3A_111] : memref<10112x128xf32, #tpu.memory_space<vmem_shared>> -> memref<10112x128xf32, #tpu.memory_space<vmem_shared>>
          tpu.enqueue_indirect_dma source(%arg8 : memref<64x128xf32, #tpu.memory_space<vmem>>) target(%dma_start3A_112 : memref<10112x128xf32, #tpu.memory_space<vmem_shared>>) offsets(%dma_start3A_109 : memref<64xi32, #tpu.memory_space<vmem>>) semaphore(%run_scoped3A : memref<!tpu.dma_semaphore, #tpu.memory_space<semaphore_mem>>) {add = true}
          %dma_wait3A_113 = arith.constant 0 : i32
          %dma_wait3A_114 = tpu.memref_slice %arg7[%mul3A_70, %dma_wait3A_113] : memref<174x64xi32, #tpu.memory_space<vmem>> -> memref<1x64xi32, #tpu.memory_space<vmem>>
          %dma_wait3A_115 = tpu.memref_squeeze %dma_wait3A_114 : memref<1x64xi32, #tpu.memory_space<vmem>> -> memref<64xi32, #tpu.memory_space<vmem>>
          %dma_wait3A_116 = arith.constant 0 : i32
          %dma_wait3A_117 = arith.constant 0 : i32
          %dma_wait3A_118 = tpu.memref_slice %arg10[%dma_wait3A_116, %dma_wait3A_117] : memref<10112x128xf32, #tpu.memory_space<vmem_shared>> -> memref<10112x128xf32, #tpu.memory_space<vmem_shared>>
          tpu.wait_indirect_dma semaphore(%run_scoped3A : memref<!tpu.dma_semaphore, #tpu.memory_space<semaphore_mem>>) src(%arg8 : memref<64x128xf32, #tpu.memory_space<vmem>>) dst(%dma_wait3A_118 : memref<10112x128xf32, #tpu.memory_space<vmem_shared>>)
          tpu.yield
        }) : () -> ()
        %add3A_78 = arith.constant 2 : i32
        %add3A_79 = arith.addi %mul3A_70, %add3A_78 : i32
        %mul3A_80 = arith.constant 64 : i32
        %mul3A_81 = arith.muli %add3A_79, %mul3A_80 : i32
        %multiple_of3A_82 = tpu.assume_multiple %mul3A_81, 64 : i32
        %dma_start3A_83 = tpu.memref_slice %arg6[%multiple_of3A_82] : memref<11136xi32, #tpu.memory_space<vmem>> -> memref<64xi32, #tpu.memory_space<vmem>>
        %dma_start3A_84 = arith.constant 0 : i32
        %dma_start3A_85 = arith.constant 0 : i32
        %dma_start3A_86 = tpu.memref_slice %arg2[%dma_start3A_84, %dma_start3A_85] : memref<10000x128xf32, #tpu.memory_space<hbm>> -> memref<10000x128xf32, #tpu.memory_space<hbm>>
        tpu.enqueue_indirect_dma source(%dma_start3A_86 : memref<10000x128xf32, #tpu.memory_space<hbm>>) target(%arg8 : memref<64x128xf32, #tpu.memory_space<vmem>>) offsets(%dma_start3A_83 : memref<64xi32, #tpu.memory_space<vmem>>) semaphore(%arg11 : memref<!tpu.dma_semaphore, #tpu.memory_space<semaphore_mem>>)
        %add3A_87 = arith.constant 1 : i32
        %add3A_88 = arith.addi %mul3A_70, %add3A_87 : i32
        %mul3A_89 = arith.constant 64 : i32
        %mul3A_90 = arith.muli %add3A_88, %mul3A_89 : i32
        %multiple_of3A_91 = tpu.assume_multiple %mul3A_90, 64 : i32
        %dma_wait3A_92 = tpu.memref_slice %arg6[%multiple_of3A_91] : memref<11136xi32, #tpu.memory_space<vmem>> -> memref<64xi32, #tpu.memory_space<vmem>>
        %dma_wait3A_93 = arith.constant 0 : i32
        %dma_wait3A_94 = arith.constant 0 : i32
        %dma_wait3A_95 = tpu.memref_slice %arg2[%dma_wait3A_93, %dma_wait3A_94] : memref<10000x128xf32, #tpu.memory_space<hbm>> -> memref<10000x128xf32, #tpu.memory_space<hbm>>
        tpu.wait_indirect_dma semaphore(%arg12 : memref<!tpu.dma_semaphore, #tpu.memory_space<semaphore_mem>>) src(%dma_wait3A_95 : memref<10000x128xf32, #tpu.memory_space<hbm>>) dst(%arg9 : memref<64x128xf32, #tpu.memory_space<vmem>>)
        %add3A_96 = arith.constant 1 : i32
        %add3A_97 = arith.addi %mul3A_70, %add3A_96 : i32
        "tpu.region"() ({
          %run_scoped3A = tpu.sem_alloc : memref<!tpu.dma_semaphore, #tpu.memory_space<semaphore_mem>>
          %dma_start3A_107 = arith.constant 0 : i32
          %dma_start3A_108 = tpu.memref_slice %arg7[%add3A_97, %dma_start3A_107] : memref<174x64xi32, #tpu.memory_space<vmem>> -> memref<1x64xi32, #tpu.memory_space<vmem>>
          %dma_start3A_109 = tpu.memref_squeeze %dma_start3A_108 : memref<1x64xi32, #tpu.memory_space<vmem>> -> memref<64xi32, #tpu.memory_space<vmem>>
          %dma_start3A_110 = arith.constant 0 : i32
          %dma_start3A_111 = arith.constant 0 : i32
          %dma_start3A_112 = tpu.memref_slice %arg10[%dma_start3A_110, %dma_start3A_111] : memref<10112x128xf32, #tpu.memory_space<vmem_shared>> -> memref<10112x128xf32, #tpu.memory_space<vmem_shared>>
          tpu.enqueue_indirect_dma source(%arg9 : memref<64x128xf32, #tpu.memory_space<vmem>>) target(%dma_start3A_112 : memref<10112x128xf32, #tpu.memory_space<vmem_shared>>) offsets(%dma_start3A_109 : memref<64xi32, #tpu.memory_space<vmem>>) semaphore(%run_scoped3A : memref<!tpu.dma_semaphore, #tpu.memory_space<semaphore_mem>>) {add = true}
          %dma_wait3A_113 = arith.constant 0 : i32
          %dma_wait3A_114 = tpu.memref_slice %arg7[%add3A_97, %dma_wait3A_113] : memref<174x64xi32, #tpu.memory_space<vmem>> -> memref<1x64xi32, #tpu.memory_space<vmem>>
          %dma_wait3A_115 = tpu.memref_squeeze %dma_wait3A_114 : memref<1x64xi32, #tpu.memory_space<vmem>> -> memref<64xi32, #tpu.memory_space<vmem>>
          %dma_wait3A_116 = arith.constant 0 : i32
          %dma_wait3A_117 = arith.constant 0 : i32
          %dma_wait3A_118 = tpu.memref_slice %arg10[%dma_wait3A_116, %dma_wait3A_117] : memref<10112x128xf32, #tpu.memory_space<vmem_shared>> -> memref<10112x128xf32, #tpu.memory_space<vmem_shared>>
          tpu.wait_indirect_dma semaphore(%run_scoped3A : memref<!tpu.dma_semaphore, #tpu.memory_space<semaphore_mem>>) src(%arg9 : memref<64x128xf32, #tpu.memory_space<vmem>>) dst(%dma_wait3A_118 : memref<10112x128xf32, #tpu.memory_space<vmem_shared>>)
          tpu.yield
        }) : () -> ()
        %add3A_98 = arith.constant 3 : i32
        %add3A_99 = arith.addi %mul3A_70, %add3A_98 : i32
        %mul3A_100 = arith.constant 64 : i32
        %mul3A_101 = arith.muli %add3A_99, %mul3A_100 : i32
        %multiple_of3A_102 = tpu.assume_multiple %mul3A_101, 64 : i32
        %dma_start3A_103 = tpu.memref_slice %arg6[%multiple_of3A_102] : memref<11136xi32, #tpu.memory_space<vmem>> -> memref<64xi32, #tpu.memory_space<vmem>>
        %dma_start3A_104 = arith.constant 0 : i32
        %dma_start3A_105 = arith.constant 0 : i32
        %dma_start3A_106 = tpu.memref_slice %arg2[%dma_start3A_104, %dma_start3A_105] : memref<10000x128xf32, #tpu.memory_space<hbm>> -> memref<10000x128xf32, #tpu.memory_space<hbm>>
        tpu.enqueue_indirect_dma source(%dma_start3A_106 : memref<10000x128xf32, #tpu.memory_space<hbm>>) target(%arg9 : memref<64x128xf32, #tpu.memory_space<vmem>>) offsets(%dma_start3A_103 : memref<64xi32, #tpu.memory_space<vmem>>) semaphore(%arg12 : memref<!tpu.dma_semaphore, #tpu.memory_space<semaphore_mem>>)
      } else {
      }
    }
    %scan3A_36 = arith.constant 86 : i32
    %sub3A_37 = arith.constant 2 : i32
    %sub3A_38 = arith.subi %select_n3A, %sub3A_37 : i32
    %mul3A_39 = arith.constant 64 : i32
    %mul3A_40 = arith.muli %sub3A_38, %mul3A_39 : i32
    %multiple_of3A_41 = tpu.assume_multiple %mul3A_40, 64 : i32
    %dma_wait3A = tpu.memref_slice %arg6[%multiple_of3A_41] : memref<11136xi32, #tpu.memory_space<vmem>> -> memref<64xi32, #tpu.memory_space<vmem>>
    %dma_wait3A_42 = arith.constant 0 : i32
    %dma_wait3A_43 = arith.constant 0 : i32
    %dma_wait3A_44 = tpu.memref_slice %arg2[%dma_wait3A_42, %dma_wait3A_43] : memref<10000x128xf32, #tpu.memory_space<hbm>> -> memref<10000x128xf32, #tpu.memory_space<hbm>>
    tpu.wait_indirect_dma semaphore(%arg11 : memref<!tpu.dma_semaphore, #tpu.memory_space<semaphore_mem>>) src(%dma_wait3A_44 : memref<10000x128xf32, #tpu.memory_space<hbm>>) dst(%arg8 : memref<64x128xf32, #tpu.memory_space<vmem>>)
    %sub3A_45 = arith.constant 2 : i32
    %sub3A_46 = arith.subi %select_n3A, %sub3A_45 : i32
    "tpu.region"() ({
      %run_scoped3A = tpu.sem_alloc : memref<!tpu.dma_semaphore, #tpu.memory_space<semaphore_mem>>
      %dma_start3A_63 = arith.constant 0 : i32
      %dma_start3A_64 = tpu.memref_slice %arg7[%sub3A_46, %dma_start3A_63] : memref<174x64xi32, #tpu.memory_space<vmem>> -> memref<1x64xi32, #tpu.memory_space<vmem>>
      %dma_start3A_65 = tpu.memref_squeeze %dma_start3A_64 : memref<1x64xi32, #tpu.memory_space<vmem>> -> memref<64xi32, #tpu.memory_space<vmem>>
      %dma_start3A_66 = arith.constant 0 : i32
      %dma_start3A_67 = arith.constant 0 : i32
      %dma_start3A_68 = tpu.memref_slice %arg10[%dma_start3A_66, %dma_start3A_67] : memref<10112x128xf32, #tpu.memory_space<vmem_shared>> -> memref<10112x128xf32, #tpu.memory_space<vmem_shared>>
      tpu.enqueue_indirect_dma source(%arg8 : memref<64x128xf32, #tpu.memory_space<vmem>>) target(%dma_start3A_68 : memref<10112x128xf32, #tpu.memory_space<vmem_shared>>) offsets(%dma_start3A_65 : memref<64xi32, #tpu.memory_space<vmem>>) semaphore(%run_scoped3A : memref<!tpu.dma_semaphore, #tpu.memory_space<semaphore_mem>>) {add = true}
      %dma_wait3A_69 = arith.constant 0 : i32
      %dma_wait3A_70 = tpu.memref_slice %arg7[%sub3A_46, %dma_wait3A_69] : memref<174x64xi32, #tpu.memory_space<vmem>> -> memref<1x64xi32, #tpu.memory_space<vmem>>
      %dma_wait3A_71 = tpu.memref_squeeze %dma_wait3A_70 : memref<1x64xi32, #tpu.memory_space<vmem>> -> memref<64xi32, #tpu.memory_space<vmem>>
      %dma_wait3A_72 = arith.constant 0 : i32
      %dma_wait3A_73 = arith.constant 0 : i32
      %dma_wait3A_74 = tpu.memref_slice %arg10[%dma_wait3A_72, %dma_wait3A_73] : memref<10112x128xf32, #tpu.memory_space<vmem_shared>> -> memref<10112x128xf32, #tpu.memory_space<vmem_shared>>
      tpu.wait_indirect_dma semaphore(%run_scoped3A : memref<!tpu.dma_semaphore, #tpu.memory_space<semaphore_mem>>) src(%arg8 : memref<64x128xf32, #tpu.memory_space<vmem>>) dst(%dma_wait3A_74 : memref<10112x128xf32, #tpu.memory_space<vmem_shared>>)
      tpu.yield
    }) : () -> ()
    %sub3A_47 = arith.constant 1 : i32
    %sub3A_48 = arith.subi %select_n3A, %sub3A_47 : i32
    %mul3A_49 = arith.constant 64 : i32
    %mul3A_50 = arith.muli %sub3A_48, %mul3A_49 : i32
    %multiple_of3A_51 = tpu.assume_multiple %mul3A_50, 64 : i32
    %dma_wait3A_52 = tpu.memref_slice %arg6[%multiple_of3A_51] : memref<11136xi32, #tpu.memory_space<vmem>> -> memref<64xi32, #tpu.memory_space<vmem>>
    %dma_wait3A_53 = arith.constant 0 : i32
    %dma_wait3A_54 = arith.constant 0 : i32
    %dma_wait3A_55 = tpu.memref_slice %arg2[%dma_wait3A_53, %dma_wait3A_54] : memref<10000x128xf32, #tpu.memory_space<hbm>> -> memref<10000x128xf32, #tpu.memory_space<hbm>>
    tpu.wait_indirect_dma semaphore(%arg12 : memref<!tpu.dma_semaphore, #tpu.memory_space<semaphore_mem>>) src(%dma_wait3A_55 : memref<10000x128xf32, #tpu.memory_space<hbm>>) dst(%arg9 : memref<64x128xf32, #tpu.memory_space<vmem>>)
    %sub3A_56 = arith.constant 1 : i32
    %sub3A_57 = arith.subi %select_n3A, %sub3A_56 : i32
    "tpu.region"() ({
      %run_scoped3A = tpu.sem_alloc : memref<!tpu.dma_semaphore, #tpu.memory_space<semaphore_mem>>
      %dma_start3A_63 = arith.constant 0 : i32
      %dma_start3A_64 = tpu.memref_slice %arg7[%sub3A_57, %dma_start3A_63] : memref<174x64xi32, #tpu.memory_space<vmem>> -> memref<1x64xi32, #tpu.memory_space<vmem>>
      %dma_start3A_65 = tpu.memref_squeeze %dma_start3A_64 : memref<1x64xi32, #tpu.memory_space<vmem>> -> memref<64xi32, #tpu.memory_space<vmem>>
      %dma_start3A_66 = arith.constant 0 : i32
      %dma_start3A_67 = arith.constant 0 : i32
      %dma_start3A_68 = tpu.memref_slice %arg10[%dma_start3A_66, %dma_start3A_67] : memref<10112x128xf32, #tpu.memory_space<vmem_shared>> -> memref<10112x128xf32, #tpu.memory_space<vmem_shared>>
      tpu.enqueue_indirect_dma source(%arg9 : memref<64x128xf32, #tpu.memory_space<vmem>>) target(%dma_start3A_68 : memref<10112x128xf32, #tpu.memory_space<vmem_shared>>) offsets(%dma_start3A_65 : memref<64xi32, #tpu.memory_space<vmem>>) semaphore(%run_scoped3A : memref<!tpu.dma_semaphore, #tpu.memory_space<semaphore_mem>>) {add = true}
      %dma_wait3A_69 = arith.constant 0 : i32
      %dma_wait3A_70 = tpu.memref_slice %arg7[%sub3A_57, %dma_wait3A_69] : memref<174x64xi32, #tpu.memory_space<vmem>> -> memref<1x64xi32, #tpu.memory_space<vmem>>
      %dma_wait3A_71 = tpu.memref_squeeze %dma_wait3A_70 : memref<1x64xi32, #tpu.memory_space<vmem>> -> memref<64xi32, #tpu.memory_space<vmem>>
      %dma_wait3A_72 = arith.constant 0 : i32
      %dma_wait3A_73 = arith.constant 0 : i32
      %dma_wait3A_74 = tpu.memref_slice %arg10[%dma_wait3A_72, %dma_wait3A_73] : memref<10112x128xf32, #tpu.memory_space<vmem_shared>> -> memref<10112x128xf32, #tpu.memory_space<vmem_shared>>
      tpu.wait_indirect_dma semaphore(%run_scoped3A : memref<!tpu.dma_semaphore, #tpu.memory_space<semaphore_mem>>) src(%arg9 : memref<64x128xf32, #tpu.memory_space<vmem>>) dst(%dma_wait3A_74 : memref<10112x128xf32, #tpu.memory_space<vmem_shared>>)
      tpu.yield
    }) : () -> ()
    %barrier3A_58 = arith.constant 0 : index
    tpu.barrier barrier_id(%barrier3A_58)
    %mul3A_59 = arith.constant 632 : i32
    %mul3A_60 = arith.muli %arg1, %mul3A_59 : i32
    %mul3A_61 = arith.constant 632 : i32
    %mul3A_62 = arith.muli %arg1, %mul3A_61 : i32
    "tpu.region"() ({
      %run_scoped3A = tpu.sem_alloc : memref<!tpu.dma_semaphore, #tpu.memory_space<semaphore_mem>>
      %dma_start3A_63 = arith.constant 0 : i32
      %dma_start3A_64 = tpu.memref_slice %arg5[%arg0, %mul3A_62, %dma_start3A_63] : memref<2x10112x128xf32, #tpu.memory_space<hbm>> -> memref<1x632x128xf32, #tpu.memory_space<hbm>>
      %dma_start3A_65 = tpu.memref_squeeze %dma_start3A_64 : memref<1x632x128xf32, #tpu.memory_space<hbm>> -> memref<632x128xf32, #tpu.memory_space<hbm>>
      %dma_start3A_66 = arith.constant 0 : i32
      %dma_start3A_67 = tpu.memref_slice %arg10[%mul3A_60, %dma_start3A_66] : memref<10112x128xf32, #tpu.memory_space<vmem_shared>> -> memref<632x128xf32, #tpu.memory_space<vmem_shared>>
      tpu.enqueue_dma source(%dma_start3A_67 : memref<632x128xf32, #tpu.memory_space<vmem_shared>>) target(%dma_start3A_65 : memref<632x128xf32, #tpu.memory_space<hbm>>) target_semaphore(%run_scoped3A : memref<!tpu.dma_semaphore, #tpu.memory_space<semaphore_mem>>)
      %dma_wait3A_68 = arith.constant 0 : i32
      %dma_wait3A_69 = tpu.memref_slice %arg5[%arg0, %mul3A_62, %dma_wait3A_68] : memref<2x10112x128xf32, #tpu.memory_space<hbm>> -> memref<1x632x128xf32, #tpu.memory_space<hbm>>
      %dma_wait3A_70 = tpu.memref_squeeze %dma_wait3A_69 : memref<1x632x128xf32, #tpu.memory_space<hbm>> -> memref<632x128xf32, #tpu.memory_space<hbm>>
      %dma_wait3A_71 = arith.constant 0 : i32
      %dma_wait3A_72 = tpu.memref_slice %arg10[%mul3A_60, %dma_wait3A_71] : memref<10112x128xf32, #tpu.memory_space<vmem_shared>> -> memref<632x128xf32, #tpu.memory_space<vmem_shared>>
      tpu.wait_dma2 semaphore(%run_scoped3A : memref<!tpu.dma_semaphore, #tpu.memory_space<semaphore_mem>>) src(%dma_wait3A_72 : memref<632x128xf32, #tpu.memory_space<vmem_shared>>) dst(%dma_wait3A_70 : memref<632x128xf32, #tpu.memory_space<hbm>>)
      tpu.yield
    }) : () -> ()
    return
  }
}

#map = affine_map<(d0, d1) -> (0, 0)>
#map1 = affine_map<(d0, d1) -> (0, 0, 0)>
module attributes {stable_mosaic.version = 14 : i64} {
  func.func @body(%arg0: i32, %arg1: i32, %arg2: memref<10000x128xf32, #tpu.memory_space<hbm>>, %arg3: memref<32x11136xi32, #tpu.memory_space<hbm>>, %arg4: memref<32x174x64xi32, #tpu.memory_space<hbm>>, %arg5: memref<2x10112x128xf32, #tpu.memory_space<hbm>>, %arg6: memref<11136xi32, #tpu.memory_space<vmem>>, %arg7: memref<174x64xi32, #tpu.memory_space<vmem>>, %arg8: memref<64x128xf32, #tpu.memory_space<vmem>>, %arg9: memref<64x128xf32, #tpu.memory_space<vmem>>, %arg10: memref<10112x128xf32, #tpu.memory_space<vmem_shared>>, %arg11: memref<!tpu.dma_semaphore, #tpu.memory_space<semaphore_mem>>, %arg12: memref<!tpu.dma_semaphore, #tpu.memory_space<semaphore_mem>>, %arg13: memref<!tpu.dma_semaphore, #tpu.memory_space<semaphore_mem>>, %arg14: memref<!tpu.dma_semaphore, #tpu.memory_space<semaphore_mem>>) attributes {dimension_semantics = [#tpu.dimension_semantics<core_parallel>, #tpu.dimension_semantics<subcore_parallel>], iteration_bounds = array<i64: 2, 16>, scalar_prefetch = 0 : i64, scratch_operands = 9 : i64, tpu.core_type = #tpu.core_type<sc_vector_subcore>, window_params = [{transform_indices = #map}, {transform_indices = #map}, {transform_indices = #map1}, {transform_indices = #map1}]} {
    %mul3A = arith.constant 16 : i32
    %mul3A_0 = arith.muli %arg0, %mul3A : i32
    %add3A = arith.addi %mul3A_0, %arg1 : i32
    %eq3A = arith.constant 0 : i32
    %eq3A_1 = arith.cmpi eq, %arg0, %eq3A : i32
    %jit3A = arith.constant 174 : i32
    %jit3A_2 = arith.constant 140 : i32
    %select_n3A = arith.select %eq3A_1, %jit3A, %jit3A_2 : i32
    %eq3A_3 = arith.constant 0 : i32
    %eq3A_4 = arith.cmpi eq, %arg0, %eq3A_3 : i32
    %jit3A_5 = arith.constant 86 : i32
    %jit3A_6 = arith.constant 69 : i32
    %select_n3A_7 = arith.select %eq3A_4, %jit3A_5, %jit3A_6 : i32
    %scan3A = arith.constant 0 : i32
    %scan3A_8 = arith.constant 64 : i32
    %scan3A_9 = arith.addi %scan3A, %scan3A_8 : i32
    %scan3A_10 = arith.constant 1 : i32
    scf.for %scan3A_63 = %scan3A to %scan3A_9 step %scan3A_10  : i32 {
      %mul3A_64 = arith.constant 1 : i32
      %mul3A_65 = arith.muli %scan3A_63, %mul3A_64 : i32
      %add3A_66 = arith.constant 0 : i32
      %add3A_67 = arith.addi %add3A_66, %mul3A_65 : i32
      %scan3A_68 = arith.constant 0 : i32
      %scan3A_69 = arith.constant 8 : i32
      %scan3A_70 = arith.addi %scan3A_68, %scan3A_69 : i32
      %scan3A_71 = arith.constant 1 : i32
      scf.for %scan3A_73 = %scan3A_68 to %scan3A_70 step %scan3A_71  : i32 {
        %mul3A_74 = arith.constant 16 : i32
        %mul3A_75 = arith.muli %scan3A_73, %mul3A_74 : i32
        %add3A_76 = arith.constant 0 : i32
        %add3A_77 = arith.addi %add3A_76, %mul3A_75 : i32
        %broadcast_in_dim3A = arith.constant 0.000000e+00 : f32
        %broadcast_in_dim3A_78 = vector.broadcast %broadcast_in_dim3A : f32 to vector<16xf32>
        %swap3A = arith.index_cast %add3A_67 : i32 to index
        %swap3A_79 = arith.index_cast %add3A_77 : i32 to index
        %swap3A_80 = tpu.vector_load %arg8[%swap3A, %swap3A_79] {strides = array<i32>} : memref<64x128xf32, #tpu.memory_space<vmem>>, vector<1x16xf32>,
        %swap3A_81 = vector.shape_cast %swap3A_80 : vector<1x16xf32> to vector<16xf32>
        %swap3A_82 = vector.shape_cast %broadcast_in_dim3A_78 : vector<16xf32> to vector<1x16xf32>
        tpu.vector_store %arg8[%swap3A, %swap3A_79], %swap3A_82 {strides = array<i32>} : memref<64x128xf32, #tpu.memory_space<vmem>>, vector<1x16xf32>,
      }
      %scan3A_72 = arith.constant 8 : i32
    }
    %scan3A_11 = arith.constant 64 : i32
    %scan3A_12 = arith.constant 0 : i32
    %scan3A_13 = arith.constant 9 : i32
    %scan3A_14 = arith.addi %scan3A_12, %scan3A_13 : i32
    %scan3A_15 = arith.constant 1 : i32
    scf.for %scan3A_63 = %scan3A_12 to %scan3A_14 step %scan3A_15  : i32 {
      %mul3A_64 = arith.constant 1 : i32
      %mul3A_65 = arith.muli %scan3A_63, %mul3A_64 : i32
      %add3A_66 = arith.constant 0 : i32
      %add3A_67 = arith.addi %add3A_66, %mul3A_65 : i32
      %mul3A_68 = arith.constant 632 : i32
      %mul3A_69 = arith.muli %arg1, %mul3A_68 : i32
      %mul3A_70 = arith.constant 64 : i32
      %mul3A_71 = arith.muli %add3A_67, %mul3A_70 : i32
      %add3A_72 = arith.addi %mul3A_69, %mul3A_71 : i32
      "tpu.region"() ({
        %run_scoped3A = tpu.sem_alloc : memref<!tpu.dma_semaphore, #tpu.memory_space<semaphore_mem>>
        %dma_start3A_73 = arith.constant 0 : i32
        %dma_start3A_74 = tpu.memref_slice %arg10[%add3A_72, %dma_start3A_73] : memref<10112x128xf32, #tpu.memory_space<vmem_shared>> -> memref<64x128xf32, #tpu.memory_space<vmem_shared>>
        %dma_start3A_75 = arith.constant 0 : i32
        %dma_start3A_76 = tpu.memref_slice %arg10[%add3A_72, %dma_start3A_75] : memref<10112x128xf32, #tpu.memory_space<vmem_shared>> -> memref<64x128xf32, #tpu.memory_space<vmem_shared>>
        tpu.enqueue_dma source(%arg8 : memref<64x128xf32, #tpu.memory_space<vmem>>) target(%dma_start3A_76 : memref<64x128xf32, #tpu.memory_space<vmem_shared>>) target_semaphore(%run_scoped3A : memref<!tpu.dma_semaphore, #tpu.memory_space<semaphore_mem>>)
        %dma_wait3A_77 = arith.constant 0 : i32
        %dma_wait3A_78 = tpu.memref_slice %arg10[%add3A_72, %dma_wait3A_77] : memref<10112x128xf32, #tpu.memory_space<vmem_shared>> -> memref<64x128xf32, #tpu.memory_space<vmem_shared>>
        %dma_wait3A_79 = arith.constant 0 : i32
        %dma_wait3A_80 = tpu.memref_slice %arg10[%add3A_72, %dma_wait3A_79] : memref<10112x128xf32, #tpu.memory_space<vmem_shared>> -> memref<64x128xf32, #tpu.memory_space<vmem_shared>>
        tpu.wait_dma2 semaphore(%run_scoped3A : memref<!tpu.dma_semaphore, #tpu.memory_space<semaphore_mem>>) src(%arg8 : memref<64x128xf32, #tpu.memory_space<vmem>>) dst(%dma_wait3A_80 : memref<64x128xf32, #tpu.memory_space<vmem_shared>>)
        tpu.yield
      }) : () -> ()
    }
    %scan3A_16 = arith.constant 9 : i32
    %mul3A_17 = arith.constant 632 : i32
    %mul3A_18 = arith.muli %arg1, %mul3A_17 : i32
    %add3A_19 = arith.constant 632 : i32
    %add3A_20 = arith.addi %mul3A_18, %add3A_19 : i32
    %sub3A = arith.constant 56 : i32
    %sub3A_21 = arith.subi %add3A_20, %sub3A : i32
    "tpu.region"() ({
      %run_scoped3A = tpu.sem_alloc : memref<!tpu.dma_semaphore, #tpu.memory_space<semaphore_mem>>
      %dma_start3A_63 = arith.constant 0 : i32
      %dma_start3A_64 = arith.constant 0 : i32
      %dma_start3A_65 = tpu.memref_slice %arg8[%dma_start3A_63, %dma_start3A_64] : memref<64x128xf32, #tpu.memory_space<vmem>> -> memref<56x128xf32, #tpu.memory_space<vmem>>
      %dma_start3A_66 = arith.constant 0 : i32
      %dma_start3A_67 = tpu.memref_slice %arg10[%sub3A_21, %dma_start3A_66] : memref<10112x128xf32, #tpu.memory_space<vmem_shared>> -> memref<56x128xf32, #tpu.memory_space<vmem_shared>>
      %dma_start3A_68 = arith.constant 0 : i32
      %dma_start3A_69 = tpu.memref_slice %arg10[%sub3A_21, %dma_start3A_68] : memref<10112x128xf32, #tpu.memory_space<vmem_shared>> -> memref<56x128xf32, #tpu.memory_space<vmem_shared>>
      %dma_start3A_70 = arith.constant 0 : i32
      %dma_start3A_71 = arith.constant 0 : i32
      %dma_start3A_72 = tpu.memref_slice %arg8[%dma_start3A_70, %dma_start3A_71] : memref<64x128xf32, #tpu.memory_space<vmem>> -> memref<56x128xf32, #tpu.memory_space<vmem>>
      tpu.enqueue_dma source(%dma_start3A_72 : memref<56x128xf32, #tpu.memory_space<vmem>>) target(%dma_start3A_69 : memref<56x128xf32, #tpu.memory_space<vmem_shared>>) target_semaphore(%run_scoped3A : memref<!tpu.dma_semaphore, #tpu.memory_space<semaphore_mem>>)
      %dma_wait3A_73 = arith.constant 0 : i32
      %dma_wait3A_74 = arith.constant 0 : i32
      %dma_wait3A_75 = tpu.memref_slice %arg8[%dma_wait3A_73, %dma_wait3A_74] : memref<64x128xf32, #tpu.memory_space<vmem>> -> memref<56x128xf32, #tpu.memory_space<vmem>>
      %dma_wait3A_76 = arith.constant 0 : i32
      %dma_wait3A_77 = tpu.memref_slice %arg10[%sub3A_21, %dma_wait3A_76] : memref<10112x128xf32, #tpu.memory_space<vmem_shared>> -> memref<56x128xf32, #tpu.memory_space<vmem_shared>>
      %dma_wait3A_78 = arith.constant 0 : i32
      %dma_wait3A_79 = tpu.memref_slice %arg10[%sub3A_21, %dma_wait3A_78] : memref<10112x128xf32, #tpu.memory_space<vmem_shared>> -> memref<56x128xf32, #tpu.memory_space<vmem_shared>>
      %dma_wait3A_80 = arith.constant 0 : i32
      %dma_wait3A_81 = arith.constant 0 : i32
      %dma_wait3A_82 = tpu.memref_slice %arg8[%dma_wait3A_80, %dma_wait3A_81] : memref<64x128xf32, #tpu.memory_space<vmem>> -> memref<56x128xf32, #tpu.memory_space<vmem>>
      tpu.wait_dma2 semaphore(%run_scoped3A : memref<!tpu.dma_semaphore, #tpu.memory_space<semaphore_mem>>) src(%dma_wait3A_82 : memref<56x128xf32, #tpu.memory_space<vmem>>) dst(%dma_wait3A_79 : memref<56x128xf32, #tpu.memory_space<vmem_shared>>)
      tpu.yield
    }) : () -> ()
    "tpu.region"() ({
      %run_scoped3A = tpu.sem_alloc : memref<!tpu.dma_semaphore, #tpu.memory_space<semaphore_mem>>
      %dma_start3A_63 = arith.constant 0 : i32
      %dma_start3A_64 = tpu.memref_slice %arg3[%add3A, %dma_start3A_63] : memref<32x11136xi32, #tpu.memory_space<hbm>> -> memref<1x11136xi32, #tpu.memory_space<hbm>>
      %dma_start3A_65 = tpu.memref_squeeze %dma_start3A_64 : memref<1x11136xi32, #tpu.memory_space<hbm>> -> memref<11136xi32, #tpu.memory_space<hbm>>
      %dma_start3A_66 = arith.constant 0 : i32
      %dma_start3A_67 = tpu.memref_slice %arg3[%add3A, %dma_start3A_66] : memref<32x11136xi32, #tpu.memory_space<hbm>> -> memref<1x11136xi32, #tpu.memory_space<hbm>>
      %dma_start3A_68 = tpu.memref_squeeze %dma_start3A_67 : memref<1x11136xi32, #tpu.memory_space<hbm>> -> memref<11136xi32, #tpu.memory_space<hbm>>
      tpu.enqueue_dma source(%dma_start3A_68 : memref<11136xi32, #tpu.memory_space<hbm>>) target(%arg6 : memref<11136xi32, #tpu.memory_space<vmem>>) target_semaphore(%run_scoped3A : memref<!tpu.dma_semaphore, #tpu.memory_space<semaphore_mem>>)
      %dma_wait3A_69 = arith.constant 0 : i32
      %dma_wait3A_70 = tpu.memref_slice %arg3[%add3A, %dma_wait3A_69] : memref<32x11136xi32, #tpu.memory_space<hbm>> -> memref<1x11136xi32, #tpu.memory_space<hbm>>
      %dma_wait3A_71 = tpu.memref_squeeze %dma_wait3A_70 : memref<1x11136xi32, #tpu.memory_space<hbm>> -> memref<11136xi32, #tpu.memory_space<hbm>>
      %dma_wait3A_72 = arith.constant 0 : i32
      %dma_wait3A_73 = tpu.memref_slice %arg3[%add3A, %dma_wait3A_72] : memref<32x11136xi32, #tpu.memory_space<hbm>> -> memref<1x11136xi32, #tpu.memory_space<hbm>>
      %dma_wait3A_74 = tpu.memref_squeeze %dma_wait3A_73 : memref<1x11136xi32, #tpu.memory_space<hbm>> -> memref<11136xi32, #tpu.memory_space<hbm>>
      tpu.wait_dma2 semaphore(%run_scoped3A : memref<!tpu.dma_semaphore, #tpu.memory_space<semaphore_mem>>) src(%dma_wait3A_74 : memref<11136xi32, #tpu.memory_space<hbm>>) dst(%arg6 : memref<11136xi32, #tpu.memory_space<vmem>>)
      tpu.yield
    }) : () -> ()
    "tpu.region"() ({
      %run_scoped3A = tpu.sem_alloc : memref<!tpu.dma_semaphore, #tpu.memory_space<semaphore_mem>>
      %dma_start3A_63 = arith.constant 0 : i32
      %dma_start3A_64 = arith.constant 0 : i32
      %dma_start3A_65 = tpu.memref_slice %arg4[%add3A, %dma_start3A_63, %dma_start3A_64] : memref<32x174x64xi32, #tpu.memory_space<hbm>> -> memref<1x174x64xi32, #tpu.memory_space<hbm>>
      %dma_start3A_66 = tpu.memref_squeeze %dma_start3A_65 : memref<1x174x64xi32, #tpu.memory_space<hbm>> -> memref<174x64xi32, #tpu.memory_space<hbm>>
      %dma_start3A_67 = arith.constant 0 : i32
      %dma_start3A_68 = arith.constant 0 : i32
      %dma_start3A_69 = tpu.memref_slice %arg4[%add3A, %dma_start3A_67, %dma_start3A_68] : memref<32x174x64xi32, #tpu.memory_space<hbm>> -> memref<1x174x64xi32, #tpu.memory_space<hbm>>
      %dma_start3A_70 = tpu.memref_squeeze %dma_start3A_69 : memref<1x174x64xi32, #tpu.memory_space<hbm>> -> memref<174x64xi32, #tpu.memory_space<hbm>>
      tpu.enqueue_dma source(%dma_start3A_70 : memref<174x64xi32, #tpu.memory_space<hbm>>) target(%arg7 : memref<174x64xi32, #tpu.memory_space<vmem>>) target_semaphore(%run_scoped3A : memref<!tpu.dma_semaphore, #tpu.memory_space<semaphore_mem>>)
      %dma_wait3A_71 = arith.constant 0 : i32
      %dma_wait3A_72 = arith.constant 0 : i32
      %dma_wait3A_73 = tpu.memref_slice %arg4[%add3A, %dma_wait3A_71, %dma_wait3A_72] : memref<32x174x64xi32, #tpu.memory_space<hbm>> -> memref<1x174x64xi32, #tpu.memory_space<hbm>>
      %dma_wait3A_74 = tpu.memref_squeeze %dma_wait3A_73 : memref<1x174x64xi32, #tpu.memory_space<hbm>> -> memref<174x64xi32, #tpu.memory_space<hbm>>
      %dma_wait3A_75 = arith.constant 0 : i32
      %dma_wait3A_76 = arith.constant 0 : i32
      %dma_wait3A_77 = tpu.memref_slice %arg4[%add3A, %dma_wait3A_75, %dma_wait3A_76] : memref<32x174x64xi32, #tpu.memory_space<hbm>> -> memref<1x174x64xi32, #tpu.memory_space<hbm>>
      %dma_wait3A_78 = tpu.memref_squeeze %dma_wait3A_77 : memref<1x174x64xi32, #tpu.memory_space<hbm>> -> memref<174x64xi32, #tpu.memory_space<hbm>>
      tpu.wait_dma2 semaphore(%run_scoped3A : memref<!tpu.dma_semaphore, #tpu.memory_space<semaphore_mem>>) src(%dma_wait3A_78 : memref<174x64xi32, #tpu.memory_space<hbm>>) dst(%arg7 : memref<174x64xi32, #tpu.memory_space<vmem>>)
      tpu.yield
    }) : () -> ()
    %barrier3A = arith.constant 0 : index
    tpu.barrier barrier_id(%barrier3A)
    %multiple_of3A = arith.constant 0 : i32
    %multiple_of3A_22 = tpu.assume_multiple %multiple_of3A, 64 : i32
    %dma_start3A = tpu.memref_slice %arg6[%multiple_of3A_22] : memref<11136xi32, #tpu.memory_space<vmem>> -> memref<64xi32, #tpu.memory_space<vmem>>
    %dma_start3A_23 = arith.constant 0 : i32
    %dma_start3A_24 = arith.constant 0 : i32
    %dma_start3A_25 = tpu.memref_slice %arg2[%dma_start3A_23, %dma_start3A_24] : memref<10000x128xf32, #tpu.memory_space<hbm>> -> memref<10000x128xf32, #tpu.memory_space<hbm>>
    tpu.enqueue_indirect_dma source(%dma_start3A_25 : memref<10000x128xf32, #tpu.memory_space<hbm>>) target(%arg8 : memref<64x128xf32, #tpu.memory_space<vmem>>) offsets(%dma_start3A : memref<64xi32, #tpu.memory_space<vmem>>) semaphore(%arg11 : memref<!tpu.dma_semaphore, #tpu.memory_space<semaphore_mem>>)
    %multiple_of3A_26 = arith.constant 64 : i32
    %multiple_of3A_27 = tpu.assume_multiple %multiple_of3A_26, 64 : i32
    %dma_start3A_28 = tpu.memref_slice %arg6[%multiple_of3A_27] : memref<11136xi32, #tpu.memory_space<vmem>> -> memref<64xi32, #tpu.memory_space<vmem>>
    %dma_start3A_29 = arith.constant 0 : i32
    %dma_start3A_30 = arith.constant 0 : i32
    %dma_start3A_31 = tpu.memref_slice %arg2[%dma_start3A_29, %dma_start3A_30] : memref<10000x128xf32, #tpu.memory_space<hbm>> -> memref<10000x128xf32, #tpu.memory_space<hbm>>
    tpu.enqueue_indirect_dma source(%dma_start3A_31 : memref<10000x128xf32, #tpu.memory_space<hbm>>) target(%arg9 : memref<64x128xf32, #tpu.memory_space<vmem>>) offsets(%dma_start3A_28 : memref<64xi32, #tpu.memory_space<vmem>>) semaphore(%arg12 : memref<!tpu.dma_semaphore, #tpu.memory_space<semaphore_mem>>)
    %scan3A_32 = arith.constant 0 : i32
    %scan3A_33 = arith.constant 86 : i32
    %scan3A_34 = arith.addi %scan3A_32, %scan3A_33 : i32
    %scan3A_35 = arith.constant 1 : i32
    scf.for %scan3A_63 = %scan3A_32 to %scan3A_34 step %scan3A_35  : i32 {
      %mul3A_64 = arith.constant 1 : i32
      %mul3A_65 = arith.muli %scan3A_63, %mul3A_64 : i32
      %add3A_66 = arith.constant 0 : i32
      %add3A_67 = arith.addi %add3A_66, %mul3A_65 : i32
      %lt3A = arith.cmpi slt, %add3A_67, %select_n3A_7 : i32
      %convert_element_type3A = arith.extui %lt3A : i1 to i32
      %cond3A = arith.constant 0 : i32
      %cond3A_68 = arith.cmpi ne, %convert_element_type3A, %cond3A : i32
      scf.if %cond3A_68 {
        %mul3A_69 = arith.constant 2 : i32
        %mul3A_70 = arith.muli %add3A_67, %mul3A_69 : i32
        %mul3A_71 = arith.constant 64 : i32
        %mul3A_72 = arith.muli %mul3A_70, %mul3A_71 : i32
        %multiple_of3A_73 = tpu.assume_multiple %mul3A_72, 64 : i32
        %dma_wait3A_74 = tpu.memref_slice %arg6[%multiple_of3A_73] : memref<11136xi32, #tpu.memory_space<vmem>> -> memref<64xi32, #tpu.memory_space<vmem>>
        %dma_wait3A_75 = arith.constant 0 : i32
        %dma_wait3A_76 = arith.constant 0 : i32
        %dma_wait3A_77 = tpu.memref_slice %arg2[%dma_wait3A_75, %dma_wait3A_76] : memref<10000x128xf32, #tpu.memory_space<hbm>> -> memref<10000x128xf32, #tpu.memory_space<hbm>>
        tpu.wait_indirect_dma semaphore(%arg11 : memref<!tpu.dma_semaphore, #tpu.memory_space<semaphore_mem>>) src(%dma_wait3A_77 : memref<10000x128xf32, #tpu.memory_space<hbm>>) dst(%arg8 : memref<64x128xf32, #tpu.memory_space<vmem>>)
        "tpu.region"() ({
          %run_scoped3A = tpu.sem_alloc : memref<!tpu.dma_semaphore, #tpu.memory_space<semaphore_mem>>
          %dma_start3A_107 = arith.constant 0 : i32
          %dma_start3A_108 = tpu.memref_slice %arg7[%mul3A_70, %dma_start3A_107] : memref<174x64xi32, #tpu.memory_space<vmem>> -> memref<1x64xi32, #tpu.memory_space<vmem>>
          %dma_start3A_109 = tpu.memref_squeeze %dma_start3A_108 : memref<1x64xi32, #tpu.memory_space<vmem>> -> memref<64xi32, #tpu.memory_space<vmem>>
          %dma_start3A_110 = arith.constant 0 : i32
          %dma_start3A_111 = arith.constant 0 : i32
          %dma_start3A_112 = tpu.memref_slice %arg10[%dma_start3A_110, %dma_start3A_111] : memref<10112x128xf32, #tpu.memory_space<vmem_shared>> -> memref<10112x128xf32, #tpu.memory_space<vmem_shared>>
          tpu.enqueue_indirect_dma source(%arg8 : memref<64x128xf32, #tpu.memory_space<vmem>>) target(%dma_start3A_112 : memref<10112x128xf32, #tpu.memory_space<vmem_shared>>) offsets(%dma_start3A_109 : memref<64xi32, #tpu.memory_space<vmem>>) semaphore(%run_scoped3A : memref<!tpu.dma_semaphore, #tpu.memory_space<semaphore_mem>>) {add = true}
          %dma_wait3A_113 = arith.constant 0 : i32
          %dma_wait3A_114 = tpu.memref_slice %arg7[%mul3A_70, %dma_wait3A_113] : memref<174x64xi32, #tpu.memory_space<vmem>> -> memref<1x64xi32, #tpu.memory_space<vmem>>
          %dma_wait3A_115 = tpu.memref_squeeze %dma_wait3A_114 : memref<1x64xi32, #tpu.memory_space<vmem>> -> memref<64xi32, #tpu.memory_space<vmem>>
          %dma_wait3A_116 = arith.constant 0 : i32
          %dma_wait3A_117 = arith.constant 0 : i32
          %dma_wait3A_118 = tpu.memref_slice %arg10[%dma_wait3A_116, %dma_wait3A_117] : memref<10112x128xf32, #tpu.memory_space<vmem_shared>> -> memref<10112x128xf32, #tpu.memory_space<vmem_shared>>
          tpu.wait_indirect_dma semaphore(%run_scoped3A : memref<!tpu.dma_semaphore, #tpu.memory_space<semaphore_mem>>) src(%arg8 : memref<64x128xf32, #tpu.memory_space<vmem>>) dst(%dma_wait3A_118 : memref<10112x128xf32, #tpu.memory_space<vmem_shared>>)
          tpu.yield
        }) : () -> ()
        %add3A_78 = arith.constant 2 : i32
        %add3A_79 = arith.addi %mul3A_70, %add3A_78 : i32
        %mul3A_80 = arith.constant 64 : i32
        %mul3A_81 = arith.muli %add3A_79, %mul3A_80 : i32
        %multiple_of3A_82 = tpu.assume_multiple %mul3A_81, 64 : i32
        %dma_start3A_83 = tpu.memref_slice %arg6[%multiple_of3A_82] : memref<11136xi32, #tpu.memory_space<vmem>> -> memref<64xi32, #tpu.memory_space<vmem>>
        %dma_start3A_84 = arith.constant 0 : i32
        %dma_start3A_85 = arith.constant 0 : i32
        %dma_start3A_86 = tpu.memref_slice %arg2[%dma_start3A_84, %dma_start3A_85] : memref<10000x128xf32, #tpu.memory_space<hbm>> -> memref<10000x128xf32, #tpu.memory_space<hbm>>
        tpu.enqueue_indirect_dma source(%dma_start3A_86 : memref<10000x128xf32, #tpu.memory_space<hbm>>) target(%arg8 : memref<64x128xf32, #tpu.memory_space<vmem>>) offsets(%dma_start3A_83 : memref<64xi32, #tpu.memory_space<vmem>>) semaphore(%arg11 : memref<!tpu.dma_semaphore, #tpu.memory_space<semaphore_mem>>)
        %add3A_87 = arith.constant 1 : i32
        %add3A_88 = arith.addi %mul3A_70, %add3A_87 : i32
        %mul3A_89 = arith.constant 64 : i32
        %mul3A_90 = arith.muli %add3A_88, %mul3A_89 : i32
        %multiple_of3A_91 = tpu.assume_multiple %mul3A_90, 64 : i32
        %dma_wait3A_92 = tpu.memref_slice %arg6[%multiple_of3A_91] : memref<11136xi32, #tpu.memory_space<vmem>> -> memref<64xi32, #tpu.memory_space<vmem>>
        %dma_wait3A_93 = arith.constant 0 : i32
        %dma_wait3A_94 = arith.constant 0 : i32
        %dma_wait3A_95 = tpu.memref_slice %arg2[%dma_wait3A_93, %dma_wait3A_94] : memref<10000x128xf32, #tpu.memory_space<hbm>> -> memref<10000x128xf32, #tpu.memory_space<hbm>>
        tpu.wait_indirect_dma semaphore(%arg12 : memref<!tpu.dma_semaphore, #tpu.memory_space<semaphore_mem>>) src(%dma_wait3A_95 : memref<10000x128xf32, #tpu.memory_space<hbm>>) dst(%arg9 : memref<64x128xf32, #tpu.memory_space<vmem>>)
        %add3A_96 = arith.constant 1 : i32
        %add3A_97 = arith.addi %mul3A_70, %add3A_96 : i32
        "tpu.region"() ({
          %run_scoped3A = tpu.sem_alloc : memref<!tpu.dma_semaphore, #tpu.memory_space<semaphore_mem>>
          %dma_start3A_107 = arith.constant 0 : i32
          %dma_start3A_108 = tpu.memref_slice %arg7[%add3A_97, %dma_start3A_107] : memref<174x64xi32, #tpu.memory_space<vmem>> -> memref<1x64xi32, #tpu.memory_space<vmem>>
          %dma_start3A_109 = tpu.memref_squeeze %dma_start3A_108 : memref<1x64xi32, #tpu.memory_space<vmem>> -> memref<64xi32, #tpu.memory_space<vmem>>
          %dma_start3A_110 = arith.constant 0 : i32
          %dma_start3A_111 = arith.constant 0 : i32
          %dma_start3A_112 = tpu.memref_slice %arg10[%dma_start3A_110, %dma_start3A_111] : memref<10112x128xf32, #tpu.memory_space<vmem_shared>> -> memref<10112x128xf32, #tpu.memory_space<vmem_shared>>
          tpu.enqueue_indirect_dma source(%arg9 : memref<64x128xf32, #tpu.memory_space<vmem>>) target(%dma_start3A_112 : memref<10112x128xf32, #tpu.memory_space<vmem_shared>>) offsets(%dma_start3A_109 : memref<64xi32, #tpu.memory_space<vmem>>) semaphore(%run_scoped3A : memref<!tpu.dma_semaphore, #tpu.memory_space<semaphore_mem>>) {add = true}
          %dma_wait3A_113 = arith.constant 0 : i32
          %dma_wait3A_114 = tpu.memref_slice %arg7[%add3A_97, %dma_wait3A_113] : memref<174x64xi32, #tpu.memory_space<vmem>> -> memref<1x64xi32, #tpu.memory_space<vmem>>
          %dma_wait3A_115 = tpu.memref_squeeze %dma_wait3A_114 : memref<1x64xi32, #tpu.memory_space<vmem>> -> memref<64xi32, #tpu.memory_space<vmem>>
          %dma_wait3A_116 = arith.constant 0 : i32
          %dma_wait3A_117 = arith.constant 0 : i32
          %dma_wait3A_118 = tpu.memref_slice %arg10[%dma_wait3A_116, %dma_wait3A_117] : memref<10112x128xf32, #tpu.memory_space<vmem_shared>> -> memref<10112x128xf32, #tpu.memory_space<vmem_shared>>
          tpu.wait_indirect_dma semaphore(%run_scoped3A : memref<!tpu.dma_semaphore, #tpu.memory_space<semaphore_mem>>) src(%arg9 : memref<64x128xf32, #tpu.memory_space<vmem>>) dst(%dma_wait3A_118 : memref<10112x128xf32, #tpu.memory_space<vmem_shared>>)
          tpu.yield
        }) : () -> ()
        %add3A_98 = arith.constant 3 : i32
        %add3A_99 = arith.addi %mul3A_70, %add3A_98 : i32
        %mul3A_100 = arith.constant 64 : i32
        %mul3A_101 = arith.muli %add3A_99, %mul3A_100 : i32
        %multiple_of3A_102 = tpu.assume_multiple %mul3A_101, 64 : i32
        %dma_start3A_103 = tpu.memref_slice %arg6[%multiple_of3A_102] : memref<11136xi32, #tpu.memory_space<vmem>> -> memref<64xi32, #tpu.memory_space<vmem>>
        %dma_start3A_104 = arith.constant 0 : i32
        %dma_start3A_105 = arith.constant 0 : i32
        %dma_start3A_106 = tpu.memref_slice %arg2[%dma_start3A_104, %dma_start3A_105] : memref<10000x128xf32, #tpu.memory_space<hbm>> -> memref<10000x128xf32, #tpu.memory_space<hbm>>
        tpu.enqueue_indirect_dma source(%dma_start3A_106 : memref<10000x128xf32, #tpu.memory_space<hbm>>) target(%arg9 : memref<64x128xf32, #tpu.memory_space<vmem>>) offsets(%dma_start3A_103 : memref<64xi32, #tpu.memory_space<vmem>>) semaphore(%arg12 : memref<!tpu.dma_semaphore, #tpu.memory_space<semaphore_mem>>)
      } else {
      }
    }
    %scan3A_36 = arith.constant 86 : i32
    %sub3A_37 = arith.constant 2 : i32
    %sub3A_38 = arith.subi %select_n3A, %sub3A_37 : i32
    %mul3A_39 = arith.constant 64 : i32
    %mul3A_40 = arith.muli %sub3A_38, %mul3A_39 : i32
    %multiple_of3A_41 = tpu.assume_multiple %mul3A_40, 64 : i32
    %dma_wait3A = tpu.memref_slice %arg6[%multiple_of3A_41] : memref<11136xi32, #tpu.memory_space<vmem>> -> memref<64xi32, #tpu.memory_space<vmem>>
    %dma_wait3A_42 = arith.constant 0 : i32
    %dma_wait3A_43 = arith.constant 0 : i32
    %dma_wait3A_44 = tpu.memref_slice %arg2[%dma_wait3A_42, %dma_wait3A_43] : memref<10000x128xf32, #tpu.memory_space<hbm>> -> memref<10000x128xf32, #tpu.memory_space<hbm>>
    tpu.wait_indirect_dma semaphore(%arg11 : memref<!tpu.dma_semaphore, #tpu.memory_space<semaphore_mem>>) src(%dma_wait3A_44 : memref<10000x128xf32, #tpu.memory_space<hbm>>) dst(%arg8 : memref<64x128xf32, #tpu.memory_space<vmem>>)
    %sub3A_45 = arith.constant 2 : i32
    %sub3A_46 = arith.subi %select_n3A, %sub3A_45 : i32
    "tpu.region"() ({
      %run_scoped3A = tpu.sem_alloc : memref<!tpu.dma_semaphore, #tpu.memory_space<semaphore_mem>>
      %dma_start3A_63 = arith.constant 0 : i32
      %dma_start3A_64 = tpu.memref_slice %arg7[%sub3A_46, %dma_start3A_63] : memref<174x64xi32, #tpu.memory_space<vmem>> -> memref<1x64xi32, #tpu.memory_space<vmem>>
      %dma_start3A_65 = tpu.memref_squeeze %dma_start3A_64 : memref<1x64xi32, #tpu.memory_space<vmem>> -> memref<64xi32, #tpu.memory_space<vmem>>
      %dma_start3A_66 = arith.constant 0 : i32
      %dma_start3A_67 = arith.constant 0 : i32
      %dma_start3A_68 = tpu.memref_slice %arg10[%dma_start3A_66, %dma_start3A_67] : memref<10112x128xf32, #tpu.memory_space<vmem_shared>> -> memref<10112x128xf32, #tpu.memory_space<vmem_shared>>
      tpu.enqueue_indirect_dma source(%arg8 : memref<64x128xf32, #tpu.memory_space<vmem>>) target(%dma_start3A_68 : memref<10112x128xf32, #tpu.memory_space<vmem_shared>>) offsets(%dma_start3A_65 : memref<64xi32, #tpu.memory_space<vmem>>) semaphore(%run_scoped3A : memref<!tpu.dma_semaphore, #tpu.memory_space<semaphore_mem>>) {add = true}
      %dma_wait3A_69 = arith.constant 0 : i32
      %dma_wait3A_70 = tpu.memref_slice %arg7[%sub3A_46, %dma_wait3A_69] : memref<174x64xi32, #tpu.memory_space<vmem>> -> memref<1x64xi32, #tpu.memory_space<vmem>>
      %dma_wait3A_71 = tpu.memref_squeeze %dma_wait3A_70 : memref<1x64xi32, #tpu.memory_space<vmem>> -> memref<64xi32, #tpu.memory_space<vmem>>
      %dma_wait3A_72 = arith.constant 0 : i32
      %dma_wait3A_73 = arith.constant 0 : i32
      %dma_wait3A_74 = tpu.memref_slice %arg10[%dma_wait3A_72, %dma_wait3A_73] : memref<10112x128xf32, #tpu.memory_space<vmem_shared>> -> memref<10112x128xf32, #tpu.memory_space<vmem_shared>>
      tpu.wait_indirect_dma semaphore(%run_scoped3A : memref<!tpu.dma_semaphore, #tpu.memory_space<semaphore_mem>>) src(%arg8 : memref<64x128xf32, #tpu.memory_space<vmem>>) dst(%dma_wait3A_74 : memref<10112x128xf32, #tpu.memory_space<vmem_shared>>)
      tpu.yield
    }) : () -> ()
    %sub3A_47 = arith.constant 1 : i32
    %sub3A_48 = arith.subi %select_n3A, %sub3A_47 : i32
    %mul3A_49 = arith.constant 64 : i32
    %mul3A_50 = arith.muli %sub3A_48, %mul3A_49 : i32
    %multiple_of3A_51 = tpu.assume_multiple %mul3A_50, 64 : i32
    %dma_wait3A_52 = tpu.memref_slice %arg6[%multiple_of3A_51] : memref<11136xi32, #tpu.memory_space<vmem>> -> memref<64xi32, #tpu.memory_space<vmem>>
    %dma_wait3A_53 = arith.constant 0 : i32
    %dma_wait3A_54 = arith.constant 0 : i32
    %dma_wait3A_55 = tpu.memref_slice %arg2[%dma_wait3A_53, %dma_wait3A_54] : memref<10000x128xf32, #tpu.memory_space<hbm>> -> memref<10000x128xf32, #tpu.memory_space<hbm>>
    tpu.wait_indirect_dma semaphore(%arg12 : memref<!tpu.dma_semaphore, #tpu.memory_space<semaphore_mem>>) src(%dma_wait3A_55 : memref<10000x128xf32, #tpu.memory_space<hbm>>) dst(%arg9 : memref<64x128xf32, #tpu.memory_space<vmem>>)
    %sub3A_56 = arith.constant 1 : i32
    %sub3A_57 = arith.subi %select_n3A, %sub3A_56 : i32
    "tpu.region"() ({
      %run_scoped3A = tpu.sem_alloc : memref<!tpu.dma_semaphore, #tpu.memory_space<semaphore_mem>>
      %dma_start3A_63 = arith.constant 0 : i32
      %dma_start3A_64 = tpu.memref_slice %arg7[%sub3A_57, %dma_start3A_63] : memref<174x64xi32, #tpu.memory_space<vmem>> -> memref<1x64xi32, #tpu.memory_space<vmem>>
      %dma_start3A_65 = tpu.memref_squeeze %dma_start3A_64 : memref<1x64xi32, #tpu.memory_space<vmem>> -> memref<64xi32, #tpu.memory_space<vmem>>
      %dma_start3A_66 = arith.constant 0 : i32
      %dma_start3A_67 = arith.constant 0 : i32
      %dma_start3A_68 = tpu.memref_slice %arg10[%dma_start3A_66, %dma_start3A_67] : memref<10112x128xf32, #tpu.memory_space<vmem_shared>> -> memref<10112x128xf32, #tpu.memory_space<vmem_shared>>
      tpu.enqueue_indirect_dma source(%arg9 : memref<64x128xf32, #tpu.memory_space<vmem>>) target(%dma_start3A_68 : memref<10112x128xf32, #tpu.memory_space<vmem_shared>>) offsets(%dma_start3A_65 : memref<64xi32, #tpu.memory_space<vmem>>) semaphore(%run_scoped3A : memref<!tpu.dma_semaphore, #tpu.memory_space<semaphore_mem>>) {add = true}
      %dma_wait3A_69 = arith.constant 0 : i32
      %dma_wait3A_70 = tpu.memref_slice %arg7[%sub3A_57, %dma_wait3A_69] : memref<174x64xi32, #tpu.memory_space<vmem>> -> memref<1x64xi32, #tpu.memory_space<vmem>>
      %dma_wait3A_71 = tpu.memref_squeeze %dma_wait3A_70 : memref<1x64xi32, #tpu.memory_space<vmem>> -> memref<64xi32, #tpu.memory_space<vmem>>
      %dma_wait3A_72 = arith.constant 0 : i32
      %dma_wait3A_73 = arith.constant 0 : i32
      %dma_wait3A_74 = tpu.memref_slice %arg10[%dma_wait3A_72, %dma_wait3A_73] : memref<10112x128xf32, #tpu.memory_space<vmem_shared>> -> memref<10112x128xf32, #tpu.memory_space<vmem_shared>>
      tpu.wait_indirect_dma semaphore(%run_scoped3A : memref<!tpu.dma_semaphore, #tpu.memory_space<semaphore_mem>>) src(%arg9 : memref<64x128xf32, #tpu.memory_space<vmem>>) dst(%dma_wait3A_74 : memref<10112x128xf32, #tpu.memory_space<vmem_shared>>)
      tpu.yield
    }) : () -> ()
    %barrier3A_58 = arith.constant 0 : index
    tpu.barrier barrier_id(%barrier3A_58)
    %mul3A_59 = arith.constant 632 : i32
    %mul3A_60 = arith.muli %arg1, %mul3A_59 : i32
    %mul3A_61 = arith.constant 632 : i32
    %mul3A_62 = arith.muli %arg1, %mul3A_61 : i32
    "tpu.region"() ({
      %run_scoped3A = tpu.sem_alloc : memref<!tpu.dma_semaphore, #tpu.memory_space<semaphore_mem>>
      %dma_start3A_63 = arith.constant 0 : i32
      %dma_start3A_64 = tpu.memref_slice %arg5[%arg0, %mul3A_62, %dma_start3A_63] : memref<2x10112x128xf32, #tpu.memory_space<hbm>> -> memref<1x632x128xf32, #tpu.memory_space<hbm>>
      %dma_start3A_65 = tpu.memref_squeeze %dma_start3A_64 : memref<1x632x128xf32, #tpu.memory_space<hbm>> -> memref<632x128xf32, #tpu.memory_space<hbm>>
      %dma_start3A_66 = arith.constant 0 : i32
      %dma_start3A_67 = tpu.memref_slice %arg10[%mul3A_60, %dma_start3A_66] : memref<10112x128xf32, #tpu.memory_space<vmem_shared>> -> memref<632x128xf32, #tpu.memory_space<vmem_shared>>
      tpu.enqueue_dma source(%dma_start3A_67 : memref<632x128xf32, #tpu.memory_space<vmem_shared>>) target(%dma_start3A_65 : memref<632x128xf32, #tpu.memory_space<hbm>>) target_semaphore(%run_scoped3A : memref<!tpu.dma_semaphore, #tpu.memory_space<semaphore_mem>>)
      %dma_wait3A_68 = arith.constant 0 : i32
      %dma_wait3A_69 = tpu.memref_slice %arg5[%arg0, %mul3A_62, %dma_wait3A_68] : memref<2x10112x128xf32, #tpu.memory_space<hbm>> -> memref<1x632x128xf32, #tpu.memory_space<hbm>>
      %dma_wait3A_70 = tpu.memref_squeeze %dma_wait3A_69 : memref<1x632x128xf32, #tpu.memory_space<hbm>> -> memref<632x128xf32, #tpu.memory_space<hbm>>
      %dma_wait3A_71 = arith.constant 0 : i32
      %dma_wait3A_72 = tpu.memref_slice %arg10[%mul3A_60, %dma_wait3A_71] : memref<10112x128xf32, #tpu.memory_space<vmem_shared>> -> memref<632x128xf32, #tpu.memory_space<vmem_shared>>
      tpu.wait_dma2 semaphore(%run_scoped3A : memref<!tpu.dma_semaphore, #tpu.memory_space<semaphore_mem>>) src(%dma_wait3A_72 : memref<632x128xf32, #tpu.memory_space<vmem_shared>>) dst(%dma_wait3A_70 : memref<632x128xf32, #tpu.memory_space<hbm>>)
      tpu.yield
    }) : () -> ()
    return
  }
}

#map = affine_map<(d0, d1) -> (0, 0, 0)>
#map1 = affine_map<(d0, d1) -> (0, 0)>
module attributes {stable_mosaic.version = 14 : i64} {
  func.func @body(%arg0: i32, %arg1: i32, %arg2: memref<32x174x64xi32, #tpu.memory_space<hbm>>, %arg3: memref<32x10112xf32, #tpu.memory_space<hbm>>, %arg4: memref<174x64xi32, #tpu.memory_space<vmem>>, %arg5: memref<10112xf32, #tpu.memory_space<vmem>>) attributes {dimension_semantics = [#tpu.dimension_semantics<core_parallel>, #tpu.dimension_semantics<subcore_parallel>], iteration_bounds = array<i64: 2, 16>, scalar_prefetch = 0 : i64, scratch_operands = 2 : i64, tpu.core_type = #tpu.core_type<sc_vector_subcore>, window_params = [{transform_indices = #map}, {transform_indices = #map1}]} {
    %mul3A = arith.constant 16 : i32
    %mul3A_0 = arith.muli %arg0, %mul3A : i32
    %add3A = arith.addi %mul3A_0, %arg1 : i32
    %scan3A = arith.constant 0 : i32
    %scan3A_1 = arith.constant 632 : i32
    %scan3A_2 = arith.addi %scan3A, %scan3A_1 : i32
    %scan3A_3 = arith.constant 1 : i32
    scf.for %scan3A_10 = %scan3A to %scan3A_2 step %scan3A_3  : i32 {
      %mul3A_11 = arith.constant 16 : i32
      %mul3A_12 = arith.muli %scan3A_10, %mul3A_11 : i32
      %add3A_13 = arith.constant 0 : i32
      %add3A_14 = arith.addi %add3A_13, %mul3A_12 : i32
      %broadcast_in_dim3A = arith.constant 0.000000e+00 : f32
      %broadcast_in_dim3A_15 = vector.broadcast %broadcast_in_dim3A : f32 to vector<16xf32>
      %swap3A = arith.index_cast %add3A_14 : i32 to index
      %swap3A_16 = tpu.vector_load %arg5[%swap3A] {strides = array<i32>} : memref<10112xf32, #tpu.memory_space<vmem>>, vector<16xf32>,
      tpu.vector_store %arg5[%swap3A], %broadcast_in_dim3A_15 {strides = array<i32>} : memref<10112xf32, #tpu.memory_space<vmem>>, vector<16xf32>,
    }
    %scan3A_4 = arith.constant 632 : i32
    "tpu.region"() ({
      %run_scoped3A = tpu.sem_alloc : memref<!tpu.dma_semaphore, #tpu.memory_space<semaphore_mem>>
      %dma_start3A = arith.constant 0 : i32
      %dma_start3A_10 = arith.constant 0 : i32
      %dma_start3A_11 = tpu.memref_slice %arg2[%add3A, %dma_start3A, %dma_start3A_10] : memref<32x174x64xi32, #tpu.memory_space<hbm>> -> memref<1x174x64xi32, #tpu.memory_space<hbm>>
      %dma_start3A_12 = tpu.memref_squeeze %dma_start3A_11 : memref<1x174x64xi32, #tpu.memory_space<hbm>> -> memref<174x64xi32, #tpu.memory_space<hbm>>
      %dma_start3A_13 = arith.constant 0 : i32
      %dma_start3A_14 = arith.constant 0 : i32
      %dma_start3A_15 = tpu.memref_slice %arg2[%add3A, %dma_start3A_13, %dma_start3A_14] : memref<32x174x64xi32, #tpu.memory_space<hbm>> -> memref<1x174x64xi32, #tpu.memory_space<hbm>>
      %dma_start3A_16 = tpu.memref_squeeze %dma_start3A_15 : memref<1x174x64xi32, #tpu.memory_space<hbm>> -> memref<174x64xi32, #tpu.memory_space<hbm>>
      tpu.enqueue_dma source(%dma_start3A_16 : memref<174x64xi32, #tpu.memory_space<hbm>>) target(%arg4 : memref<174x64xi32, #tpu.memory_space<vmem>>) target_semaphore(%run_scoped3A : memref<!tpu.dma_semaphore, #tpu.memory_space<semaphore_mem>>)
      %dma_wait3A = arith.constant 0 : i32
      %dma_wait3A_17 = arith.constant 0 : i32
      %dma_wait3A_18 = tpu.memref_slice %arg2[%add3A, %dma_wait3A, %dma_wait3A_17] : memref<32x174x64xi32, #tpu.memory_space<hbm>> -> memref<1x174x64xi32, #tpu.memory_space<hbm>>
      %dma_wait3A_19 = tpu.memref_squeeze %dma_wait3A_18 : memref<1x174x64xi32, #tpu.memory_space<hbm>> -> memref<174x64xi32, #tpu.memory_space<hbm>>
      %dma_wait3A_20 = arith.constant 0 : i32
      %dma_wait3A_21 = arith.constant 0 : i32
      %dma_wait3A_22 = tpu.memref_slice %arg2[%add3A, %dma_wait3A_20, %dma_wait3A_21] : memref<32x174x64xi32, #tpu.memory_space<hbm>> -> memref<1x174x64xi32, #tpu.memory_space<hbm>>
      %dma_wait3A_23 = tpu.memref_squeeze %dma_wait3A_22 : memref<1x174x64xi32, #tpu.memory_space<hbm>> -> memref<174x64xi32, #tpu.memory_space<hbm>>
      tpu.wait_dma2 semaphore(%run_scoped3A : memref<!tpu.dma_semaphore, #tpu.memory_space<semaphore_mem>>) src(%dma_wait3A_23 : memref<174x64xi32, #tpu.memory_space<hbm>>) dst(%arg4 : memref<174x64xi32, #tpu.memory_space<vmem>>)
      tpu.yield
    }) : () -> ()
    %scan3A_5 = arith.constant 0 : i32
    %scan3A_6 = arith.constant 174 : i32
    %scan3A_7 = arith.addi %scan3A_5, %scan3A_6 : i32
    %scan3A_8 = arith.constant 1 : i32
    scf.for %scan3A_10 = %scan3A_5 to %scan3A_7 step %scan3A_8  : i32 {
      %mul3A_11 = arith.constant 1 : i32
      %mul3A_12 = arith.muli %scan3A_10, %mul3A_11 : i32
      %add3A_13 = arith.constant 0 : i32
      %add3A_14 = arith.addi %add3A_13, %mul3A_12 : i32
      %scan3A_15 = arith.constant 0 : i32
      %scan3A_16 = arith.constant 4 : i32
      %scan3A_17 = arith.addi %scan3A_15, %scan3A_16 : i32
      %scan3A_18 = arith.constant 1 : i32
      scf.for %scan3A_20 = %scan3A_15 to %scan3A_17 step %scan3A_18  : i32 {
        %mul3A_21 = arith.constant 16 : i32
        %mul3A_22 = arith.muli %scan3A_20, %mul3A_21 : i32
        %add3A_23 = arith.constant 0 : i32
        %add3A_24 = arith.addi %add3A_23, %mul3A_22 : i32
        %get3A = arith.index_cast %add3A_14 : i32 to index
        %get3A_25 = arith.index_cast %add3A_24 : i32 to index
        %get3A_26 = tpu.vector_load %arg4[%get3A, %get3A_25] {strides = array<i32>} : memref<174x64xi32, #tpu.memory_space<vmem>>, vector<16xi32>,
        %broadcast_in_dim3A = arith.constant 1.000000e+00 : f32
        %broadcast_in_dim3A_27 = vector.broadcast %broadcast_in_dim3A : f32 to vector<16xf32>
        tpu.vector_store_idx %arg5[%get3A_26], %broadcast_in_dim3A_27 {add = true} : memref<10112xf32, #tpu.memory_space<vmem>>[vector<16xi32>], vector<16xf32>,
      }
      %scan3A_19 = arith.constant 4 : i32
    }
    %scan3A_9 = arith.constant 174 : i32
    "tpu.region"() ({
      %run_scoped3A = tpu.sem_alloc : memref<!tpu.dma_semaphore, #tpu.memory_space<semaphore_mem>>
      %dma_start3A = arith.constant 0 : i32
      %dma_start3A_10 = tpu.memref_slice %arg3[%add3A, %dma_start3A] : memref<32x10112xf32, #tpu.memory_space<hbm>> -> memref<1x10112xf32, #tpu.memory_space<hbm>>
      %dma_start3A_11 = tpu.memref_squeeze %dma_start3A_10 : memref<1x10112xf32, #tpu.memory_space<hbm>> -> memref<10112xf32, #tpu.memory_space<hbm>>
      %dma_start3A_12 = arith.constant 0 : i32
      %dma_start3A_13 = tpu.memref_slice %arg3[%add3A, %dma_start3A_12] : memref<32x10112xf32, #tpu.memory_space<hbm>> -> memref<1x10112xf32, #tpu.memory_space<hbm>>
      %dma_start3A_14 = tpu.memref_squeeze %dma_start3A_13 : memref<1x10112xf32, #tpu.memory_space<hbm>> -> memref<10112xf32, #tpu.memory_space<hbm>>
      tpu.enqueue_dma source(%arg5 : memref<10112xf32, #tpu.memory_space<vmem>>) target(%dma_start3A_14 : memref<10112xf32, #tpu.memory_space<hbm>>) target_semaphore(%run_scoped3A : memref<!tpu.dma_semaphore, #tpu.memory_space<semaphore_mem>>)
      %dma_wait3A = arith.constant 0 : i32
      %dma_wait3A_15 = tpu.memref_slice %arg3[%add3A, %dma_wait3A] : memref<32x10112xf32, #tpu.memory_space<hbm>> -> memref<1x10112xf32, #tpu.memory_space<hbm>>
      %dma_wait3A_16 = tpu.memref_squeeze %dma_wait3A_15 : memref<1x10112xf32, #tpu.memory_space<hbm>> -> memref<10112xf32, #tpu.memory_space<hbm>>
      %dma_wait3A_17 = arith.constant 0 : i32
      %dma_wait3A_18 = tpu.memref_slice %arg3[%add3A, %dma_wait3A_17] : memref<32x10112xf32, #tpu.memory_space<hbm>> -> memref<1x10112xf32, #tpu.memory_space<hbm>>
      %dma_wait3A_19 = tpu.memref_squeeze %dma_wait3A_18 : memref<1x10112xf32, #tpu.memory_space<hbm>> -> memref<10112xf32, #tpu.memory_space<hbm>>
      tpu.wait_dma2 semaphore(%run_scoped3A : memref<!tpu.dma_semaphore, #tpu.memory_space<semaphore_mem>>) src(%arg5 : memref<10112xf32, #tpu.memory_space<vmem>>) dst(%dma_wait3A_19 : memref<10112xf32, #tpu.memory_space<hbm>>)
      tpu.yield
    }) : () -> ()
    return
  }
}

#map = affine_map<(d0, d1) -> (0, 0)>
#map1 = affine_map<(d0, d1) -> (0, 0, 0)>
module attributes {stable_mosaic.version = 14 : i64} {
  func.func @body(%arg0: i32, %arg1: i32, %arg2: memref<10000x128xf32, #tpu.memory_space<hbm>>, %arg3: memref<32x11136xi32, #tpu.memory_space<hbm>>, %arg4: memref<32x174x64xi32, #tpu.memory_space<hbm>>, %arg5: memref<2x10112x128xf32, #tpu.memory_space<hbm>>, %arg6: memref<11136xi32, #tpu.memory_space<vmem>>, %arg7: memref<174x64xi32, #tpu.memory_space<vmem>>, %arg8: memref<64x128xf32, #tpu.memory_space<vmem>>, %arg9: memref<64x128xf32, #tpu.memory_space<vmem>>, %arg10: memref<10112x128xf32, #tpu.memory_space<vmem_shared>>, %arg11: memref<!tpu.dma_semaphore, #tpu.memory_space<semaphore_mem>>, %arg12: memref<!tpu.dma_semaphore, #tpu.memory_space<semaphore_mem>>, %arg13: memref<!tpu.dma_semaphore, #tpu.memory_space<semaphore_mem>>, %arg14: memref<!tpu.dma_semaphore, #tpu.memory_space<semaphore_mem>>) attributes {dimension_semantics = [#tpu.dimension_semantics<core_parallel>, #tpu.dimension_semantics<subcore_parallel>], iteration_bounds = array<i64: 2, 16>, scalar_prefetch = 0 : i64, scratch_operands = 9 : i64, tpu.core_type = #tpu.core_type<sc_vector_subcore>, window_params = [{transform_indices = #map}, {transform_indices = #map}, {transform_indices = #map1}, {transform_indices = #map1}]} {
    %mul3A = arith.constant 16 : i32
    %mul3A_0 = arith.muli %arg0, %mul3A : i32
    %add3A = arith.addi %mul3A_0, %arg1 : i32
    %eq3A = arith.constant 0 : i32
    %eq3A_1 = arith.cmpi eq, %arg0, %eq3A : i32
    %jit3A = arith.constant 174 : i32
    %jit3A_2 = arith.constant 140 : i32
    %select_n3A = arith.select %eq3A_1, %jit3A, %jit3A_2 : i32
    %eq3A_3 = arith.constant 0 : i32
    %eq3A_4 = arith.cmpi eq, %arg0, %eq3A_3 : i32
    %jit3A_5 = arith.constant 86 : i32
    %jit3A_6 = arith.constant 69 : i32
    %select_n3A_7 = arith.select %eq3A_4, %jit3A_5, %jit3A_6 : i32
    %scan3A = arith.constant 0 : i32
    %scan3A_8 = arith.constant 64 : i32
    %scan3A_9 = arith.addi %scan3A, %scan3A_8 : i32
    %scan3A_10 = arith.constant 1 : i32
    scf.for %scan3A_63 = %scan3A to %scan3A_9 step %scan3A_10  : i32 {
      %mul3A_64 = arith.constant 1 : i32
      %mul3A_65 = arith.muli %scan3A_63, %mul3A_64 : i32
      %add3A_66 = arith.constant 0 : i32
      %add3A_67 = arith.addi %add3A_66, %mul3A_65 : i32
      %scan3A_68 = arith.constant 0 : i32
      %scan3A_69 = arith.constant 8 : i32
      %scan3A_70 = arith.addi %scan3A_68, %scan3A_69 : i32
      %scan3A_71 = arith.constant 1 : i32
      scf.for %scan3A_73 = %scan3A_68 to %scan3A_70 step %scan3A_71  : i32 {
        %mul3A_74 = arith.constant 16 : i32
        %mul3A_75 = arith.muli %scan3A_73, %mul3A_74 : i32
        %add3A_76 = arith.constant 0 : i32
        %add3A_77 = arith.addi %add3A_76, %mul3A_75 : i32
        %broadcast_in_dim3A = arith.constant 0.000000e+00 : f32
        %broadcast_in_dim3A_78 = vector.broadcast %broadcast_in_dim3A : f32 to vector<16xf32>
        %swap3A = arith.index_cast %add3A_67 : i32 to index
        %swap3A_79 = arith.index_cast %add3A_77 : i32 to index
        %swap3A_80 = tpu.vector_load %arg8[%swap3A, %swap3A_79] {strides = array<i32>} : memref<64x128xf32, #tpu.memory_space<vmem>>, vector<1x16xf32>,
        %swap3A_81 = vector.shape_cast %swap3A_80 : vector<1x16xf32> to vector<16xf32>
        %swap3A_82 = vector.shape_cast %broadcast_in_dim3A_78 : vector<16xf32> to vector<1x16xf32>
        tpu.vector_store %arg8[%swap3A, %swap3A_79], %swap3A_82 {strides = array<i32>} : memref<64x128xf32, #tpu.memory_space<vmem>>, vector<1x16xf32>,
      }
      %scan3A_72 = arith.constant 8 : i32
    }
    %scan3A_11 = arith.constant 64 : i32
    %scan3A_12 = arith.constant 0 : i32
    %scan3A_13 = arith.constant 9 : i32
    %scan3A_14 = arith.addi %scan3A_12, %scan3A_13 : i32
    %scan3A_15 = arith.constant 1 : i32
    scf.for %scan3A_63 = %scan3A_12 to %scan3A_14 step %scan3A_15  : i32 {
      %mul3A_64 = arith.constant 1 : i32
      %mul3A_65 = arith.muli %scan3A_63, %mul3A_64 : i32
      %add3A_66 = arith.constant 0 : i32
      %add3A_67 = arith.addi %add3A_66, %mul3A_65 : i32
      %mul3A_68 = arith.constant 632 : i32
      %mul3A_69 = arith.muli %arg1, %mul3A_68 : i32
      %mul3A_70 = arith.constant 64 : i32
      %mul3A_71 = arith.muli %add3A_67, %mul3A_70 : i32
      %add3A_72 = arith.addi %mul3A_69, %mul3A_71 : i32
      "tpu.region"() ({
        %run_scoped3A = tpu.sem_alloc : memref<!tpu.dma_semaphore, #tpu.memory_space<semaphore_mem>>
        %dma_start3A_73 = arith.constant 0 : i32
        %dma_start3A_74 = tpu.memref_slice %arg10[%add3A_72, %dma_start3A_73] : memref<10112x128xf32, #tpu.memory_space<vmem_shared>> -> memref<64x128xf32, #tpu.memory_space<vmem_shared>>
        %dma_start3A_75 = arith.constant 0 : i32
        %dma_start3A_76 = tpu.memref_slice %arg10[%add3A_72, %dma_start3A_75] : memref<10112x128xf32, #tpu.memory_space<vmem_shared>> -> memref<64x128xf32, #tpu.memory_space<vmem_shared>>
        tpu.enqueue_dma source(%arg8 : memref<64x128xf32, #tpu.memory_space<vmem>>) target(%dma_start3A_76 : memref<64x128xf32, #tpu.memory_space<vmem_shared>>) target_semaphore(%run_scoped3A : memref<!tpu.dma_semaphore, #tpu.memory_space<semaphore_mem>>)
        %dma_wait3A_77 = arith.constant 0 : i32
        %dma_wait3A_78 = tpu.memref_slice %arg10[%add3A_72, %dma_wait3A_77] : memref<10112x128xf32, #tpu.memory_space<vmem_shared>> -> memref<64x128xf32, #tpu.memory_space<vmem_shared>>
        %dma_wait3A_79 = arith.constant 0 : i32
        %dma_wait3A_80 = tpu.memref_slice %arg10[%add3A_72, %dma_wait3A_79] : memref<10112x128xf32, #tpu.memory_space<vmem_shared>> -> memref<64x128xf32, #tpu.memory_space<vmem_shared>>
        tpu.wait_dma2 semaphore(%run_scoped3A : memref<!tpu.dma_semaphore, #tpu.memory_space<semaphore_mem>>) src(%arg8 : memref<64x128xf32, #tpu.memory_space<vmem>>) dst(%dma_wait3A_80 : memref<64x128xf32, #tpu.memory_space<vmem_shared>>)
        tpu.yield
      }) : () -> ()
    }
    %scan3A_16 = arith.constant 9 : i32
    %mul3A_17 = arith.constant 632 : i32
    %mul3A_18 = arith.muli %arg1, %mul3A_17 : i32
    %add3A_19 = arith.constant 632 : i32
    %add3A_20 = arith.addi %mul3A_18, %add3A_19 : i32
    %sub3A = arith.constant 56 : i32
    %sub3A_21 = arith.subi %add3A_20, %sub3A : i32
    "tpu.region"() ({
      %run_scoped3A = tpu.sem_alloc : memref<!tpu.dma_semaphore, #tpu.memory_space<semaphore_mem>>
      %dma_start3A_63 = arith.constant 0 : i32
      %dma_start3A_64 = arith.constant 0 : i32
      %dma_start3A_65 = tpu.memref_slice %arg8[%dma_start3A_63, %dma_start3A_64] : memref<64x128xf32, #tpu.memory_space<vmem>> -> memref<56x128xf32, #tpu.memory_space<vmem>>
      %dma_start3A_66 = arith.constant 0 : i32
      %dma_start3A_67 = tpu.memref_slice %arg10[%sub3A_21, %dma_start3A_66] : memref<10112x128xf32, #tpu.memory_space<vmem_shared>> -> memref<56x128xf32, #tpu.memory_space<vmem_shared>>
      %dma_start3A_68 = arith.constant 0 : i32
      %dma_start3A_69 = tpu.memref_slice %arg10[%sub3A_21, %dma_start3A_68] : memref<10112x128xf32, #tpu.memory_space<vmem_shared>> -> memref<56x128xf32, #tpu.memory_space<vmem_shared>>
      %dma_start3A_70 = arith.constant 0 : i32
      %dma_start3A_71 = arith.constant 0 : i32
      %dma_start3A_72 = tpu.memref_slice %arg8[%dma_start3A_70, %dma_start3A_71] : memref<64x128xf32, #tpu.memory_space<vmem>> -> memref<56x128xf32, #tpu.memory_space<vmem>>
      tpu.enqueue_dma source(%dma_start3A_72 : memref<56x128xf32, #tpu.memory_space<vmem>>) target(%dma_start3A_69 : memref<56x128xf32, #tpu.memory_space<vmem_shared>>) target_semaphore(%run_scoped3A : memref<!tpu.dma_semaphore, #tpu.memory_space<semaphore_mem>>)
      %dma_wait3A_73 = arith.constant 0 : i32
      %dma_wait3A_74 = arith.constant 0 : i32
      %dma_wait3A_75 = tpu.memref_slice %arg8[%dma_wait3A_73, %dma_wait3A_74] : memref<64x128xf32, #tpu.memory_space<vmem>> -> memref<56x128xf32, #tpu.memory_space<vmem>>
      %dma_wait3A_76 = arith.constant 0 : i32
      %dma_wait3A_77 = tpu.memref_slice %arg10[%sub3A_21, %dma_wait3A_76] : memref<10112x128xf32, #tpu.memory_space<vmem_shared>> -> memref<56x128xf32, #tpu.memory_space<vmem_shared>>
      %dma_wait3A_78 = arith.constant 0 : i32
      %dma_wait3A_79 = tpu.memref_slice %arg10[%sub3A_21, %dma_wait3A_78] : memref<10112x128xf32, #tpu.memory_space<vmem_shared>> -> memref<56x128xf32, #tpu.memory_space<vmem_shared>>
      %dma_wait3A_80 = arith.constant 0 : i32
      %dma_wait3A_81 = arith.constant 0 : i32
      %dma_wait3A_82 = tpu.memref_slice %arg8[%dma_wait3A_80, %dma_wait3A_81] : memref<64x128xf32, #tpu.memory_space<vmem>> -> memref<56x128xf32, #tpu.memory_space<vmem>>
      tpu.wait_dma2 semaphore(%run_scoped3A : memref<!tpu.dma_semaphore, #tpu.memory_space<semaphore_mem>>) src(%dma_wait3A_82 : memref<56x128xf32, #tpu.memory_space<vmem>>) dst(%dma_wait3A_79 : memref<56x128xf32, #tpu.memory_space<vmem_shared>>)
      tpu.yield
    }) : () -> ()
    "tpu.region"() ({
      %run_scoped3A = tpu.sem_alloc : memref<!tpu.dma_semaphore, #tpu.memory_space<semaphore_mem>>
      %dma_start3A_63 = arith.constant 0 : i32
      %dma_start3A_64 = tpu.memref_slice %arg3[%add3A, %dma_start3A_63] : memref<32x11136xi32, #tpu.memory_space<hbm>> -> memref<1x11136xi32, #tpu.memory_space<hbm>>
      %dma_start3A_65 = tpu.memref_squeeze %dma_start3A_64 : memref<1x11136xi32, #tpu.memory_space<hbm>> -> memref<11136xi32, #tpu.memory_space<hbm>>
      %dma_start3A_66 = arith.constant 0 : i32
      %dma_start3A_67 = tpu.memref_slice %arg3[%add3A, %dma_start3A_66] : memref<32x11136xi32, #tpu.memory_space<hbm>> -> memref<1x11136xi32, #tpu.memory_space<hbm>>
      %dma_start3A_68 = tpu.memref_squeeze %dma_start3A_67 : memref<1x11136xi32, #tpu.memory_space<hbm>> -> memref<11136xi32, #tpu.memory_space<hbm>>
      tpu.enqueue_dma source(%dma_start3A_68 : memref<11136xi32, #tpu.memory_space<hbm>>) target(%arg6 : memref<11136xi32, #tpu.memory_space<vmem>>) target_semaphore(%run_scoped3A : memref<!tpu.dma_semaphore, #tpu.memory_space<semaphore_mem>>)
      %dma_wait3A_69 = arith.constant 0 : i32
      %dma_wait3A_70 = tpu.memref_slice %arg3[%add3A, %dma_wait3A_69] : memref<32x11136xi32, #tpu.memory_space<hbm>> -> memref<1x11136xi32, #tpu.memory_space<hbm>>
      %dma_wait3A_71 = tpu.memref_squeeze %dma_wait3A_70 : memref<1x11136xi32, #tpu.memory_space<hbm>> -> memref<11136xi32, #tpu.memory_space<hbm>>
      %dma_wait3A_72 = arith.constant 0 : i32
      %dma_wait3A_73 = tpu.memref_slice %arg3[%add3A, %dma_wait3A_72] : memref<32x11136xi32, #tpu.memory_space<hbm>> -> memref<1x11136xi32, #tpu.memory_space<hbm>>
      %dma_wait3A_74 = tpu.memref_squeeze %dma_wait3A_73 : memref<1x11136xi32, #tpu.memory_space<hbm>> -> memref<11136xi32, #tpu.memory_space<hbm>>
      tpu.wait_dma2 semaphore(%run_scoped3A : memref<!tpu.dma_semaphore, #tpu.memory_space<semaphore_mem>>) src(%dma_wait3A_74 : memref<11136xi32, #tpu.memory_space<hbm>>) dst(%arg6 : memref<11136xi32, #tpu.memory_space<vmem>>)
      tpu.yield
    }) : () -> ()
    "tpu.region"() ({
      %run_scoped3A = tpu.sem_alloc : memref<!tpu.dma_semaphore, #tpu.memory_space<semaphore_mem>>
      %dma_start3A_63 = arith.constant 0 : i32
      %dma_start3A_64 = arith.constant 0 : i32
      %dma_start3A_65 = tpu.memref_slice %arg4[%add3A, %dma_start3A_63, %dma_start3A_64] : memref<32x174x64xi32, #tpu.memory_space<hbm>> -> memref<1x174x64xi32, #tpu.memory_space<hbm>>
      %dma_start3A_66 = tpu.memref_squeeze %dma_start3A_65 : memref<1x174x64xi32, #tpu.memory_space<hbm>> -> memref<174x64xi32, #tpu.memory_space<hbm>>
      %dma_start3A_67 = arith.constant 0 : i32
      %dma_start3A_68 = arith.constant 0 : i32
      %dma_start3A_69 = tpu.memref_slice %arg4[%add3A, %dma_start3A_67, %dma_start3A_68] : memref<32x174x64xi32, #tpu.memory_space<hbm>> -> memref<1x174x64xi32, #tpu.memory_space<hbm>>
      %dma_start3A_70 = tpu.memref_squeeze %dma_start3A_69 : memref<1x174x64xi32, #tpu.memory_space<hbm>> -> memref<174x64xi32, #tpu.memory_space<hbm>>
      tpu.enqueue_dma source(%dma_start3A_70 : memref<174x64xi32, #tpu.memory_space<hbm>>) target(%arg7 : memref<174x64xi32, #tpu.memory_space<vmem>>) target_semaphore(%run_scoped3A : memref<!tpu.dma_semaphore, #tpu.memory_space<semaphore_mem>>)
      %dma_wait3A_71 = arith.constant 0 : i32
      %dma_wait3A_72 = arith.constant 0 : i32
      %dma_wait3A_73 = tpu.memref_slice %arg4[%add3A, %dma_wait3A_71, %dma_wait3A_72] : memref<32x174x64xi32, #tpu.memory_space<hbm>> -> memref<1x174x64xi32, #tpu.memory_space<hbm>>
      %dma_wait3A_74 = tpu.memref_squeeze %dma_wait3A_73 : memref<1x174x64xi32, #tpu.memory_space<hbm>> -> memref<174x64xi32, #tpu.memory_space<hbm>>
      %dma_wait3A_75 = arith.constant 0 : i32
      %dma_wait3A_76 = arith.constant 0 : i32
      %dma_wait3A_77 = tpu.memref_slice %arg4[%add3A, %dma_wait3A_75, %dma_wait3A_76] : memref<32x174x64xi32, #tpu.memory_space<hbm>> -> memref<1x174x64xi32, #tpu.memory_space<hbm>>
      %dma_wait3A_78 = tpu.memref_squeeze %dma_wait3A_77 : memref<1x174x64xi32, #tpu.memory_space<hbm>> -> memref<174x64xi32, #tpu.memory_space<hbm>>
      tpu.wait_dma2 semaphore(%run_scoped3A : memref<!tpu.dma_semaphore, #tpu.memory_space<semaphore_mem>>) src(%dma_wait3A_78 : memref<174x64xi32, #tpu.memory_space<hbm>>) dst(%arg7 : memref<174x64xi32, #tpu.memory_space<vmem>>)
      tpu.yield
    }) : () -> ()
    %barrier3A = arith.constant 0 : index
    tpu.barrier barrier_id(%barrier3A)
    %multiple_of3A = arith.constant 0 : i32
    %multiple_of3A_22 = tpu.assume_multiple %multiple_of3A, 64 : i32
    %dma_start3A = tpu.memref_slice %arg6[%multiple_of3A_22] : memref<11136xi32, #tpu.memory_space<vmem>> -> memref<64xi32, #tpu.memory_space<vmem>>
    %dma_start3A_23 = arith.constant 0 : i32
    %dma_start3A_24 = arith.constant 0 : i32
    %dma_start3A_25 = tpu.memref_slice %arg2[%dma_start3A_23, %dma_start3A_24] : memref<10000x128xf32, #tpu.memory_space<hbm>> -> memref<10000x128xf32, #tpu.memory_space<hbm>>
    tpu.enqueue_indirect_dma source(%dma_start3A_25 : memref<10000x128xf32, #tpu.memory_space<hbm>>) target(%arg8 : memref<64x128xf32, #tpu.memory_space<vmem>>) offsets(%dma_start3A : memref<64xi32, #tpu.memory_space<vmem>>) semaphore(%arg11 : memref<!tpu.dma_semaphore, #tpu.memory_space<semaphore_mem>>)
    %multiple_of3A_26 = arith.constant 64 : i32
    %multiple_of3A_27 = tpu.assume_multiple %multiple_of3A_26, 64 : i32
    %dma_start3A_28 = tpu.memref_slice %arg6[%multiple_of3A_27] : memref<11136xi32, #tpu.memory_space<vmem>> -> memref<64xi32, #tpu.memory_space<vmem>>
    %dma_start3A_29 = arith.constant 0 : i32
    %dma_start3A_30 = arith.constant 0 : i32
    %dma_start3A_31 = tpu.memref_slice %arg2[%dma_start3A_29, %dma_start3A_30] : memref<10000x128xf32, #tpu.memory_space<hbm>> -> memref<10000x128xf32, #tpu.memory_space<hbm>>
    tpu.enqueue_indirect_dma source(%dma_start3A_31 : memref<10000x128xf32, #tpu.memory_space<hbm>>) target(%arg9 : memref<64x128xf32, #tpu.memory_space<vmem>>) offsets(%dma_start3A_28 : memref<64xi32, #tpu.memory_space<vmem>>) semaphore(%arg12 : memref<!tpu.dma_semaphore, #tpu.memory_space<semaphore_mem>>)
    %scan3A_32 = arith.constant 0 : i32
    %scan3A_33 = arith.constant 86 : i32
    %scan3A_34 = arith.addi %scan3A_32, %scan3A_33 : i32
    %scan3A_35 = arith.constant 1 : i32
    scf.for %scan3A_63 = %scan3A_32 to %scan3A_34 step %scan3A_35  : i32 {
      %mul3A_64 = arith.constant 1 : i32
      %mul3A_65 = arith.muli %scan3A_63, %mul3A_64 : i32
      %add3A_66 = arith.constant 0 : i32
      %add3A_67 = arith.addi %add3A_66, %mul3A_65 : i32
      %lt3A = arith.cmpi slt, %add3A_67, %select_n3A_7 : i32
      %convert_element_type3A = arith.extui %lt3A : i1 to i32
      %cond3A = arith.constant 0 : i32
      %cond3A_68 = arith.cmpi ne, %convert_element_type3A, %cond3A : i32
      scf.if %cond3A_68 {
        %mul3A_69 = arith.constant 2 : i32
        %mul3A_70 = arith.muli %add3A_67, %mul3A_69 : i32
        %mul3A_71 = arith.constant 64 : i32
        %mul3A_72 = arith.muli %mul3A_70, %mul3A_71 : i32
        %multiple_of3A_73 = tpu.assume_multiple %mul3A_72, 64 : i32
        %dma_wait3A_74 = tpu.memref_slice %arg6[%multiple_of3A_73] : memref<11136xi32, #tpu.memory_space<vmem>> -> memref<64xi32, #tpu.memory_space<vmem>>
        %dma_wait3A_75 = arith.constant 0 : i32
        %dma_wait3A_76 = arith.constant 0 : i32
        %dma_wait3A_77 = tpu.memref_slice %arg2[%dma_wait3A_75, %dma_wait3A_76] : memref<10000x128xf32, #tpu.memory_space<hbm>> -> memref<10000x128xf32, #tpu.memory_space<hbm>>
        tpu.wait_indirect_dma semaphore(%arg11 : memref<!tpu.dma_semaphore, #tpu.memory_space<semaphore_mem>>) src(%dma_wait3A_77 : memref<10000x128xf32, #tpu.memory_space<hbm>>) dst(%arg8 : memref<64x128xf32, #tpu.memory_space<vmem>>)
        "tpu.region"() ({
          %run_scoped3A = tpu.sem_alloc : memref<!tpu.dma_semaphore, #tpu.memory_space<semaphore_mem>>
          %dma_start3A_107 = arith.constant 0 : i32
          %dma_start3A_108 = tpu.memref_slice %arg7[%mul3A_70, %dma_start3A_107] : memref<174x64xi32, #tpu.memory_space<vmem>> -> memref<1x64xi32, #tpu.memory_space<vmem>>
          %dma_start3A_109 = tpu.memref_squeeze %dma_start3A_108 : memref<1x64xi32, #tpu.memory_space<vmem>> -> memref<64xi32, #tpu.memory_space<vmem>>
          %dma_start3A_110 = arith.constant 0 : i32
          %dma_start3A_111 = arith.constant 0 : i32
          %dma_start3A_112 = tpu.memref_slice %arg10[%dma_start3A_110, %dma_start3A_111] : memref<10112x128xf32, #tpu.memory_space<vmem_shared>> -> memref<10112x128xf32, #tpu.memory_space<vmem_shared>>
          tpu.enqueue_indirect_dma source(%arg8 : memref<64x128xf32, #tpu.memory_space<vmem>>) target(%dma_start3A_112 : memref<10112x128xf32, #tpu.memory_space<vmem_shared>>) offsets(%dma_start3A_109 : memref<64xi32, #tpu.memory_space<vmem>>) semaphore(%run_scoped3A : memref<!tpu.dma_semaphore, #tpu.memory_space<semaphore_mem>>) {add = true}
          %dma_wait3A_113 = arith.constant 0 : i32
          %dma_wait3A_114 = tpu.memref_slice %arg7[%mul3A_70, %dma_wait3A_113] : memref<174x64xi32, #tpu.memory_space<vmem>> -> memref<1x64xi32, #tpu.memory_space<vmem>>
          %dma_wait3A_115 = tpu.memref_squeeze %dma_wait3A_114 : memref<1x64xi32, #tpu.memory_space<vmem>> -> memref<64xi32, #tpu.memory_space<vmem>>
          %dma_wait3A_116 = arith.constant 0 : i32
          %dma_wait3A_117 = arith.constant 0 : i32
          %dma_wait3A_118 = tpu.memref_slice %arg10[%dma_wait3A_116, %dma_wait3A_117] : memref<10112x128xf32, #tpu.memory_space<vmem_shared>> -> memref<10112x128xf32, #tpu.memory_space<vmem_shared>>
          tpu.wait_indirect_dma semaphore(%run_scoped3A : memref<!tpu.dma_semaphore, #tpu.memory_space<semaphore_mem>>) src(%arg8 : memref<64x128xf32, #tpu.memory_space<vmem>>) dst(%dma_wait3A_118 : memref<10112x128xf32, #tpu.memory_space<vmem_shared>>)
          tpu.yield
        }) : () -> ()
        %add3A_78 = arith.constant 2 : i32
        %add3A_79 = arith.addi %mul3A_70, %add3A_78 : i32
        %mul3A_80 = arith.constant 64 : i32
        %mul3A_81 = arith.muli %add3A_79, %mul3A_80 : i32
        %multiple_of3A_82 = tpu.assume_multiple %mul3A_81, 64 : i32
        %dma_start3A_83 = tpu.memref_slice %arg6[%multiple_of3A_82] : memref<11136xi32, #tpu.memory_space<vmem>> -> memref<64xi32, #tpu.memory_space<vmem>>
        %dma_start3A_84 = arith.constant 0 : i32
        %dma_start3A_85 = arith.constant 0 : i32
        %dma_start3A_86 = tpu.memref_slice %arg2[%dma_start3A_84, %dma_start3A_85] : memref<10000x128xf32, #tpu.memory_space<hbm>> -> memref<10000x128xf32, #tpu.memory_space<hbm>>
        tpu.enqueue_indirect_dma source(%dma_start3A_86 : memref<10000x128xf32, #tpu.memory_space<hbm>>) target(%arg8 : memref<64x128xf32, #tpu.memory_space<vmem>>) offsets(%dma_start3A_83 : memref<64xi32, #tpu.memory_space<vmem>>) semaphore(%arg11 : memref<!tpu.dma_semaphore, #tpu.memory_space<semaphore_mem>>)
        %add3A_87 = arith.constant 1 : i32
        %add3A_88 = arith.addi %mul3A_70, %add3A_87 : i32
        %mul3A_89 = arith.constant 64 : i32
        %mul3A_90 = arith.muli %add3A_88, %mul3A_89 : i32
        %multiple_of3A_91 = tpu.assume_multiple %mul3A_90, 64 : i32
        %dma_wait3A_92 = tpu.memref_slice %arg6[%multiple_of3A_91] : memref<11136xi32, #tpu.memory_space<vmem>> -> memref<64xi32, #tpu.memory_space<vmem>>
        %dma_wait3A_93 = arith.constant 0 : i32
        %dma_wait3A_94 = arith.constant 0 : i32
        %dma_wait3A_95 = tpu.memref_slice %arg2[%dma_wait3A_93, %dma_wait3A_94] : memref<10000x128xf32, #tpu.memory_space<hbm>> -> memref<10000x128xf32, #tpu.memory_space<hbm>>
        tpu.wait_indirect_dma semaphore(%arg12 : memref<!tpu.dma_semaphore, #tpu.memory_space<semaphore_mem>>) src(%dma_wait3A_95 : memref<10000x128xf32, #tpu.memory_space<hbm>>) dst(%arg9 : memref<64x128xf32, #tpu.memory_space<vmem>>)
        %add3A_96 = arith.constant 1 : i32
        %add3A_97 = arith.addi %mul3A_70, %add3A_96 : i32
        "tpu.region"() ({
          %run_scoped3A = tpu.sem_alloc : memref<!tpu.dma_semaphore, #tpu.memory_space<semaphore_mem>>
          %dma_start3A_107 = arith.constant 0 : i32
          %dma_start3A_108 = tpu.memref_slice %arg7[%add3A_97, %dma_start3A_107] : memref<174x64xi32, #tpu.memory_space<vmem>> -> memref<1x64xi32, #tpu.memory_space<vmem>>
          %dma_start3A_109 = tpu.memref_squeeze %dma_start3A_108 : memref<1x64xi32, #tpu.memory_space<vmem>> -> memref<64xi32, #tpu.memory_space<vmem>>
          %dma_start3A_110 = arith.constant 0 : i32
          %dma_start3A_111 = arith.constant 0 : i32
          %dma_start3A_112 = tpu.memref_slice %arg10[%dma_start3A_110, %dma_start3A_111] : memref<10112x128xf32, #tpu.memory_space<vmem_shared>> -> memref<10112x128xf32, #tpu.memory_space<vmem_shared>>
          tpu.enqueue_indirect_dma source(%arg9 : memref<64x128xf32, #tpu.memory_space<vmem>>) target(%dma_start3A_112 : memref<10112x128xf32, #tpu.memory_space<vmem_shared>>) offsets(%dma_start3A_109 : memref<64xi32, #tpu.memory_space<vmem>>) semaphore(%run_scoped3A : memref<!tpu.dma_semaphore, #tpu.memory_space<semaphore_mem>>) {add = true}
          %dma_wait3A_113 = arith.constant 0 : i32
          %dma_wait3A_114 = tpu.memref_slice %arg7[%add3A_97, %dma_wait3A_113] : memref<174x64xi32, #tpu.memory_space<vmem>> -> memref<1x64xi32, #tpu.memory_space<vmem>>
          %dma_wait3A_115 = tpu.memref_squeeze %dma_wait3A_114 : memref<1x64xi32, #tpu.memory_space<vmem>> -> memref<64xi32, #tpu.memory_space<vmem>>
          %dma_wait3A_116 = arith.constant 0 : i32
          %dma_wait3A_117 = arith.constant 0 : i32
          %dma_wait3A_118 = tpu.memref_slice %arg10[%dma_wait3A_116, %dma_wait3A_117] : memref<10112x128xf32, #tpu.memory_space<vmem_shared>> -> memref<10112x128xf32, #tpu.memory_space<vmem_shared>>
          tpu.wait_indirect_dma semaphore(%run_scoped3A : memref<!tpu.dma_semaphore, #tpu.memory_space<semaphore_mem>>) src(%arg9 : memref<64x128xf32, #tpu.memory_space<vmem>>) dst(%dma_wait3A_118 : memref<10112x128xf32, #tpu.memory_space<vmem_shared>>)
          tpu.yield
        }) : () -> ()
        %add3A_98 = arith.constant 3 : i32
        %add3A_99 = arith.addi %mul3A_70, %add3A_98 : i32
        %mul3A_100 = arith.constant 64 : i32
        %mul3A_101 = arith.muli %add3A_99, %mul3A_100 : i32
        %multiple_of3A_102 = tpu.assume_multiple %mul3A_101, 64 : i32
        %dma_start3A_103 = tpu.memref_slice %arg6[%multiple_of3A_102] : memref<11136xi32, #tpu.memory_space<vmem>> -> memref<64xi32, #tpu.memory_space<vmem>>
        %dma_start3A_104 = arith.constant 0 : i32
        %dma_start3A_105 = arith.constant 0 : i32
        %dma_start3A_106 = tpu.memref_slice %arg2[%dma_start3A_104, %dma_start3A_105] : memref<10000x128xf32, #tpu.memory_space<hbm>> -> memref<10000x128xf32, #tpu.memory_space<hbm>>
        tpu.enqueue_indirect_dma source(%dma_start3A_106 : memref<10000x128xf32, #tpu.memory_space<hbm>>) target(%arg9 : memref<64x128xf32, #tpu.memory_space<vmem>>) offsets(%dma_start3A_103 : memref<64xi32, #tpu.memory_space<vmem>>) semaphore(%arg12 : memref<!tpu.dma_semaphore, #tpu.memory_space<semaphore_mem>>)
      } else {
      }
    }
    %scan3A_36 = arith.constant 86 : i32
    %sub3A_37 = arith.constant 2 : i32
    %sub3A_38 = arith.subi %select_n3A, %sub3A_37 : i32
    %mul3A_39 = arith.constant 64 : i32
    %mul3A_40 = arith.muli %sub3A_38, %mul3A_39 : i32
    %multiple_of3A_41 = tpu.assume_multiple %mul3A_40, 64 : i32
    %dma_wait3A = tpu.memref_slice %arg6[%multiple_of3A_41] : memref<11136xi32, #tpu.memory_space<vmem>> -> memref<64xi32, #tpu.memory_space<vmem>>
    %dma_wait3A_42 = arith.constant 0 : i32
    %dma_wait3A_43 = arith.constant 0 : i32
    %dma_wait3A_44 = tpu.memref_slice %arg2[%dma_wait3A_42, %dma_wait3A_43] : memref<10000x128xf32, #tpu.memory_space<hbm>> -> memref<10000x128xf32, #tpu.memory_space<hbm>>
    tpu.wait_indirect_dma semaphore(%arg11 : memref<!tpu.dma_semaphore, #tpu.memory_space<semaphore_mem>>) src(%dma_wait3A_44 : memref<10000x128xf32, #tpu.memory_space<hbm>>) dst(%arg8 : memref<64x128xf32, #tpu.memory_space<vmem>>)
    %sub3A_45 = arith.constant 2 : i32
    %sub3A_46 = arith.subi %select_n3A, %sub3A_45 : i32
    "tpu.region"() ({
      %run_scoped3A = tpu.sem_alloc : memref<!tpu.dma_semaphore, #tpu.memory_space<semaphore_mem>>
      %dma_start3A_63 = arith.constant 0 : i32
      %dma_start3A_64 = tpu.memref_slice %arg7[%sub3A_46, %dma_start3A_63] : memref<174x64xi32, #tpu.memory_space<vmem>> -> memref<1x64xi32, #tpu.memory_space<vmem>>
      %dma_start3A_65 = tpu.memref_squeeze %dma_start3A_64 : memref<1x64xi32, #tpu.memory_space<vmem>> -> memref<64xi32, #tpu.memory_space<vmem>>
      %dma_start3A_66 = arith.constant 0 : i32
      %dma_start3A_67 = arith.constant 0 : i32
      %dma_start3A_68 = tpu.memref_slice %arg10[%dma_start3A_66, %dma_start3A_67] : memref<10112x128xf32, #tpu.memory_space<vmem_shared>> -> memref<10112x128xf32, #tpu.memory_space<vmem_shared>>
      tpu.enqueue_indirect_dma source(%arg8 : memref<64x128xf32, #tpu.memory_space<vmem>>) target(%dma_start3A_68 : memref<10112x128xf32, #tpu.memory_space<vmem_shared>>) offsets(%dma_start3A_65 : memref<64xi32, #tpu.memory_space<vmem>>) semaphore(%run_scoped3A : memref<!tpu.dma_semaphore, #tpu.memory_space<semaphore_mem>>) {add = true}
      %dma_wait3A_69 = arith.constant 0 : i32
      %dma_wait3A_70 = tpu.memref_slice %arg7[%sub3A_46, %dma_wait3A_69] : memref<174x64xi32, #tpu.memory_space<vmem>> -> memref<1x64xi32, #tpu.memory_space<vmem>>
      %dma_wait3A_71 = tpu.memref_squeeze %dma_wait3A_70 : memref<1x64xi32, #tpu.memory_space<vmem>> -> memref<64xi32, #tpu.memory_space<vmem>>
      %dma_wait3A_72 = arith.constant 0 : i32
      %dma_wait3A_73 = arith.constant 0 : i32
      %dma_wait3A_74 = tpu.memref_slice %arg10[%dma_wait3A_72, %dma_wait3A_73] : memref<10112x128xf32, #tpu.memory_space<vmem_shared>> -> memref<10112x128xf32, #tpu.memory_space<vmem_shared>>
      tpu.wait_indirect_dma semaphore(%run_scoped3A : memref<!tpu.dma_semaphore, #tpu.memory_space<semaphore_mem>>) src(%arg8 : memref<64x128xf32, #tpu.memory_space<vmem>>) dst(%dma_wait3A_74 : memref<10112x128xf32, #tpu.memory_space<vmem_shared>>)
      tpu.yield
    }) : () -> ()
    %sub3A_47 = arith.constant 1 : i32
    %sub3A_48 = arith.subi %select_n3A, %sub3A_47 : i32
    %mul3A_49 = arith.constant 64 : i32
    %mul3A_50 = arith.muli %sub3A_48, %mul3A_49 : i32
    %multiple_of3A_51 = tpu.assume_multiple %mul3A_50, 64 : i32
    %dma_wait3A_52 = tpu.memref_slice %arg6[%multiple_of3A_51] : memref<11136xi32, #tpu.memory_space<vmem>> -> memref<64xi32, #tpu.memory_space<vmem>>
    %dma_wait3A_53 = arith.constant 0 : i32
    %dma_wait3A_54 = arith.constant 0 : i32
    %dma_wait3A_55 = tpu.memref_slice %arg2[%dma_wait3A_53, %dma_wait3A_54] : memref<10000x128xf32, #tpu.memory_space<hbm>> -> memref<10000x128xf32, #tpu.memory_space<hbm>>
    tpu.wait_indirect_dma semaphore(%arg12 : memref<!tpu.dma_semaphore, #tpu.memory_space<semaphore_mem>>) src(%dma_wait3A_55 : memref<10000x128xf32, #tpu.memory_space<hbm>>) dst(%arg9 : memref<64x128xf32, #tpu.memory_space<vmem>>)
    %sub3A_56 = arith.constant 1 : i32
    %sub3A_57 = arith.subi %select_n3A, %sub3A_56 : i32
    "tpu.region"() ({
      %run_scoped3A = tpu.sem_alloc : memref<!tpu.dma_semaphore, #tpu.memory_space<semaphore_mem>>
      %dma_start3A_63 = arith.constant 0 : i32
      %dma_start3A_64 = tpu.memref_slice %arg7[%sub3A_57, %dma_start3A_63] : memref<174x64xi32, #tpu.memory_space<vmem>> -> memref<1x64xi32, #tpu.memory_space<vmem>>
      %dma_start3A_65 = tpu.memref_squeeze %dma_start3A_64 : memref<1x64xi32, #tpu.memory_space<vmem>> -> memref<64xi32, #tpu.memory_space<vmem>>
      %dma_start3A_66 = arith.constant 0 : i32
      %dma_start3A_67 = arith.constant 0 : i32
      %dma_start3A_68 = tpu.memref_slice %arg10[%dma_start3A_66, %dma_start3A_67] : memref<10112x128xf32, #tpu.memory_space<vmem_shared>> -> memref<10112x128xf32, #tpu.memory_space<vmem_shared>>
      tpu.enqueue_indirect_dma source(%arg9 : memref<64x128xf32, #tpu.memory_space<vmem>>) target(%dma_start3A_68 : memref<10112x128xf32, #tpu.memory_space<vmem_shared>>) offsets(%dma_start3A_65 : memref<64xi32, #tpu.memory_space<vmem>>) semaphore(%run_scoped3A : memref<!tpu.dma_semaphore, #tpu.memory_space<semaphore_mem>>) {add = true}
      %dma_wait3A_69 = arith.constant 0 : i32
      %dma_wait3A_70 = tpu.memref_slice %arg7[%sub3A_57, %dma_wait3A_69] : memref<174x64xi32, #tpu.memory_space<vmem>> -> memref<1x64xi32, #tpu.memory_space<vmem>>
      %dma_wait3A_71 = tpu.memref_squeeze %dma_wait3A_70 : memref<1x64xi32, #tpu.memory_space<vmem>> -> memref<64xi32, #tpu.memory_space<vmem>>
      %dma_wait3A_72 = arith.constant 0 : i32
      %dma_wait3A_73 = arith.constant 0 : i32
      %dma_wait3A_74 = tpu.memref_slice %arg10[%dma_wait3A_72, %dma_wait3A_73] : memref<10112x128xf32, #tpu.memory_space<vmem_shared>> -> memref<10112x128xf32, #tpu.memory_space<vmem_shared>>
      tpu.wait_indirect_dma semaphore(%run_scoped3A : memref<!tpu.dma_semaphore, #tpu.memory_space<semaphore_mem>>) src(%arg9 : memref<64x128xf32, #tpu.memory_space<vmem>>) dst(%dma_wait3A_74 : memref<10112x128xf32, #tpu.memory_space<vmem_shared>>)
      tpu.yield
    }) : () -> ()
    %barrier3A_58 = arith.constant 0 : index
    tpu.barrier barrier_id(%barrier3A_58)
    %mul3A_59 = arith.constant 632 : i32
    %mul3A_60 = arith.muli %arg1, %mul3A_59 : i32
    %mul3A_61 = arith.constant 632 : i32
    %mul3A_62 = arith.muli %arg1, %mul3A_61 : i32
    "tpu.region"() ({
      %run_scoped3A = tpu.sem_alloc : memref<!tpu.dma_semaphore, #tpu.memory_space<semaphore_mem>>
      %dma_start3A_63 = arith.constant 0 : i32
      %dma_start3A_64 = tpu.memref_slice %arg5[%arg0, %mul3A_62, %dma_start3A_63] : memref<2x10112x128xf32, #tpu.memory_space<hbm>> -> memref<1x632x128xf32, #tpu.memory_space<hbm>>
      %dma_start3A_65 = tpu.memref_squeeze %dma_start3A_64 : memref<1x632x128xf32, #tpu.memory_space<hbm>> -> memref<632x128xf32, #tpu.memory_space<hbm>>
      %dma_start3A_66 = arith.constant 0 : i32
      %dma_start3A_67 = tpu.memref_slice %arg10[%mul3A_60, %dma_start3A_66] : memref<10112x128xf32, #tpu.memory_space<vmem_shared>> -> memref<632x128xf32, #tpu.memory_space<vmem_shared>>
      tpu.enqueue_dma source(%dma_start3A_67 : memref<632x128xf32, #tpu.memory_space<vmem_shared>>) target(%dma_start3A_65 : memref<632x128xf32, #tpu.memory_space<hbm>>) target_semaphore(%run_scoped3A : memref<!tpu.dma_semaphore, #tpu.memory_space<semaphore_mem>>)
      %dma_wait3A_68 = arith.constant 0 : i32
      %dma_wait3A_69 = tpu.memref_slice %arg5[%arg0, %mul3A_62, %dma_wait3A_68] : memref<2x10112x128xf32, #tpu.memory_space<hbm>> -> memref<1x632x128xf32, #tpu.memory_space<hbm>>
      %dma_wait3A_70 = tpu.memref_squeeze %dma_wait3A_69 : memref<1x632x128xf32, #tpu.memory_space<hbm>> -> memref<632x128xf32, #tpu.memory_space<hbm>>
      %dma_wait3A_71 = arith.constant 0 : i32
      %dma_wait3A_72 = tpu.memref_slice %arg10[%mul3A_60, %dma_wait3A_71] : memref<10112x128xf32, #tpu.memory_space<vmem_shared>> -> memref<632x128xf32, #tpu.memory_space<vmem_shared>>
      tpu.wait_dma2 semaphore(%run_scoped3A : memref<!tpu.dma_semaphore, #tpu.memory_space<semaphore_mem>>) src(%dma_wait3A_72 : memref<632x128xf32, #tpu.memory_space<vmem_shared>>) dst(%dma_wait3A_70 : memref<632x128xf32, #tpu.memory_space<hbm>>)
      tpu.yield
    }) : () -> ()
    return
  }
}

module attributes {stable_mosaic.version = 14 : i64} {
  func.func @_prep_body(%arg0: i32, %arg1: memref<2048x128xf32, #tpu.memory_space<vmem>>, %arg2: memref<128x256xf32, #tpu.memory_space<vmem>>, %arg3: memref<1x128xf32, #tpu.memory_space<vmem>>, %arg4: memref<2048x128xf32, #tpu.memory_space<vmem>>, %arg5: memref<2048x128xf32, #tpu.memory_space<vmem>>) attributes {dimension_semantics = [#tpu.dimension_semantics<arbitrary>], iteration_bounds = array<i64: 5>, scalar_prefetch = 0 : i64, scratch_operands = 0 : i64, tpu.core_type = #tpu.core_type<tc>, window_params = [{transform_indices = @transform_0, window_bounds = array<i64: 2048, 128>}, {pipeline_mode = #tpu.pipeline_mode<synchronous>, transform_indices = @transform_1, window_bounds = array<i64: 128, 256>}, {pipeline_mode = #tpu.pipeline_mode<synchronous>, transform_indices = @transform_2, window_bounds = array<i64: 1, 128>}, {transform_indices = @transform_3, window_bounds = array<i64: 2048, 128>}, {transform_indices = @transform_4, window_bounds = array<i64: 2048, 128>}]} {
    %get3A = arith.constant 0 : index
    %get3A_0 = arith.constant 0 : index
    %get3A_1 = vector.load %arg1[%get3A, %get3A_0] : memref<2048x128xf32, #tpu.memory_space<vmem>>, vector<2048x128xf32>
    %get3A_2 = arith.constant 0 : index
    %get3A_3 = arith.constant 0 : index
    %get3A_4 = vector.load %arg2[%get3A_2, %get3A_3] : memref<128x256xf32, #tpu.memory_space<vmem>>, vector<128x256xf32>
    %dot_general3A = arith.constant dense<0.000000e+00> : vector<2048x256xf32>
    %dot_general3A_5 = tpu.matmul %get3A_1, %get3A_4, %dot_general3A {dimension_numbers = #tpu.dot_dimension_numbers<[1], [0], [0], [1], [0, 0, 1, 1], [], []>, transpose_lhs_hint = false} : vector<2048x128xf32>, vector<128x256xf32>, vector<2048x256xf32> -> vector<2048x256xf32>
    %slice3A = vector.extract_strided_slice %dot_general3A_5 {offsets = [0, 0], sizes = [2048, 128], strides = [1, 1]} : vector<2048x256xf32> to vector<2048x128xf32>
    %swap3A = arith.constant 0 : index
    %swap3A_6 = arith.constant 0 : index
    %swap3A_7 = vector.load %arg4[%swap3A, %swap3A_6] : memref<2048x128xf32, #tpu.memory_space<vmem>>, vector<2048x128xf32>
    tpu.vector_store %arg4[%swap3A, %swap3A_6], %slice3A {strides = array<i32>} : memref<2048x128xf32, #tpu.memory_space<vmem>>, vector<2048x128xf32>,
    %slice3A_8 = vector.extract_strided_slice %dot_general3A_5 {offsets = [0, 128], sizes = [2048, 128], strides = [1, 1]} : vector<2048x256xf32> to vector<2048x128xf32>
    %get3A_9 = arith.constant 0 : index
    %get3A_10 = arith.constant 0 : index
    %get3A_11 = vector.load %arg3[%get3A_9, %get3A_10] : memref<1x128xf32, #tpu.memory_space<vmem>>, vector<1x128xf32>
    %add3A = vector.broadcast %get3A_11 : vector<1x128xf32> to vector<2048x128xf32>
    %add3A_12 = arith.addf %slice3A_8, %add3A : vector<2048x128xf32>
    %swap3A_13 = arith.constant 0 : index
    %swap3A_14 = arith.constant 0 : index
    %swap3A_15 = vector.load %arg5[%swap3A_13, %swap3A_14] : memref<2048x128xf32, #tpu.memory_space<vmem>>, vector<2048x128xf32>
    tpu.vector_store %arg5[%swap3A_13, %swap3A_14], %add3A_12 {strides = array<i32>} : memref<2048x128xf32, #tpu.memory_space<vmem>>, vector<2048x128xf32>,
    return
  }
  func.func @transform_0(%arg0: i32) -> (i32, i32) {
    %c0_i32 = arith.constant 0 : i32
    %c0_i32_0 = arith.constant 0 : i32
    return %arg0, %c0_i32 : i32, i32
  }
  func.func @transform_1(%arg0: i32) -> (i32, i32) {
    %c0_i32 = arith.constant 0 : i32
    %c0_i32_0 = arith.constant 0 : i32
    %c0_i32_1 = arith.constant 0 : i32
    return %c0_i32, %c0_i32_0 : i32, i32
  }
  func.func @transform_2(%arg0: i32) -> (i32, i32) {
    %c0_i32 = arith.constant 0 : i32
    %c0_i32_0 = arith.constant 0 : i32
    %c0_i32_1 = arith.constant 0 : i32
    return %c0_i32, %c0_i32_0 : i32, i32
  }
  func.func @transform_3(%arg0: i32) -> (i32, i32) {
    %c0_i32 = arith.constant 0 : i32
    %c0_i32_0 = arith.constant 0 : i32
    return %arg0, %c0_i32 : i32, i32
  }
  func.func @transform_4(%arg0: i32) -> (i32, i32) {
    %c0_i32 = arith.constant 0 : i32
    %c0_i32_0 = arith.constant 0 : i32
    return %arg0, %c0_i32 : i32, i32
  }
}

module attributes {stable_mosaic.version = 14 : i64} {
  func.func @_mid_body(%arg0: i32, %arg1: memref<2x2048x128xf32, #tpu.memory_space<vmem>>, %arg2: memref<32x2048xf32, #tpu.memory_space<vmem>>, %arg3: memref<2048x128xf32, #tpu.memory_space<vmem>>, %arg4: memref<128x256xf32, #tpu.memory_space<vmem>>, %arg5: memref<1x128xf32, #tpu.memory_space<vmem>>, %arg6: memref<2048x128xf32, #tpu.memory_space<vmem>>, %arg7: memref<2048x128xf32, #tpu.memory_space<vmem>>) attributes {dimension_semantics = [#tpu.dimension_semantics<arbitrary>], iteration_bounds = array<i64: 5>, scalar_prefetch = 0 : i64, scratch_operands = 0 : i64, tpu.core_type = #tpu.core_type<tc>, window_params = [{transform_indices = @transform_0, window_bounds = array<i64: 2, 2048, 128>}, {transform_indices = @transform_1, window_bounds = array<i64: 32, 2048>}, {transform_indices = @transform_2, window_bounds = array<i64: 2048, 128>}, {pipeline_mode = #tpu.pipeline_mode<synchronous>, transform_indices = @transform_3, window_bounds = array<i64: 128, 256>}, {pipeline_mode = #tpu.pipeline_mode<synchronous>, transform_indices = @transform_4, window_bounds = array<i64: 1, 128>}, {transform_indices = @transform_5, window_bounds = array<i64: 2048, 128>}, {transform_indices = @transform_6, window_bounds = array<i64: 2048, 128>}]} {
    %get3A = arith.constant 0 : index
    %get3A_0 = arith.constant 0 : index
    %get3A_1 = arith.constant 0 : index
    %get3A_2 = vector.load %arg1[%get3A, %get3A_0, %get3A_1] : memref<2x2048x128xf32, #tpu.memory_space<vmem>>, vector<1x2048x128xf32>
    %get3A_3 = vector.shape_cast %get3A_2 : vector<1x2048x128xf32> to vector<2048x128xf32>
    %get3A_4 = arith.constant 1 : index
    %get3A_5 = arith.constant 0 : index
    %get3A_6 = arith.constant 0 : index
    %get3A_7 = vector.load %arg1[%get3A_4, %get3A_5, %get3A_6] : memref<2x2048x128xf32, #tpu.memory_space<vmem>>, vector<1x2048x128xf32>
    %get3A_8 = vector.shape_cast %get3A_7 : vector<1x2048x128xf32> to vector<2048x128xf32>
    %add3A = arith.addf %get3A_3, %get3A_8 : vector<2048x128xf32>
    %get3A_9 = arith.constant 0 : index
    %get3A_10 = arith.constant 0 : index
    %get3A_11 = vector.load %arg2[%get3A_9, %get3A_10] : memref<32x2048xf32, #tpu.memory_space<vmem>>, vector<32x2048xf32>
    %broadcast_in_dim3A = arith.constant 1.000000e+00 : f32
    %broadcast_in_dim3A_12 = vector.broadcast %broadcast_in_dim3A : f32 to vector<32x1xf32>
    %dot_general3A = arith.constant dense<0.000000e+00> : vector<2048x1xf32>
    %dot_general3A_13 = tpu.matmul %get3A_11, %broadcast_in_dim3A_12, %dot_general3A {dimension_numbers = #tpu.dot_dimension_numbers<[0], [0], [1], [1], [0, 1, 1, 1], [], []>, transpose_lhs_hint = false} : vector<32x2048xf32>, vector<32x1xf32>, vector<2048x1xf32> -> vector<2048x1xf32>
    %max3A = arith.constant 1.000000e+00 : f32
    %max3A_14 = vector.broadcast %max3A : f32 to vector<2048x1xf32>
    %max3A_15 = arith.maximumf %dot_general3A_13, %max3A_14 : vector<2048x1xf32>
    %div3A = arith.constant 1.000000e+00 : f32
    %div3A_16 = vector.broadcast %div3A : f32 to vector<2048x1xf32>
    %div3A_17 = arith.divf %div3A_16, %max3A_15 : vector<2048x1xf32>
    %mul3A = vector.broadcast %div3A_17 : vector<2048x1xf32> to vector<2048x128xf32>
    %mul3A_18 = arith.mulf %add3A, %mul3A : vector<2048x128xf32>
    %get3A_19 = arith.constant 0 : index
    %get3A_20 = arith.constant 0 : index
    %get3A_21 = vector.load %arg3[%get3A_19, %get3A_20] : memref<2048x128xf32, #tpu.memory_space<vmem>>, vector<2048x128xf32>
    %add3A_22 = arith.addf %mul3A_18, %get3A_21 : vector<2048x128xf32>
    %max3A_23 = arith.constant 0.000000e+00 : f32
    %max3A_24 = vector.broadcast %max3A_23 : f32 to vector<2048x128xf32>
    %max3A_25 = arith.maximumf %add3A_22, %max3A_24 : vector<2048x128xf32>
    %get3A_26 = arith.constant 0 : index
    %get3A_27 = arith.constant 0 : index
    %get3A_28 = vector.load %arg4[%get3A_26, %get3A_27] : memref<128x256xf32, #tpu.memory_space<vmem>>, vector<128x256xf32>
    %dot_general3A_29 = arith.constant dense<0.000000e+00> : vector<2048x256xf32>
    %dot_general3A_30 = tpu.matmul %max3A_25, %get3A_28, %dot_general3A_29 {dimension_numbers = #tpu.dot_dimension_numbers<[1], [0], [0], [1], [0, 0, 1, 1], [], []>, transpose_lhs_hint = false} : vector<2048x128xf32>, vector<128x256xf32>, vector<2048x256xf32> -> vector<2048x256xf32>
    %slice3A = vector.extract_strided_slice %dot_general3A_30 {offsets = [0, 0], sizes = [2048, 128], strides = [1, 1]} : vector<2048x256xf32> to vector<2048x128xf32>
    %swap3A = arith.constant 0 : index
    %swap3A_31 = arith.constant 0 : index
    %swap3A_32 = vector.load %arg6[%swap3A, %swap3A_31] : memref<2048x128xf32, #tpu.memory_space<vmem>>, vector<2048x128xf32>
    tpu.vector_store %arg6[%swap3A, %swap3A_31], %slice3A {strides = array<i32>} : memref<2048x128xf32, #tpu.memory_space<vmem>>, vector<2048x128xf32>,
    %slice3A_33 = vector.extract_strided_slice %dot_general3A_30 {offsets = [0, 128], sizes = [2048, 128], strides = [1, 1]} : vector<2048x256xf32> to vector<2048x128xf32>
    %get3A_34 = arith.constant 0 : index
    %get3A_35 = arith.constant 0 : index
    %get3A_36 = vector.load %arg5[%get3A_34, %get3A_35] : memref<1x128xf32, #tpu.memory_space<vmem>>, vector<1x128xf32>
    %add3A_37 = vector.broadcast %get3A_36 : vector<1x128xf32> to vector<2048x128xf32>
    %add3A_38 = arith.addf %slice3A_33, %add3A_37 : vector<2048x128xf32>
    %swap3A_39 = arith.constant 0 : index
    %swap3A_40 = arith.constant 0 : index
    %swap3A_41 = vector.load %arg7[%swap3A_39, %swap3A_40] : memref<2048x128xf32, #tpu.memory_space<vmem>>, vector<2048x128xf32>
    tpu.vector_store %arg7[%swap3A_39, %swap3A_40], %add3A_38 {strides = array<i32>} : memref<2048x128xf32, #tpu.memory_space<vmem>>, vector<2048x128xf32>,
    return
  }
  func.func @transform_0(%arg0: i32) -> (i32, i32, i32) {
    %c0_i32 = arith.constant 0 : i32
    %c0_i32_0 = arith.constant 0 : i32
    %c0_i32_1 = arith.constant 0 : i32
    return %c0_i32, %arg0, %c0_i32_0 : i32, i32, i32
  }
  func.func @transform_1(%arg0: i32) -> (i32, i32) {
    %c0_i32 = arith.constant 0 : i32
    %c0_i32_0 = arith.constant 0 : i32
    return %c0_i32, %arg0 : i32, i32
  }
  func.func @transform_2(%arg0: i32) -> (i32, i32) {
    %c0_i32 = arith.constant 0 : i32
    %c0_i32_0 = arith.constant 0 : i32
    return %arg0, %c0_i32 : i32, i32
  }
  func.func @transform_3(%arg0: i32) -> (i32, i32) {
    %c0_i32 = arith.constant 0 : i32
    %c0_i32_0 = arith.constant 0 : i32
    %c0_i32_1 = arith.constant 0 : i32
    return %c0_i32, %c0_i32_0 : i32, i32
  }
  func.func @transform_4(%arg0: i32) -> (i32, i32) {
    %c0_i32 = arith.constant 0 : i32
    %c0_i32_0 = arith.constant 0 : i32
    %c0_i32_1 = arith.constant 0 : i32
    return %c0_i32, %c0_i32_0 : i32, i32
  }
  func.func @transform_5(%arg0: i32) -> (i32, i32) {
    %c0_i32 = arith.constant 0 : i32
    %c0_i32_0 = arith.constant 0 : i32
    return %arg0, %c0_i32 : i32, i32
  }
  func.func @transform_6(%arg0: i32) -> (i32, i32) {
    %c0_i32 = arith.constant 0 : i32
    %c0_i32_0 = arith.constant 0 : i32
    return %arg0, %c0_i32 : i32, i32
  }
}

module attributes {stable_mosaic.version = 14 : i64} {
  func.func @_mid2_body(%arg0: i32, %arg1: memref<2x2048x128xf32, #tpu.memory_space<vmem>>, %arg2: memref<32x2048xf32, #tpu.memory_space<vmem>>, %arg3: memref<2048x128xf32, #tpu.memory_space<vmem>>, %arg4: memref<128x64xf32, #tpu.memory_space<vmem>>, %arg5: memref<1x64xf32, #tpu.memory_space<vmem>>, %arg6: memref<2048x128xf32, #tpu.memory_space<vmem>>, %arg7: memref<2048x64xf32, #tpu.memory_space<vmem>>) attributes {dimension_semantics = [#tpu.dimension_semantics<arbitrary>], iteration_bounds = array<i64: 5>, scalar_prefetch = 0 : i64, scratch_operands = 0 : i64, tpu.core_type = #tpu.core_type<tc>, window_params = [{transform_indices = @transform_0, window_bounds = array<i64: 2, 2048, 128>}, {transform_indices = @transform_1, window_bounds = array<i64: 32, 2048>}, {transform_indices = @transform_2, window_bounds = array<i64: 2048, 128>}, {pipeline_mode = #tpu.pipeline_mode<synchronous>, transform_indices = @transform_3, window_bounds = array<i64: 128, 64>}, {pipeline_mode = #tpu.pipeline_mode<synchronous>, transform_indices = @transform_4, window_bounds = array<i64: 1, 64>}, {transform_indices = @transform_5, window_bounds = array<i64: 2048, 128>}, {transform_indices = @transform_6, window_bounds = array<i64: 2048, 64>}]} {
    %get3A = arith.constant 0 : index
    %get3A_0 = arith.constant 0 : index
    %get3A_1 = arith.constant 0 : index
    %get3A_2 = vector.load %arg1[%get3A, %get3A_0, %get3A_1] : memref<2x2048x128xf32, #tpu.memory_space<vmem>>, vector<1x2048x128xf32>
    %get3A_3 = vector.shape_cast %get3A_2 : vector<1x2048x128xf32> to vector<2048x128xf32>
    %get3A_4 = arith.constant 1 : index
    %get3A_5 = arith.constant 0 : index
    %get3A_6 = arith.constant 0 : index
    %get3A_7 = vector.load %arg1[%get3A_4, %get3A_5, %get3A_6] : memref<2x2048x128xf32, #tpu.memory_space<vmem>>, vector<1x2048x128xf32>
    %get3A_8 = vector.shape_cast %get3A_7 : vector<1x2048x128xf32> to vector<2048x128xf32>
    %add3A = arith.addf %get3A_3, %get3A_8 : vector<2048x128xf32>
    %get3A_9 = arith.constant 0 : index
    %get3A_10 = arith.constant 0 : index
    %get3A_11 = vector.load %arg2[%get3A_9, %get3A_10] : memref<32x2048xf32, #tpu.memory_space<vmem>>, vector<32x2048xf32>
    %broadcast_in_dim3A = arith.constant 1.000000e+00 : f32
    %broadcast_in_dim3A_12 = vector.broadcast %broadcast_in_dim3A : f32 to vector<32x1xf32>
    %dot_general3A = arith.constant dense<0.000000e+00> : vector<2048x1xf32>
    %dot_general3A_13 = tpu.matmul %get3A_11, %broadcast_in_dim3A_12, %dot_general3A {dimension_numbers = #tpu.dot_dimension_numbers<[0], [0], [1], [1], [0, 1, 1, 1], [], []>, transpose_lhs_hint = false} : vector<32x2048xf32>, vector<32x1xf32>, vector<2048x1xf32> -> vector<2048x1xf32>
    %max3A = arith.constant 1.000000e+00 : f32
    %max3A_14 = vector.broadcast %max3A : f32 to vector<2048x1xf32>
    %max3A_15 = arith.maximumf %dot_general3A_13, %max3A_14 : vector<2048x1xf32>
    %div3A = arith.constant 1.000000e+00 : f32
    %div3A_16 = vector.broadcast %div3A : f32 to vector<2048x1xf32>
    %div3A_17 = arith.divf %div3A_16, %max3A_15 : vector<2048x1xf32>
    %mul3A = vector.broadcast %div3A_17 : vector<2048x1xf32> to vector<2048x128xf32>
    %mul3A_18 = arith.mulf %add3A, %mul3A : vector<2048x128xf32>
    %get3A_19 = arith.constant 0 : index
    %get3A_20 = arith.constant 0 : index
    %get3A_21 = vector.load %arg3[%get3A_19, %get3A_20] : memref<2048x128xf32, #tpu.memory_space<vmem>>, vector<2048x128xf32>
    %add3A_22 = arith.addf %mul3A_18, %get3A_21 : vector<2048x128xf32>
    %max3A_23 = arith.constant 0.000000e+00 : f32
    %max3A_24 = vector.broadcast %max3A_23 : f32 to vector<2048x128xf32>
    %max3A_25 = arith.maximumf %add3A_22, %max3A_24 : vector<2048x128xf32>
    %swap3A = arith.constant 0 : index
    %swap3A_26 = arith.constant 0 : index
    %swap3A_27 = vector.load %arg6[%swap3A, %swap3A_26] : memref<2048x128xf32, #tpu.memory_space<vmem>>, vector<2048x128xf32>
    tpu.vector_store %arg6[%swap3A, %swap3A_26], %max3A_25 {strides = array<i32>} : memref<2048x128xf32, #tpu.memory_space<vmem>>, vector<2048x128xf32>,
    %get3A_28 = arith.constant 0 : index
    %get3A_29 = arith.constant 0 : index
    %get3A_30 = vector.load %arg4[%get3A_28, %get3A_29] : memref<128x64xf32, #tpu.memory_space<vmem>>, vector<128x64xf32>
    %dot_general3A_31 = arith.constant dense<0.000000e+00> : vector<2048x64xf32>
    %dot_general3A_32 = tpu.matmul %max3A_25, %get3A_30, %dot_general3A_31 {dimension_numbers = #tpu.dot_dimension_numbers<[1], [0], [0], [1], [0, 0, 1, 1], [], []>, transpose_lhs_hint = false} : vector<2048x128xf32>, vector<128x64xf32>, vector<2048x64xf32> -> vector<2048x64xf32>
    %get3A_33 = arith.constant 0 : index
    %get3A_34 = arith.constant 0 : index
    %get3A_35 = vector.load %arg5[%get3A_33, %get3A_34] : memref<1x64xf32, #tpu.memory_space<vmem>>, vector<1x64xf32>
    %add3A_36 = vector.broadcast %get3A_35 : vector<1x64xf32> to vector<2048x64xf32>
    %add3A_37 = arith.addf %dot_general3A_32, %add3A_36 : vector<2048x64xf32>
    %swap3A_38 = arith.constant 0 : index
    %swap3A_39 = arith.constant 0 : index
    %swap3A_40 = vector.load %arg7[%swap3A_38, %swap3A_39] : memref<2048x64xf32, #tpu.memory_space<vmem>>, vector<2048x64xf32>
    tpu.vector_store %arg7[%swap3A_38, %swap3A_39], %add3A_37 {strides = array<i32>} : memref<2048x64xf32, #tpu.memory_space<vmem>>, vector<2048x64xf32>,
    return
  }
  func.func @transform_0(%arg0: i32) -> (i32, i32, i32) {
    %c0_i32 = arith.constant 0 : i32
    %c0_i32_0 = arith.constant 0 : i32
    %c0_i32_1 = arith.constant 0 : i32
    return %c0_i32, %arg0, %c0_i32_0 : i32, i32, i32
  }
  func.func @transform_1(%arg0: i32) -> (i32, i32) {
    %c0_i32 = arith.constant 0 : i32
    %c0_i32_0 = arith.constant 0 : i32
    return %c0_i32, %arg0 : i32, i32
  }
  func.func @transform_2(%arg0: i32) -> (i32, i32) {
    %c0_i32 = arith.constant 0 : i32
    %c0_i32_0 = arith.constant 0 : i32
    return %arg0, %c0_i32 : i32, i32
  }
  func.func @transform_3(%arg0: i32) -> (i32, i32) {
    %c0_i32 = arith.constant 0 : i32
    %c0_i32_0 = arith.constant 0 : i32
    %c0_i32_1 = arith.constant 0 : i32
    return %c0_i32, %c0_i32_0 : i32, i32
  }
  func.func @transform_4(%arg0: i32) -> (i32, i32) {
    %c0_i32 = arith.constant 0 : i32
    %c0_i32_0 = arith.constant 0 : i32
    %c0_i32_1 = arith.constant 0 : i32
    return %c0_i32, %c0_i32_0 : i32, i32
  }
  func.func @transform_5(%arg0: i32) -> (i32, i32) {
    %c0_i32 = arith.constant 0 : i32
    %c0_i32_0 = arith.constant 0 : i32
    return %arg0, %c0_i32 : i32, i32
  }
  func.func @transform_6(%arg0: i32) -> (i32, i32) {
    %c0_i32 = arith.constant 0 : i32
    %c0_i32_0 = arith.constant 0 : i32
    return %arg0, %c0_i32 : i32, i32
  }
}

module attributes {stable_mosaic.version = 14 : i64} {
  func.func @_final_body(%arg0: i32, %arg1: memref<2x2048x128xf32, #tpu.memory_space<vmem>>, %arg2: memref<32x2048xf32, #tpu.memory_space<vmem>>, %arg3: memref<2048x64xf32, #tpu.memory_space<vmem>>, %arg4: memref<128x64xf32, #tpu.memory_space<vmem>>, %arg5: memref<2048x64xf32, #tpu.memory_space<vmem>>) attributes {dimension_semantics = [#tpu.dimension_semantics<arbitrary>], iteration_bounds = array<i64: 5>, scalar_prefetch = 0 : i64, scratch_operands = 0 : i64, tpu.core_type = #tpu.core_type<tc>, window_params = [{transform_indices = @transform_0, window_bounds = array<i64: 2, 2048, 128>}, {transform_indices = @transform_1, window_bounds = array<i64: 32, 2048>}, {transform_indices = @transform_2, window_bounds = array<i64: 2048, 64>}, {pipeline_mode = #tpu.pipeline_mode<synchronous>, transform_indices = @transform_3, window_bounds = array<i64: 128, 64>}, {transform_indices = @transform_4, window_bounds = array<i64: 2048, 64>}]} {
    %get3A = arith.constant 0 : index
    %get3A_0 = arith.constant 0 : index
    %get3A_1 = arith.constant 0 : index
    %get3A_2 = vector.load %arg1[%get3A, %get3A_0, %get3A_1] : memref<2x2048x128xf32, #tpu.memory_space<vmem>>, vector<1x2048x128xf32>
    %get3A_3 = vector.shape_cast %get3A_2 : vector<1x2048x128xf32> to vector<2048x128xf32>
    %get3A_4 = arith.constant 1 : index
    %get3A_5 = arith.constant 0 : index
    %get3A_6 = arith.constant 0 : index
    %get3A_7 = vector.load %arg1[%get3A_4, %get3A_5, %get3A_6] : memref<2x2048x128xf32, #tpu.memory_space<vmem>>, vector<1x2048x128xf32>
    %get3A_8 = vector.shape_cast %get3A_7 : vector<1x2048x128xf32> to vector<2048x128xf32>
    %add3A = arith.addf %get3A_3, %get3A_8 : vector<2048x128xf32>
    %get3A_9 = arith.constant 0 : index
    %get3A_10 = arith.constant 0 : index
    %get3A_11 = vector.load %arg2[%get3A_9, %get3A_10] : memref<32x2048xf32, #tpu.memory_space<vmem>>, vector<32x2048xf32>
    %broadcast_in_dim3A = arith.constant 1.000000e+00 : f32
    %broadcast_in_dim3A_12 = vector.broadcast %broadcast_in_dim3A : f32 to vector<32x1xf32>
    %dot_general3A = arith.constant dense<0.000000e+00> : vector<2048x1xf32>
    %dot_general3A_13 = tpu.matmul %get3A_11, %broadcast_in_dim3A_12, %dot_general3A {dimension_numbers = #tpu.dot_dimension_numbers<[0], [0], [1], [1], [0, 1, 1, 1], [], []>, transpose_lhs_hint = false} : vector<32x2048xf32>, vector<32x1xf32>, vector<2048x1xf32> -> vector<2048x1xf32>
    %max3A = arith.constant 1.000000e+00 : f32
    %max3A_14 = vector.broadcast %max3A : f32 to vector<2048x1xf32>
    %max3A_15 = arith.maximumf %dot_general3A_13, %max3A_14 : vector<2048x1xf32>
    %div3A = arith.constant 1.000000e+00 : f32
    %div3A_16 = vector.broadcast %div3A : f32 to vector<2048x1xf32>
    %div3A_17 = arith.divf %div3A_16, %max3A_15 : vector<2048x1xf32>
    %mul3A = vector.broadcast %div3A_17 : vector<2048x1xf32> to vector<2048x128xf32>
    %mul3A_18 = arith.mulf %add3A, %mul3A : vector<2048x128xf32>
    %get3A_19 = arith.constant 0 : index
    %get3A_20 = arith.constant 0 : index
    %get3A_21 = vector.load %arg4[%get3A_19, %get3A_20] : memref<128x64xf32, #tpu.memory_space<vmem>>, vector<128x64xf32>
    %dot_general3A_22 = arith.constant dense<0.000000e+00> : vector<2048x64xf32>
    %dot_general3A_23 = tpu.matmul %mul3A_18, %get3A_21, %dot_general3A_22 {dimension_numbers = #tpu.dot_dimension_numbers<[1], [0], [0], [1], [0, 0, 1, 1], [], []>, transpose_lhs_hint = false} : vector<2048x128xf32>, vector<128x64xf32>, vector<2048x64xf32> -> vector<2048x64xf32>
    %get3A_24 = arith.constant 0 : index
    %get3A_25 = arith.constant 0 : index
    %get3A_26 = vector.load %arg3[%get3A_24, %get3A_25] : memref<2048x64xf32, #tpu.memory_space<vmem>>, vector<2048x64xf32>
    %add3A_27 = arith.addf %dot_general3A_23, %get3A_26 : vector<2048x64xf32>
    %swap3A = arith.constant 0 : index
    %swap3A_28 = arith.constant 0 : index
    %swap3A_29 = vector.load %arg5[%swap3A, %swap3A_28] : memref<2048x64xf32, #tpu.memory_space<vmem>>, vector<2048x64xf32>
    tpu.vector_store %arg5[%swap3A, %swap3A_28], %add3A_27 {strides = array<i32>} : memref<2048x64xf32, #tpu.memory_space<vmem>>, vector<2048x64xf32>,
    return
  }
  func.func @transform_0(%arg0: i32) -> (i32, i32, i32) {
    %c0_i32 = arith.constant 0 : i32
    %c0_i32_0 = arith.constant 0 : i32
    %c0_i32_1 = arith.constant 0 : i32
    return %c0_i32, %arg0, %c0_i32_0 : i32, i32, i32
  }
  func.func @transform_1(%arg0: i32) -> (i32, i32) {
    %c0_i32 = arith.constant 0 : i32
    %c0_i32_0 = arith.constant 0 : i32
    return %c0_i32, %arg0 : i32, i32
  }
  func.func @transform_2(%arg0: i32) -> (i32, i32) {
    %c0_i32 = arith.constant 0 : i32
    %c0_i32_0 = arith.constant 0 : i32
    return %arg0, %c0_i32 : i32, i32
  }
  func.func @transform_3(%arg0: i32) -> (i32, i32) {
    %c0_i32 = arith.constant 0 : i32
    %c0_i32_0 = arith.constant 0 : i32
    %c0_i32_1 = arith.constant 0 : i32
    return %c0_i32, %c0_i32_0 : i32, i32
  }
  func.func @transform_4(%arg0: i32) -> (i32, i32) {
    %c0_i32 = arith.constant 0 : i32
    %c0_i32_0 = arith.constant 0 : i32
    return %arg0, %c0_i32 : i32, i32
  }
}

</mosaic_0001>

<sc_bundles>
// kernel: kernel.10.cloned.1.call-start
scs
__scs_entry_jumppad:
0x0: {  	(pc) =	sbr.rel $0x88, $3  }
0x1: {  	(tag) =	ssettag $0x0;
	lr =	simm.s32 $0x1  }
0x2: {  	[smem:$0x3F96] =	sst lr;
	_ =	strace $0xD0000000  }
0x3: {  	_ = 	snop  }
0x4: {  	_ = 	snop  }
0x5: {  	_ = 	snop  }
0x6: {  	_ = 	snop  }
0x7: {  	_ = 	snop  }
__scs_overlays_trampoline_lowered:
0x8: {  	[smem:$0x3FA5] =	sst s0  }
0x9: {  	[smem:$0x3FA6] =	sst s1  }
0xa: {  	[smem:$0x3FA7] =	sst s2  }
0xb: {  	[smem:$0x3FA8] =	sst s3  }
0xc: {  	[smem:$0x3FA9] =	sst s4  }
0xd: {  	[smem:$0x3FAA] =	sst s5  }
0xe: {  	[smem:$0x3FAB] =	sst s6  }
0xf: {  	[smem:$0x3FAC] =	sst s7  }
0x10: {  	[smem:$0x3FAD] =	sst s8  }
0x11: {  	[smem:$0x3FAE] =	sst s9;
	s0 =	simm.s32 @!p0 $0x0  }
0x12: {  	s1 =	sld [smem:$0x3F94];
	s0 =	simm.s32 @p0 $0x1  }
0x13: {  	[smem:$0x3FAF] =	sst s0;
	s0 =	simm.s32 @!p1 $0x0  }
0x14: {  	s2 =	sld [smem:$0x3F93];
	s0 =	simm.s32 @p1 $0x1  }
0x15: {  	[smem:$0x3FB0] =	sst s0;
	s0 =	simm.s32 @!p2 $0x0  }
0x16: {  	s3 =	sld [smem:$0x3FDB];
	s0 =	simm.s32 @p2 $0x1  }
0x17: {  	s4 =	simm.s32 $0x1BF5;
	[smem:$0x3FB2] =	sst s0  }
0x18: {  	s0 =	sld [smem:$0x3F95];
	_ =	swait.ge [sflag:s4], $0x0  }
0x19: {  	s7 =	sld [smem:$0x3F96]  }
0x1a: {  	s8 =	sadd.s32 $0xFFFFE003, lr  }
0x1b: {  	s9 =	sadd.s32 $0xFFFFFEF7, lr;
	s5 =	simm.s32 $0xFFFFFFFF;
	p2 =	slt.u32 s8, $0xFFFFF086  }
0x1c: {  	p1 =	slt.u32 s9, $0xF7A;
	s5 =	simm.s32 @!p2 $0x0  }
0x1d: {  	s5 =	simm.s32 @p1 $0x1;
	p0 =	seq.s32 s7, s2  }
0x1e: {  	s7 =	smul.u32 @!p0 $0xF7A, s2;
	p2 =	seq.s32 @!p0 s5, $0x0  }
0x1f: {  	s9 =	smul.u32 $0xF7A, s1;
	s8 =	simm.s32 @!p0 $0x1BF5;
	p2 =	por !p2, p0  }
0x20: {  	[sflag:s8] =	ssyncset.s32 @!p0 $0xFFFFF086;
	s6 =	sadd.s32 @!p0 s3, s7;
	s7 =	simm.s32 @!p0 $0x108  }
0x21: {  	s3 =	sadd.s32 s3, s9;
	s6 =	sadd.s32 @!p0 $0x88, s6;
	s7 =	simm.s32 @p2 $0x1082  }
0x22: {  	[simem:s7], [sflag:s8] =	dma.local @!p0 [hbm:s6], $0xF7A  }
0x23: {  	s9 =	sor.u32 $0xD0000000, s2;
	s6 =	simm.s32 $0x108;
	_ =	swait.ge @!p0 [sflag:s8], $0x0  }
0x24: {  	s3 =	sadd.s32 $0x88, s3;
	s6 =	simm.s32 @!p1 $0x1082;
	[sflag:s4] =	ssyncset.s32 $0xFFFFF086  }
0x25: {  	[simem:s6], [sflag:s4] =	dma.local [hbm:s3], $0xF7A  }
0x26: {  	[smem:$0x3F96] =	sst s1;
	(tag) =	ssettag s2;
	_ =	strace s9  }
0x27: {  	s1 =	sld [smem:$0x3FA6]  }
0x28: {  	s2 =	sld [smem:$0x3FA7]  }
0x29: {  	s4 =	sld [smem:$0x3FA9]  }
0x2a: {  	p0 =	seq.s32 s5, $0x0;
	s5 =	sld [smem:$0x3FAA]  }
0x2b: {  	s6 =	sld [smem:$0x3FAB]  }
0x2c: {  	s7 =	sld [smem:$0x3FAC]  }
0x2d: {  	s3 =	simm.s32 $0x108;
	s8 =	sld [smem:$0x3FAD]  }
0x2e: {  	s3 =	simm.s32 @!p0 $0x1082;
	s9 =	sld [smem:$0x3FAE]  }
0x2f: {  	lr =	sadd.s32 s0, s3;
	s0 =	sld [smem:$0x3FA5]  }
0x30: {  	s3 =	sld [smem:$0x3FA8]  }
0x31: {  	[smem:$0x3FB1] =	sst s10  }
0x32: {  	s10 =	sld [smem:$0x3FAF];
	_ =	sdelay $0x3  }
0x33: {  	p0 =	seq.s32 s10, $0x1;
	s10 =	sld [smem:$0x3FB1];
	_ =	sdelay $0x3  }
0x34: {  	[smem:$0x3FB1] =	sst s10  }
0x35: {  	s10 =	sld [smem:$0x3FB0];
	_ =	sdelay $0x3  }
0x36: {  	p1 =	seq.s32 s10, $0x1;
	s10 =	sld [smem:$0x3FB1];
	_ =	sdelay $0x3  }
0x37: {  	[smem:$0x3FB1] =	sst s10  }
0x38: {  	s10 =	sld [smem:$0x3FB2]  }
0x39: {  	_ = 	snop;
	(pc) =	sbr.ind lr, $3  }
0x3a: {  	_ = 	snop  }
0x3b: {  	_ = 	snop  }
0x3c: {  	p2 =	seq.s32 s10, $0x1;
	s10 =	sld [smem:$0x3FB1]  }
0x3d: {  	_ =	shalt  }
0x3e: {  	_ =	shalt  }
0x3f: {  	_ =	shalt  }
0x40: {  	_ =	shalt  }
0x41: {  	_ =	shalt  }
0x42: {  	_ =	shalt  }
0x43: {  	_ =	shalt  }
0x44: {  	_ =	shalt  }
0x45: {  	_ =	shalt  }
0x46: {  	_ =	shalt  }
0x47: {  	_ =	shalt  }
0x48: {  	_ =	shalt  }
0x49: {  	_ =	shalt  }
0x4a: {  	_ =	shalt  }
0x4b: {  	_ =	shalt  }
0x4c: {  	_ =	shalt  }
0x4d: {  	_ =	shalt  }
0x4e: {  	_ =	shalt  }
0x4f: {  	_ =	shalt  }
0x50: {  	_ =	shalt  }
0x51: {  	_ =	shalt  }
0x52: {  	_ =	shalt  }
0x53: {  	_ =	shalt  }
0x54: {  	_ =	shalt  }
0x55: {  	_ =	shalt  }
0x56: {  	_ =	shalt  }
0x57: {  	_ =	shalt  }
0x58: {  	_ =	shalt  }
0x59: {  	_ =	shalt  }
0x5a: {  	_ =	shalt  }
0x5b: {  	_ =	shalt  }
0x5c: {  	_ =	shalt  }
0x5d: {  	_ =	shalt  }
0x5e: {  	_ =	shalt  }
0x5f: {  	_ =	shalt  }
0x60: {  	_ =	shalt  }
0x61: {  	_ =	shalt  }
0x62: {  	_ =	shalt  }
0x63: {  	_ =	shalt  }
0x64: {  	_ =	shalt  }
0x65: {  	_ =	shalt  }
0x66: {  	_ =	shalt  }
0x67: {  	_ =	shalt  }
0x68: {  	_ =	shalt  }
0x69: {  	_ =	shalt  }
0x6a: {  	_ =	shalt  }
0x6b: {  	_ =	shalt  }
0x6c: {  	_ =	shalt  }
0x6d: {  	_ =	shalt  }
0x6e: {  	_ =	shalt  }
0x6f: {  	_ =	shalt  }
0x70: {  	_ =	shalt  }
0x71: {  	_ =	shalt  }
0x72: {  	_ =	shalt  }
0x73: {  	_ =	shalt  }
0x74: {  	_ =	shalt  }
0x75: {  	_ =	shalt  }
0x76: {  	_ =	shalt  }
0x77: {  	_ =	shalt  }
0x78: {  	_ =	shalt  }
0x79: {  	_ =	shalt  }
0x7a: {  	_ =	shalt  }
0x7b: {  	_ =	shalt  }
0x7c: {  	_ =	shalt  }
0x7d: {  	_ =	shalt  }
0x7e: {  	_ =	shalt  }
0x7f: {  	_ =	shalt  }
0x80: {  	_ =	shalt  }
0x81: {  	_ =	shalt  }
0x82: {  	_ =	shalt  }
0x83: {  	_ =	shalt  }
0x84: {  	_ =	shalt  }
0x85: {  	_ =	shalt  }
0x86: {  	_ =	shalt  }
0x87: {  	_ =	shalt  }
.Lfunc_end0:
.L_simem_size_0:
called_computation_lowered:
.L_overlay_start_0:
0x88: {  	s2 =	sld [smem:$0x3FD9]  }
0x89: {  	s3 =	sld [smem:$0x3FFE];
	_ =	sdelay $0x1  }
0x8a: {  	s1 =	srdreg.scid  }
0x8b: {  	s0 =	sand.u32 $0x1, s1  }
0x8c: {  	s17 =	sshll.u32 s0, $0xA;
	s2 =	sadd.s32 s3, s2  }
0x8d: {  	s2 =	sadd.s32 s2, s17  }
0x8e: {  	[smem:$0x3FBD] =	sst s2  }
0x8f: {  	_ = 	snop  }
0x90: {  	(tm) =	ssettm $0x1  }
0x91: {  	s18 =	sld [smem:$0x3FFB];
	_ =	sdelay $0x3  }
0x92: {  	_ =	strace s18  }
0x93: {  	s2 =	sld [smem:$0x3FFC];
	_ =	sdelay $0x3  }
0x94: {  	_ =	strace s2  }
0x95: {  	s2 =	sld [smem:$0x3FFD];
	_ =	sdelay $0x3  }
0x96: {  	_ =	strace s2  }
0x97: {  	_ =	strace $0x8FFFFFFF  }
0x98: {  	s19 =	sld [smem:$0x3FDB];
	_ =	sdelay $0x1  }
0x99: {  	s20 =	simm.s32 $_scs_section_size  }
0x9a: {  	s4 =	simm.s32 $_size__tile_overlayer_lowered;
	s5 =	simm.s32 $_tile_overlayer_lowered  }
0x9b: {  	s6 =	simm.s32 $0x1BFF;
	s21 =	sshll.u32 s5, $0x1;
	s3 =	sadd.s32 s20, s19  }
0x9c: {  	s22 =	simm.s32 $0x0;
	s4 =	sshll.u32 s4, $0x1;
	s5 =	sadd.s32 s21, s3  }
0x9d: {  	[timem:s22], [sflag:s6] =	dma.local [hbm:s5], s4  }
0x9e: {  	_ =	swait.ge [sflag:s6], s4  }
0x9f: {  	s4 =	ssub.s32 $0x0, s4;
	[sflag:s6] =	ssyncset.done $0x0  }
0xa0: {  	[sflag:s6] =	ssyncadd.s32 s4;
	_ =	sdelay $0x1  }
0xa1: {  	s23 =	simm.s32 $0x1B8B  }
0xa2: {  	_ =	swait.ge [sflag:s23], $0x1  }
0xa3: {  	[sflag:s23] =	ssyncset.done $0x0  }
0xa4: {  	[sflag:s23] =	ssyncadd.s32 $0xFFFFFFFF  }
0xa5: {  	s4 =	sld [smem:$0x0]  }
0xa6: {  	s5 =	sand.u32 $0xFFFFFFFE, s1  }
0xa7: {  	p0 =	sne.s32 s1, s5  }
0xa8: {  	s5 =	sshll.u32 @p0 s5, $0xE  }
0xa9: {  	s5 =	sadd.s32 @p0 $0x11B8D, s5;
	s6 =	sshll.u32 @p0 s4, $0x11  }
0xaa: {  	s5 =	sor.u32 @p0 s6, s5  }
0xab: {  	[sflag:s5] =	ssyncadd.remote.s32 @p0 $0x1;
	_ =	sdelay $0x1  }
0xac: {  	s5 =	simm.s32 @p0 $0x1B8D  }
0xad: {  	_ =	swait.eq @p0 [sflag:s5], $0x1  }
0xae: {  	[sflag:s5] =	ssyncadd.s32 @p0 $0xFFFFFFFF  }
0xaf: {  	s6 =	sshll.u32 @!p0 s1, $0xE  }
0xb0: {  	s6 =	sor.u32 @!p0 $0x4000, s6;
	s5 =	simm.s32 @!p0 $0x1B8D  }
0xb1: {  	s4 =	sshll.u32 @!p0 s4, $0x11;
	s6 =	sadd.s32 @!p0 $0x11B8D, s6;
	_ =	swait.eq @!p0 [sflag:s5], $0x1  }
0xb2: {  	s4 =	sor.u32 @!p0 s4, s6;
	[sflag:s5] =	ssyncadd.s32 @!p0 $0xFFFFFFFF  }
0xb3: {  	s25 =	simm.s32 $0x1B8E;
	s24 =	sld [smem:$0x3FFE];
	[sflag:s4] =	ssyncadd.remote.s32 @!p0 $0x1  }
0xb4: {  	s26 =	simm.s32 $execute0_lowered;
	[smem:$0x3FD2] =	sst s25  }
0xb5: {  	s5 =	sshll.u32 s26, $0x1;
	_ =	strace $0x80000049;
	[dreg:$0x1] =	wrdreg $0xFFFFFFFF  }
0xb6: {  	s28 =	simm.s32 $_size_execute0_lowered;
	s3 =	sadd.s32 s3, s5;
	[dreg:$0x0] =	wrdreg $0x0  }
0xb7: {  	s5 =	sshll.u32 s28, $0x1;
	[dreg:$0x2] =	wrdreg s3  }
0xb8: {  	[dreg:$0x3] =	wrdreg s5  }
0xb9: {  	[dreg:$0x4] =	wrdreg $0xC0  }
0xba: {  	_ =	task [dreg:s22], $0x5FFFF  }
0xbb: {  	[dreg:$0x1] =	wrdreg $0xFFFFFFFF  }
0xbc: {  	[dreg:$0x0] =	wrdreg $0x60  }
0xbd: {  	[dreg:$0x2] =	wrdreg s24  }
0xbe: {  	[dreg:$0x3] =	wrdreg $0x9  }
0xbf: {  	_ =	task.clear_ibuf [dreg:s22], $0x4FFFF;
	_ =	strace $0x90000049  }
0xc0: {  	s29 =	simm.s32 $0x9;
	_ =	strace $0x8000004B  }
0xc1: {  	_ =	swait.ge [sflag:s29], $0x1  }
0xc2: {  	[sflag:s29] =	ssyncadd.s32 $0xFFFFFFFF  }
0xc3: {  	_ =	strace $0x9000004B  }
0xc4: {  	_ =	sfence  }
0xc5: {  	s30 =	sld [smem:$0x0];
	_ =	sdelay $0x2  }
0xc6: {  	s31 =	sshll.u32 s1, $0xD;
	s1 =	sshrl.u32 s1, $0x2  }
0xc7: {  	s4 =	sand.u32 $0x4000, s31;
	s1 =	sadd.s32 s1, s30  }
0xc8: {  	s0 =	sor.u32 s4, s0;
	s1 =	sshll.u32 s1, $0x11  }
0xc9: {  	s0 =	sor.u32 s1, s0  }
0xca: {  	s0 =	sadd.s32 $0x8F2B, s0  }
0xcb: {  	[sflag:s0] =	ssyncadd.remote.s32 $0x1  }
0xcc: {  	_ =	sfence.sel $0xFFFF  }
0xcd: {  	[dreg:$0x0] =	wrdreg $0xFFFFFFFF;
	(pc) =	sbr.abs _section_cstart, $3  }
0xce: {  	[dreg:$0x1] =	wrdreg $0xFFFFFFFF  }
0xcf: {  	_ =	task.clear_ibuf [dreg:s22], $0x2FFFF;
	_ =	strace $0x9FFFFFFF  }
0xd0: {  	(tm) =	ssettm $0x7FFFFFFF  }
0xd1: {  	_ =	shalt  }
tec
execute0_lowered:
.L_overlay_start_1:
0x0: {  	(tag) =	ssettag $0x1  }
0x1: {  	s0 =	srdreg.scid  }
0x2: {  	s3 =	sand.u32 $0x1, s0  }
0x3: {  	s4 =	rddreg [dreg:$0x0];
	s0 =	stileid.u32;
	s1 =	sshll.u32 s3, $0x4  }
0x4: {  	s2 =	simm.s32 $0x0;
	s8 =	simm.s32 $0x80;
	s5 =	sor.u32 s0, s1  }
0x5: {  	s9 =	simm.s32 $0x400;
	[smem:$0x7FF] =	sst s2;
	s6 =	sshrl.u32 s5, $0x3  }
0x6: {  	s7 =	sshll.u32 s0, $0x7;
	s3 =	ssub.s32 $0x2, s3;
	s6 =	smul.u32 $0x13C00, s6  }
0x7: {  	s1 =	rddreg [dreg:$0x1];
	s7 =	sand.u32 $0x380, s7;
	s5 =	smul.u32 $0xB00, s5  }
0x8: {  	_ =	strace $0x8000004A;
	s30 =	sshrl.u32 s3, $0x1;
	s6 =	sor.u32 s7, s6  }
0x9: {  	s31 =	ssub.s32 s3, s30;
	s5 =	sadd.s32 s5, s4;
	s6 =	sshrl.u32 s6, $0x3  }
0xa: {  	s3 =	sadd.s32 $0x2C00, s5;
	s5 =	smax.u32 s31, $0x1;
	s4 =	sadd.s32 s6, s4  }
0xb: {  	v0 =	vimm.f32 $0.0e+00;
	v1 =	vimm.f32 $1.000000000e+00;
	s7 =	simm.s32 $0x5800;
	s6 =	simm.s32 $0x1;
	s4 =	sadd.s32 $0x8EE00, s4  }
.LBB2_1:
0xc: {  	s10 =	simm.s32 $0x40;
	s11 =	simm.s32 $0x0  }
.LBB2_2:
0xd: {  	p0 =	sne.s32 s10, $0x9DC0;
	[tilespmem:s11+$0x5800] =	vst v0;
	s11 =	smov.u32 s10;
	s10 =	sadd.s32 $0x40, s10  }
.Ltmp0:
0xe: {  	(pc) =	sbr.rel @p0 .LBB2_2-.Ltmp0, $2  }
0xf: {  	_ =	sdelay $0x2  }
0x10: {  	s11 =	sshra.s32 s11, $0x2  }
0x11: {  	[tilespmem:s11+$0x5800] =	vst v0;
	s10 =	simm.s32 $0x0  }
0x12: {  	[tilespmem:s10], [sflag:$0x1] =	stream.linear.gather [hbm4b:s3+s10], $0x5700, $0x38;
	[tilespmem:$0x7F80] =	vst v63  }
0x13: {  	_ =	swait.ge [sflag:s6], $0x5700  }
0x14: {  	[sflag:s6] =	ssyncset.done $0x0  }
0x15: {  	[sflag:s6] =	ssyncadd.s32 $0xFFFFA900  }
.LBB2_4:
0x16: {  	s11 =	sshra.s32 s10, $0x2  }
0x17: {  	v2 =	vld [tilespmem:s11+$0x0];
	_ =	sdelay $0x7  }
0x18: {  	[tilespmem:v2+s7+$0x0] =	vst.idx.add.f32.msk $0xffff, v1  }
0x19: {  	v2 =	vld [tilespmem:s11+$0x10];
	_ =	sdelay $0x7  }
0x1a: {  	[tilespmem:v2+s7+$0x0] =	vst.idx.add.f32.msk $0xffff, v1  }
0x1b: {  	v2 =	vld [tilespmem:s11+$0x20];
	_ =	sdelay $0x7  }
0x1c: {  	[tilespmem:v2+s7+$0x0] =	vst.idx.add.f32.msk $0xffff, v1  }
0x1d: {  	v2 =	vld [tilespmem:s11+$0x30];
	_ =	sdelay $0x2  }
0x1e: {  	p0 =	sne.s32 s10, $0x15A00  }
.Ltmp1:
0x1f: {  	_ = 	snop;
	(pc) =	sbr.rel @p0 .LBB2_4-.Ltmp1, $2  }
0x20: {  	_ =	sdelay $0x2  }
0x21: {  	s10 =	sadd.s32 $0x200, s10;
	[tilespmem:v2+s7+$0x0] =	vst.idx.add.f32.msk $0xffff, v1  }
0x22: {  	s2 =	sadd.s32 $0x1, s2  }
0x23: {  	p0 =	sne.s32 s2, s5  }
.Ltmp2:
0x24: {  	_ = 	snop;
	(pc) =	sbr.rel @p0 .LBB2_1-.Ltmp2, $4  }
0x25: {  	[hbm4b:s4+s8] =	stream.strided.scatter [tilespmem:s7], [sflag:$0x1], $0x2780, s9, s8, $0x38;
	[tilespmem:$0x7F80] =	vst v63  }
0x26: {  	_ =	swait.ge [sflag:s6], $0x2780  }
0x27: {  	[sflag:s6] =	ssyncset.done $0x0  }
0x28: {  	[sflag:s6] =	ssyncadd.s32 $0xFFFFD880  }
0x29: {  	_ =	sfence.sel $0x180000  }
0x2a: {  	[bflag:$0x0] =	sbarrier.arrive $0xFFFF  }
0x2b: {  	p0 =	sne.s32 s0, $0x0;
	_ =	strace $0x9000004A  }
0x2c: {  	s0 =	sadd.s32 @!p0 $0x100000, s1;
	[bflag:$0x2] =	sbarrier.arrive $0xFFFF  }
0x2d: {  	[sflag:s0] =	ssyncadd.tile.s32 @!p0 $0x1;
	_ =	shalt  }
.Lfunc_end2:
_tile_overlayer_lowered:
.L_overlay_start_2:
0x2e: {  	(tag) =	ssettag $0x2  }
0x2f: {  	s0 =	rddreg [dreg:$0x0];
	s2 =	stileid.u32  }
0x30: {  	s1 =	rddreg [dreg:$0x1];
	p0 =	sne.s32 s2, $0x0  }
0x31: {  	s3 =	rddreg [dreg:$0x2];
	[bflag:$0x3] =	sbarrier.arrive $0xFFFF;
	s2 =	simm.s32 @!p0 $0x1C01  }
0x32: {  	[timem:s3], [sflag:s2] =	dma.local @!p0 [hbm:s0], s1  }
0x33: {  	s0 =	simm.s32 @!p0 $0x1  }
0x34: {  	_ =	swait.ge @!p0 [sflag:s0], s1  }
0x35: {  	s1 =	ssub.s32 @!p0 $0x0, s1;
	[sflag:s0] =	ssyncset.done @!p0 $0x0  }
0x36: {  	[sflag:s0] =	ssyncadd.s32 @!p0 s1  }
0x37: {  	[bflag:$0x3] =	sbarrier.arrive $0xFFFF  }
0x38: {  	_ =	shalt  }

// kernel: kernel.13.cloned.1.call-start
scs
__scs_entry_jumppad:
0x0: {  	(pc) =	sbr.rel $0x88, $3  }
0x1: {  	(tag) =	ssettag $0x0;
	lr =	simm.s32 $0x1  }
0x2: {  	[smem:$0x3F96] =	sst lr;
	_ =	strace $0xD0000000  }
0x3: {  	_ = 	snop  }
0x4: {  	_ = 	snop  }
0x5: {  	_ = 	snop  }
0x6: {  	_ = 	snop  }
0x7: {  	_ = 	snop  }
__scs_overlays_trampoline_lowered:
0x8: {  	[smem:$0x3FA5] =	sst s0  }
0x9: {  	[smem:$0x3FA6] =	sst s1  }
0xa: {  	[smem:$0x3FA7] =	sst s2  }
0xb: {  	[smem:$0x3FA8] =	sst s3  }
0xc: {  	[smem:$0x3FA9] =	sst s4  }
0xd: {  	[smem:$0x3FAA] =	sst s5  }
0xe: {  	[smem:$0x3FAB] =	sst s6  }
0xf: {  	[smem:$0x3FAC] =	sst s7  }
0x10: {  	[smem:$0x3FAD] =	sst s8  }
0x11: {  	[smem:$0x3FAE] =	sst s9;
	s0 =	simm.s32 @!p0 $0x0  }
0x12: {  	s1 =	sld [smem:$0x3F94];
	s0 =	simm.s32 @p0 $0x1  }
0x13: {  	[smem:$0x3FAF] =	sst s0;
	s0 =	simm.s32 @!p1 $0x0  }
0x14: {  	s2 =	sld [smem:$0x3F93];
	s0 =	simm.s32 @p1 $0x1  }
0x15: {  	[smem:$0x3FB0] =	sst s0;
	s0 =	simm.s32 @!p2 $0x0  }
0x16: {  	s3 =	sld [smem:$0x3FDB];
	s0 =	simm.s32 @p2 $0x1  }
0x17: {  	s4 =	simm.s32 $0x1BF5;
	[smem:$0x3FB2] =	sst s0  }
0x18: {  	s0 =	sld [smem:$0x3F95];
	_ =	swait.ge [sflag:s4], $0x0  }
0x19: {  	s7 =	sld [smem:$0x3F96]  }
0x1a: {  	s8 =	sadd.s32 $0xFFFFE003, lr  }
0x1b: {  	s9 =	sadd.s32 $0xFFFFFEF7, lr;
	s5 =	simm.s32 $0xFFFFFFFF;
	p2 =	slt.u32 s8, $0xFFFFF086  }
0x1c: {  	p1 =	slt.u32 s9, $0xF7A;
	s5 =	simm.s32 @!p2 $0x0  }
0x1d: {  	s5 =	simm.s32 @p1 $0x1;
	p0 =	seq.s32 s7, s2  }
0x1e: {  	s7 =	smul.u32 @!p0 $0xF7A, s2;
	p2 =	seq.s32 @!p0 s5, $0x0  }
0x1f: {  	s9 =	smul.u32 $0xF7A, s1;
	s8 =	simm.s32 @!p0 $0x1BF5;
	p2 =	por !p2, p0  }
0x20: {  	[sflag:s8] =	ssyncset.s32 @!p0 $0xFFFFF086;
	s6 =	sadd.s32 @!p0 s3, s7;
	s7 =	simm.s32 @!p0 $0x108  }
0x21: {  	s3 =	sadd.s32 s3, s9;
	s6 =	sadd.s32 @!p0 $0x88, s6;
	s7 =	simm.s32 @p2 $0x1082  }
0x22: {  	[simem:s7], [sflag:s8] =	dma.local @!p0 [hbm:s6], $0xF7A  }
0x23: {  	s9 =	sor.u32 $0xD0000000, s2;
	s6 =	simm.s32 $0x108;
	_ =	swait.ge @!p0 [sflag:s8], $0x0  }
0x24: {  	s3 =	sadd.s32 $0x88, s3;
	s6 =	simm.s32 @!p1 $0x1082;
	[sflag:s4] =	ssyncset.s32 $0xFFFFF086  }
0x25: {  	[simem:s6], [sflag:s4] =	dma.local [hbm:s3], $0xF7A  }
0x26: {  	[smem:$0x3F96] =	sst s1;
	(tag) =	ssettag s2;
	_ =	strace s9  }
0x27: {  	s1 =	sld [smem:$0x3FA6]  }
0x28: {  	s2 =	sld [smem:$0x3FA7]  }
0x29: {  	s4 =	sld [smem:$0x3FA9]  }
0x2a: {  	p0 =	seq.s32 s5, $0x0;
	s5 =	sld [smem:$0x3FAA]  }
0x2b: {  	s6 =	sld [smem:$0x3FAB]  }
0x2c: {  	s7 =	sld [smem:$0x3FAC]  }
0x2d: {  	s3 =	simm.s32 $0x108;
	s8 =	sld [smem:$0x3FAD]  }
0x2e: {  	s3 =	simm.s32 @!p0 $0x1082;
	s9 =	sld [smem:$0x3FAE]  }
0x2f: {  	lr =	sadd.s32 s0, s3;
	s0 =	sld [smem:$0x3FA5]  }
0x30: {  	s3 =	sld [smem:$0x3FA8]  }
0x31: {  	[smem:$0x3FB1] =	sst s10  }
0x32: {  	s10 =	sld [smem:$0x3FAF];
	_ =	sdelay $0x3  }
0x33: {  	p0 =	seq.s32 s10, $0x1;
	s10 =	sld [smem:$0x3FB1];
	_ =	sdelay $0x3  }
0x34: {  	[smem:$0x3FB1] =	sst s10  }
0x35: {  	s10 =	sld [smem:$0x3FB0];
	_ =	sdelay $0x3  }
0x36: {  	p1 =	seq.s32 s10, $0x1;
	s10 =	sld [smem:$0x3FB1];
	_ =	sdelay $0x3  }
0x37: {  	[smem:$0x3FB1] =	sst s10  }
0x38: {  	s10 =	sld [smem:$0x3FB2]  }
0x39: {  	_ = 	snop;
	(pc) =	sbr.ind lr, $3  }
0x3a: {  	_ = 	snop  }
0x3b: {  	_ = 	snop  }
0x3c: {  	p2 =	seq.s32 s10, $0x1;
	s10 =	sld [smem:$0x3FB1]  }
0x3d: {  	_ =	shalt  }
0x3e: {  	_ =	shalt  }
0x3f: {  	_ =	shalt  }
0x40: {  	_ =	shalt  }
0x41: {  	_ =	shalt  }
0x42: {  	_ =	shalt  }
0x43: {  	_ =	shalt  }
0x44: {  	_ =	shalt  }
0x45: {  	_ =	shalt  }
0x46: {  	_ =	shalt  }
0x47: {  	_ =	shalt  }
0x48: {  	_ =	shalt  }
0x49: {  	_ =	shalt  }
0x4a: {  	_ =	shalt  }
0x4b: {  	_ =	shalt  }
0x4c: {  	_ =	shalt  }
0x4d: {  	_ =	shalt  }
0x4e: {  	_ =	shalt  }
0x4f: {  	_ =	shalt  }
0x50: {  	_ =	shalt  }
0x51: {  	_ =	shalt  }
0x52: {  	_ =	shalt  }
0x53: {  	_ =	shalt  }
0x54: {  	_ =	shalt  }
0x55: {  	_ =	shalt  }
0x56: {  	_ =	shalt  }
0x57: {  	_ =	shalt  }
0x58: {  	_ =	shalt  }
0x59: {  	_ =	shalt  }
0x5a: {  	_ =	shalt  }
0x5b: {  	_ =	shalt  }
0x5c: {  	_ =	shalt  }
0x5d: {  	_ =	shalt  }
0x5e: {  	_ =	shalt  }
0x5f: {  	_ =	shalt  }
0x60: {  	_ =	shalt  }
0x61: {  	_ =	shalt  }
0x62: {  	_ =	shalt  }
0x63: {  	_ =	shalt  }
0x64: {  	_ =	shalt  }
0x65: {  	_ =	shalt  }
0x66: {  	_ =	shalt  }
0x67: {  	_ =	shalt  }
0x68: {  	_ =	shalt  }
0x69: {  	_ =	shalt  }
0x6a: {  	_ =	shalt  }
0x6b: {  	_ =	shalt  }
0x6c: {  	_ =	shalt  }
0x6d: {  	_ =	shalt  }
0x6e: {  	_ =	shalt  }
0x6f: {  	_ =	shalt  }
0x70: {  	_ =	shalt  }
0x71: {  	_ =	shalt  }
0x72: {  	_ =	shalt  }
0x73: {  	_ =	shalt  }
0x74: {  	_ =	shalt  }
0x75: {  	_ =	shalt  }
0x76: {  	_ =	shalt  }
0x77: {  	_ =	shalt  }
0x78: {  	_ =	shalt  }
0x79: {  	_ =	shalt  }
0x7a: {  	_ =	shalt  }
0x7b: {  	_ =	shalt  }
0x7c: {  	_ =	shalt  }
0x7d: {  	_ =	shalt  }
0x7e: {  	_ =	shalt  }
0x7f: {  	_ =	shalt  }
0x80: {  	_ =	shalt  }
0x81: {  	_ =	shalt  }
0x82: {  	_ =	shalt  }
0x83: {  	_ =	shalt  }
0x84: {  	_ =	shalt  }
0x85: {  	_ =	shalt  }
0x86: {  	_ =	shalt  }
0x87: {  	_ =	shalt  }
.Lfunc_end0:
.L_simem_size_0:
called_computation.1_lowered:
.L_overlay_start_0:
0x88: {  	s2 =	sld [smem:$0x3FD9]  }
0x89: {  	s3 =	sld [smem:$0x3FFE];
	_ =	sdelay $0x1  }
0x8a: {  	s1 =	srdreg.scid  }
0x8b: {  	s0 =	sand.u32 $0x1, s1  }
0x8c: {  	s17 =	sshll.u32 s0, $0xA;
	s2 =	sadd.s32 s3, s2  }
0x8d: {  	s2 =	sadd.s32 s2, s17  }
0x8e: {  	[smem:$0x3FBD] =	sst s2  }
0x8f: {  	_ = 	snop  }
0x90: {  	s2 =	sld [smem:$0x3FD0];
	(tm) =	ssettm $0x1  }
0x91: {  	s18 =	sld [smem:$0x3FFB];
	_ =	sdelay $0x3  }
0x92: {  	_ =	strace s18  }
0x93: {  	s3 =	sld [smem:$0x3FFC];
	_ =	sdelay $0x3  }
0x94: {  	_ =	strace s3  }
0x95: {  	s3 =	sld [smem:$0x3FFD];
	_ =	sdelay $0x3  }
0x96: {  	_ =	strace s3  }
0x97: {  	_ =	strace $0x8FFFFFFF  }
0x98: {  	s19 =	sld [smem:$0x3FDB];
	_ =	sdelay $0x1  }
0x99: {  	s4 =	simm.s32 $_scs_section_size  }
0x9a: {  	s5 =	simm.s32 $_size__tile_overlayer_lowered;
	s6 =	simm.s32 $_tile_overlayer_lowered  }
0x9b: {  	s22 =	simm.s32 $0x1BFF;
	s21 =	sshll.u32 s6, $0x1;
	s3 =	sadd.s32 s4, s19  }
0x9c: {  	s7 =	simm.s32 $0x0;
	s20 =	sshll.u32 s5, $0x1;
	s5 =	sadd.s32 s21, s3  }
0x9d: {  	[timem:s7], [sflag:s22] =	dma.local [hbm:s5], s20  }
0x9e: {  	_ =	swait.ge [sflag:s22], s20  }
0x9f: {  	s4 =	ssub.s32 $0x0, s20;
	[sflag:s22] =	ssyncset.done $0x0  }
0xa0: {  	[sflag:s22] =	ssyncadd.s32 s4;
	_ =	sdelay $0x1  }
0xa1: {  	s23 =	simm.s32 $0x1B8B  }
0xa2: {  	_ =	swait.ge [sflag:s23], $0x1  }
0xa3: {  	[sflag:s23] =	ssyncset.done $0x0  }
0xa4: {  	s25 =	simm.s32 $0x1B8E;
	s24 =	sld [smem:$0x3FFE];
	[sflag:s23] =	ssyncadd.s32 $0xFFFFFFFF  }
0xa5: {  	s26 =	simm.s32 $execute0_lowered;
	[smem:$0x3FD2] =	sst s25  }
0xa6: {  	s5 =	sshll.u32 s26, $0x1;
	_ =	strace $0x80000046;
	[dreg:$0x1] =	wrdreg $0xFFFFFFFF  }
0xa7: {  	s28 =	simm.s32 $_size_execute0_lowered;
	s3 =	sadd.s32 s3, s5;
	[dreg:$0x0] =	wrdreg $0x0  }
0xa8: {  	s5 =	sshll.u32 s28, $0x1;
	[dreg:$0x2] =	wrdreg s3  }
0xa9: {  	[dreg:$0x3] =	wrdreg s5  }
0xaa: {  	[dreg:$0x4] =	wrdreg $0xC0  }
0xab: {  	_ =	task [dreg:s7], $0x5FFFF  }
0xac: {  	[dreg:$0x1] =	wrdreg $0xFFFFFFFF  }
0xad: {  	[dreg:$0x0] =	wrdreg $0x60  }
0xae: {  	[dreg:$0x2] =	wrdreg s24  }
0xaf: {  	[dreg:$0x3] =	wrdreg s2  }
0xb0: {  	[dreg:$0x4] =	wrdreg $0xC3800  }
0xb1: {  	[dreg:$0x5] =	wrdreg $0xA  }
0xb2: {  	_ =	task.clear_ibuf [dreg:s7], $0x6FFFF;
	_ =	strace $0x90000046  }
0xb3: {  	s29 =	simm.s32 $0xA;
	_ =	strace $0x80000048  }
0xb4: {  	_ =	swait.ge [sflag:s29], $0x1  }
0xb5: {  	[sflag:s29] =	ssyncadd.s32 $0xFFFFFFFF  }
0xb6: {  	_ =	strace $0x90000048  }
0xb7: {  	_ =	sfence  }
0xb8: {  	s30 =	sld [smem:$0x0];
	_ =	sdelay $0x2  }
0xb9: {  	s31 =	sshll.u32 s1, $0xD;
	s1 =	sshrl.u32 s1, $0x2  }
0xba: {  	s3 =	sand.u32 $0x4000, s31;
	s1 =	sadd.s32 s1, s30  }
0xbb: {  	s0 =	sor.u32 s3, s0;
	s1 =	sshll.u32 s1, $0x11  }
0xbc: {  	s0 =	sor.u32 s1, s0  }
0xbd: {  	s0 =	sadd.s32 $0x8F2B, s0  }
0xbe: {  	[sflag:s0] =	ssyncadd.remote.s32 $0x1  }
0xbf: {  	_ =	sfence.sel $0xFFFF  }
0xc0: {  	[dreg:$0x0] =	wrdreg $0xFFFFFFFF;
	(pc) =	sbr.abs _section_cstart, $3  }
0xc1: {  	[dreg:$0x1] =	wrdreg $0xFFFFFFFF  }
0xc2: {  	_ =	task.clear_ibuf [dreg:s7], $0x2FFFF;
	_ =	strace $0x9FFFFFFF  }
0xc3: {  	(tm) =	ssettm $0x7FFFFFFF  }
tec
execute0_lowered:
.L_overlay_start_1:
0x0: {  	(tag) =	ssettag $0x1  }
0x1: {  	s0 =	rddreg [dreg:$0x0]  }
0x2: {  	s1 =	rddreg [dreg:$0x1]  }
0x3: {  	s2 =	rddreg [dreg:$0x2]  }
0x4: {  	s3 =	srdreg.scid;
	s12 =	stileid.u32  }
0x5: {  	s11 =	simm.s32 $0x5700;
	s28 =	simm.s32 $0x40;
	s29 =	simm.s32 $0xA380  }
0x6: {  	s30 =	simm.s32 $0x1;
	s31 =	simm.s32 $0x2;
	s7 =	smul.u32 $0x13C00, s12  }
0x7: {  	s5 =	sand.u32 $0x1, s3;
	s3 =	simm.s32 $0x0;
	s10 =	smul.u32 $0x4F000, s12  }
0x8: {  	s22 =	sshll.u32 s12, $0x7;
	s4 =	smul.u32 $0x13C000, s5;
	s6 =	sshll.u32 s5, $0x4  }
0x9: {  	[smem:$0x7FF] =	sst s3;
	s9 =	ssub.s32 $0x2, s5;
	p0 =	seq.s32 s5, $0x0  }
0xa: {  	s23 =	sand.u32 $0x380, s22;
	s5 =	simm.s32 $0x56;
	s22 =	simm.s32 $0x8380  }
0xb: {  	s6 =	sor.u32 s12, s6;
	_ =	strace $0x80000047;
	s20 =	sshrl.u32 s9, $0x1  }
0xc: {  	s11 =	simm.s32 @!p0 $0x4600;
	s10 =	sshrl.u32 s10, $0x2;
	s5 =	simm.s32 @!p0 $0x45  }
0xd: {  	s8 =	smul.u32 $0xB00, s6;
	s7 =	sadd.s32 s7, s4;
	s4 =	sadd.s32 $0x18C00, s0  }
0xe: {  	s21 =	sshrl.u32 s6, $0x3;
	s25 =	sadd.s32 $0x2A80, s11;
	s26 =	sadd.s32 $0x2B00, s11  }
0xf: {  	s7 =	sshrl.u32 s7, $0x3;
	s6 =	smul.u32 $0x15C00, s21;
	[dreg:$0x7] =	wrdreg s25  }
0x10: {  	[dreg:$0x8] =	wrdreg s26;
	s8 =	sadd.s32 s8, s0;
	s0 =	sadd.s32 s7, s0  }
0x11: {  	s7 =	ssub.s32 s9, s20;
	s9 =	sor.u32 s23, s6;
	s6 =	sadd.s32 s10, s2  }
0x12: {  	s24 =	sadd.s32 $0x2C00, s8;
	s12 =	sadd.s32 $0x3FE00, s0;
	s13 =	smax.u32 s7, $0x1  }
0x13: {  	s23 =	simm.s32 $0x3;
	s9 =	sshrl.u32 s9, $0x3;
	s10 =	sadd.s32 $0x12000, s6  }
0x14: {  	[dreg:$0x6] =	wrdreg s24;
	s14 =	sadd.s32 $0x2000, s6;
	s15 =	sadd.s32 $0x4000, s6  }
0x15: {  	s16 =	sadd.s32 $0x6000, s6;
	s17 =	sadd.s32 $0x8000, s6;
	s18 =	sadd.s32 $0xA000, s6  }
0x16: {  	s19 =	sadd.s32 $0xC000, s6;
	[dreg:$0x4] =	wrdreg s10;
	s1 =	sadd.s32 s1, s9  }
0x17: {  	v0 =	vimm.f32 $0.0e+00;
	s20 =	sadd.s32 $0xE000, s6;
	s21 =	sadd.s32 $0x10000, s6;
	[dreg:$0x5] =	wrdreg s1  }
.LBB2_1:
0x18: {  	s0 =	simm.s32 $0x0;
	s1 =	simm.s32 $0x200  }
.LBB2_2:
0x19: {  	p0 =	sne.s32 s1, $0x7E00;
	[tilespmem:s0+$0x83F0] =	vst v0  }
0x1a: {  	[tilespmem:s0+$0x8380] =	vst v0  }
0x1b: {  	[tilespmem:s0+$0x8390] =	vst v0  }
.Ltmp0:
0x1c: {  	[tilespmem:s0+$0x83A0] =	vst v0;
	(pc) =	sbr.rel @p0 .LBB2_2-.Ltmp0, $4  }
0x1d: {  	[tilespmem:s0+$0x83B0] =	vst v0  }
0x1e: {  	[tilespmem:s0+$0x83C0] =	vst v0  }
0x1f: {  	[tilespmem:s0+$0x83D0] =	vst v0  }
0x20: {  	[tilespmem:s0+$0x83E0] =	vst v0;
	s0 =	sshra.s32 s1, $0x2;
	s1 =	sadd.s32 $0x200, s1  }
0x21: {  	[tilespmem:s0+$0x83F0] =	vst v0  }
0x22: {  	[tilespmem:s0+$0x8380] =	vst v0  }
0x23: {  	[tilespmem:s0+$0x8390] =	vst v0  }
0x24: {  	[tilespmem:s0+$0x83A0] =	vst v0  }
0x25: {  	[tilespmem:s0+$0x83B0] =	vst v0  }
0x26: {  	[tilespmem:s0+$0x83C0] =	vst v0  }
0x27: {  	[tilespmem:s0+$0x83D0] =	vst v0  }
0x28: {  	[tilespmem:s0+$0x83E0] =	vst v0  }
0x29: {  	[spmem:s6] =	stream.linear.scatter [tilespmem:s22], [sflag:$0x3], $0x2000, $0x38;
	[tilespmem:$0x1FF80] =	vst v63  }
0x2a: {  	_ =	swait.ge [sflag:s23], $0x2000  }
0x2b: {  	[sflag:s23] =	ssyncset.done $0x0  }
0x2c: {  	[sflag:s23] =	ssyncadd.s32 $0xFFFFE000  }
0x2d: {  	[spmem:s14] =	stream.linear.scatter [tilespmem:s22], [sflag:$0x3], $0x2000, $0x38;
	[tilespmem:$0x1FF80] =	vst v63  }
0x2e: {  	_ =	swait.ge [sflag:s23], $0x2000  }
0x2f: {  	[sflag:s23] =	ssyncset.done $0x0  }
0x30: {  	[sflag:s23] =	ssyncadd.s32 $0xFFFFE000  }
0x31: {  	[spmem:s15] =	stream.linear.scatter [tilespmem:s22], [sflag:$0x3], $0x2000, $0x38;
	[tilespmem:$0x1FF80] =	vst v63  }
0x32: {  	_ =	swait.ge [sflag:s23], $0x2000  }
0x33: {  	[sflag:s23] =	ssyncset.done $0x0  }
0x34: {  	[sflag:s23] =	ssyncadd.s32 $0xFFFFE000  }
0x35: {  	[spmem:s16] =	stream.linear.scatter [tilespmem:s22], [sflag:$0x3], $0x2000, $0x38;
	[tilespmem:$0x1FF80] =	vst v63  }
0x36: {  	_ =	swait.ge [sflag:s23], $0x2000  }
0x37: {  	[sflag:s23] =	ssyncset.done $0x0  }
0x38: {  	[sflag:s23] =	ssyncadd.s32 $0xFFFFE000  }
0x39: {  	[spmem:s17] =	stream.linear.scatter [tilespmem:s22], [sflag:$0x3], $0x2000, $0x38;
	[tilespmem:$0x1FF80] =	vst v63  }
0x3a: {  	_ =	swait.ge [sflag:s23], $0x2000  }
0x3b: {  	[sflag:s23] =	ssyncset.done $0x0  }
0x3c: {  	[sflag:s23] =	ssyncadd.s32 $0xFFFFE000  }
0x3d: {  	[spmem:s18] =	stream.linear.scatter [tilespmem:s22], [sflag:$0x3], $0x2000, $0x38;
	[tilespmem:$0x1FF80] =	vst v63  }
0x3e: {  	_ =	swait.ge [sflag:s23], $0x2000  }
0x3f: {  	[sflag:s23] =	ssyncset.done $0x0  }
0x40: {  	[sflag:s23] =	ssyncadd.s32 $0xFFFFE000  }
0x41: {  	[spmem:s19] =	stream.linear.scatter [tilespmem:s22], [sflag:$0x3], $0x2000, $0x38;
	[tilespmem:$0x1FF80] =	vst v63  }
0x42: {  	_ =	swait.ge [sflag:s23], $0x2000  }
0x43: {  	[sflag:s23] =	ssyncset.done $0x0  }
0x44: {  	[sflag:s23] =	ssyncadd.s32 $0xFFFFE000  }
0x45: {  	[spmem:s20] =	stream.linear.scatter [tilespmem:s22], [sflag:$0x3], $0x2000, $0x38;
	[tilespmem:$0x1FF80] =	vst v63  }
0x46: {  	_ =	swait.ge [sflag:s23], $0x2000  }
0x47: {  	[sflag:s23] =	ssyncset.done $0x0  }
0x48: {  	[sflag:s23] =	ssyncadd.s32 $0xFFFFE000  }
0x49: {  	[spmem:s21] =	stream.linear.scatter [tilespmem:s22], [sflag:$0x3], $0x2000, $0x38;
	[tilespmem:$0x1FF80] =	vst v63  }
0x4a: {  	_ =	swait.ge [sflag:s23], $0x2000  }
0x4b: {  	[sflag:s23] =	ssyncset.done $0x0  }
0x4c: {  	s11 =	rddreg [dreg:$0x4];
	[sflag:s23] =	ssyncadd.s32 $0xFFFFE000  }
0x4d: {  	[spmem:s11] =	stream.linear.scatter [tilespmem:s22], [sflag:$0x3], $0x1C00, $0x38;
	[tilespmem:$0x1FF80] =	vst v63  }
0x4e: {  	_ =	swait.ge [sflag:s23], $0x1C00  }
0x4f: {  	s24 =	simm.s32 $0x0;
	s7 =	simm.s32 $0x80;
	[sflag:s23] =	ssyncset.done $0x0  }
0x50: {  	s8 =	simm.s32 $0x400;
	s1 =	rddreg [dreg:$0x5];
	[sflag:s23] =	ssyncadd.s32 $0xFFFFE400  }
0x51: {  	[tilespmem:s24], [sflag:$0x3] =	stream.strided.gather [hbm4b:s1+s7], $0x2B80, s8, s7, $0x38;
	[tilespmem:$0x1FF80] =	vst v63  }
0x52: {  	_ =	swait.ge [sflag:s23], $0x2B80  }
0x53: {  	[sflag:s23] =	ssyncset.done $0x0  }
0x54: {  	s26 =	simm.s32 $0x2B80;
	s25 =	rddreg [dreg:$0x6];
	[sflag:s23] =	ssyncadd.s32 $0xFFFFD480  }
0x55: {  	[tilespmem:s26], [sflag:$0x3] =	stream.linear.gather [hbm4b:s25+s24], $0x5700, $0x38;
	[tilespmem:$0x1FF80] =	vst v63  }
0x56: {  	_ =	swait.ge [sflag:s23], $0x5700  }
0x57: {  	[sflag:s23] =	ssyncset.done $0x0  }
0x58: {  	[sflag:s23] =	ssyncadd.s32 $0xFFFFA900  }
0x59: {  	p0 =	sle.u32 s5, $0x0;
	[bflag:$0x0] =	sbarrier.arrive $0xFFFF  }
0x5a: {  	[tilespmem:s22], [sflag:$0x1] =	stream.indirect.gather [hbm4b:s4+s28], $0x80, s24, s28, $0xb8;
	[tilespmem:$0x1FF80] =	vst v63  }
0x5b: {  	s0 =	simm.s32 @!p0 $0x1  }
0x5c: {  	[tilespmem:s29], [sflag:$0x2] =	stream.indirect.gather [hbm4b:s4+s28], $0x80, s28, s28, $0xb8;
	[tilespmem:$0x1FF80] =	vst v63  }
0x5d: {  	_ =	swait.ge @!p0 [sflag:s0], $0x2000  }
0x5e: {  	s1 =	simm.s32 @!p0 $0x8380;
	s25 =	simm.s32 @!p0 $0x40;
	[sflag:s0] =	ssyncset.done @!p0 $0x0  }
0x5f: {  	s24 =	simm.s32 @!p0 $0x3;
	[sflag:s0] =	ssyncadd.s32 @!p0 $0xFFFFE000;
	s0 =	simm.s32 @!p0 $0x2B80  }
0x60: {  	[spmem:s2] =	stream.indirect.scatter.add.f32 @!p0 [tilespmem:s1], [sflag:$0x3], $0x80, s0, s25, $0xb8;
	[tilespmem:$0x1FF80] =	vst v63  }
0x61: {  	_ =	swait.ge @!p0 [sflag:s24], $0x2000;
	p0 =	por p0, p0  }
0x62: {  	[sflag:s24] =	ssyncset.done @!p0 $0x0  }
0x63: {  	s0 =	simm.s32 @!p0 $0x80;
	s7 =	simm.s32 @!p0 $0x2;
	[sflag:s24] =	ssyncadd.s32 @!p0 $0xFFFFE000  }
0x64: {  	[tilespmem:s1], [sflag:$0x1] =	stream.indirect.gather @!p0 [hbm4b:s4+s25], $0x80, s0, s25, $0xb8;
	[tilespmem:$0x1FF80] =	vst v63  }
0x65: {  	_ =	swait.ge @!p0 [sflag:s7], $0x2000  }
0x66: {  	p1 =	sle.u32 s5, $0x1;
	[sflag:s7] =	ssyncset.done @!p0 $0x0  }
0x67: {  	s8 =	simm.s32 @!p0 $0xA380;
	s0 =	simm.s32 $0x2C00;
	[sflag:s7] =	ssyncadd.s32 @!p0 $0xFFFFE000  }
0x68: {  	[spmem:s2] =	stream.indirect.scatter.add.f32 @!p0 [tilespmem:s8], [sflag:$0x3], $0x80, s0, s25, $0xb8;
	[tilespmem:$0x1FF80] =	vst v63  }
0x69: {  	s26 =	simm.s32 $0xC0;
	s1 =	simm.s32 $0x2D00;
	_ =	swait.ge @!p0 [sflag:s24], $0x2000  }
0x6a: {  	s7 =	simm.s32 $0x2;
	s0 =	simm.s32 $0x140;
	[sflag:s24] =	ssyncset.done @!p0 $0x0  }
.LBB2_4:
0x6b: {  	s9 =	simm.s32 @!p1 $0x1  }
0x6c: {  	[sflag:s24] =	ssyncadd.s32 @!p0 $0xFFFFE000;
	s10 =	smov.u32 s7;
	s7 =	sadd.s32 $0x1, s7  }
0x6d: {  	[tilespmem:s8], [sflag:$0x2] =	stream.indirect.gather @!p0 [hbm4b:s4+s25], $0x80, s26, s25, $0xb8;
	[tilespmem:$0x1FF80] =	vst v63  }
0x6e: {  	p2 =	sne.s32 s7, $0x56;
	s26 =	smov.u32 s0;
	_ =	swait.ge @!p1 [sflag:s9], $0x2000  }
0x6f: {  	s24 =	simm.s32 @!p1 $0x3;
	s8 =	simm.s32 @!p1 $0x8380;
	[sflag:s9] =	ssyncset.done @!p1 $0x0  }
0x70: {  	s25 =	simm.s32 @!p1 $0x40;
	[sflag:s9] =	ssyncadd.s32 @!p1 $0xFFFFE000;
	s9 =	sadd.s32 @!p1 $0xFFFFFF80, s1  }
0x71: {  	[spmem:s2] =	stream.indirect.scatter.add.f32 @!p1 [tilespmem:s8], [sflag:$0x3], $0x80, s9, s25, $0xb8;
	[tilespmem:$0x1FF80] =	vst v63  }
0x72: {  	p0 =	por p1, p1;
	_ =	swait.ge @!p1 [sflag:s24], $0x2000  }
0x73: {  	[sflag:s24] =	ssyncset.done @!p0 $0x0  }
0x74: {  	s11 =	simm.s32 @!p0 $0x2;
	s9 =	sadd.s32 @!p0 $0xFFFFFFC0, s0;
	[sflag:s24] =	ssyncadd.s32 @!p0 $0xFFFFE000  }
0x75: {  	[tilespmem:s8], [sflag:$0x1] =	stream.indirect.gather @!p0 [hbm4b:s4+s25], $0x80, s9, s25, $0xb8;
	[tilespmem:$0x1FF80] =	vst v63  }
0x76: {  	_ =	swait.ge @!p0 [sflag:s11], $0x2000  }
.Ltmp1:
0x77: {  	[sflag:s11] =	ssyncset.done @!p0 $0x0;
	(pc) =	sbr.rel @p2 .LBB2_4-.Ltmp1, $4  }
0x78: {  	s8 =	simm.s32 @!p0 $0xA380;
	[sflag:s11] =	ssyncadd.s32 @!p0 $0xFFFFE000  }
0x79: {  	[spmem:s2] =	stream.indirect.scatter.add.f32 @!p0 [tilespmem:s8], [sflag:$0x3], $0x80, s1, s25, $0xb8;
	[tilespmem:$0x1FF80] =	vst v63  }
0x7a: {  	s0 =	sadd.s32 $0x80, s0;
	_ =	swait.ge @!p0 [sflag:s24], $0x2000  }
0x7b: {  	p1 =	sge.u32 s10, s5;
	s1 =	sadd.s32 $0x100, s1;
	[sflag:s24] =	ssyncset.done @!p0 $0x0  }
0x7c: {  	s7 =	simm.s32 @!p1 $0x1;
	[sflag:s24] =	ssyncadd.s32 @!p0 $0xFFFFE000  }
0x7d: {  	[tilespmem:s8], [sflag:$0x2] =	stream.indirect.gather @!p0 [hbm4b:s4+s25], $0x80, s26, s25, $0xb8;
	[tilespmem:$0x1FF80] =	vst v63  }
0x7e: {  	_ =	swait.ge @!p1 [sflag:s7], $0x2000  }
0x7f: {  	s9 =	simm.s32 @!p1 $0x3;
	s10 =	simm.s32 @!p1 $0x40;
	[sflag:s7] =	ssyncset.done @!p1 $0x0  }
0x80: {  	s8 =	simm.s32 @!p1 $0x8380;
	[sflag:s7] =	ssyncadd.s32 @!p1 $0xFFFFE000;
	s7 =	sadd.s32 @!p1 $0xFFFFFF80, s1  }
0x81: {  	[spmem:s2] =	stream.indirect.scatter.add.f32 @!p1 [tilespmem:s8], [sflag:$0x3], $0x80, s7, s10, $0xb8;
	[tilespmem:$0x1FF80] =	vst v63  }
0x82: {  	p0 =	por p1, p1;
	_ =	swait.ge @!p1 [sflag:s9], $0x2000  }
0x83: {  	[sflag:s9] =	ssyncset.done @!p0 $0x0  }
0x84: {  	s11 =	simm.s32 @!p0 $0x2;
	s7 =	sadd.s32 @!p0 $0xFFFFFFC0, s0;
	[sflag:s9] =	ssyncadd.s32 @!p0 $0xFFFFE000  }
0x85: {  	[tilespmem:s8], [sflag:$0x1] =	stream.indirect.gather @!p0 [hbm4b:s4+s10], $0x80, s7, s10, $0xb8;
	[tilespmem:$0x1FF80] =	vst v63  }
0x86: {  	_ =	swait.ge @!p0 [sflag:s11], $0x2000  }
0x87: {  	[sflag:s11] =	ssyncset.done @!p0 $0x0  }
0x88: {  	s7 =	simm.s32 @!p0 $0xA380;
	[sflag:s11] =	ssyncadd.s32 @!p0 $0xFFFFE000  }
0x89: {  	[spmem:s2] =	stream.indirect.scatter.add.f32 @!p0 [tilespmem:s7], [sflag:$0x3], $0x80, s1, s10, $0xb8;
	[tilespmem:$0x1FF80] =	vst v63  }
0x8a: {  	_ =	swait.ge @!p0 [sflag:s9], $0x2000  }
0x8b: {  	[sflag:s9] =	ssyncset.done @!p0 $0x0  }
0x8c: {  	[sflag:s9] =	ssyncadd.s32 @!p0 $0xFFFFE000  }
0x8d: {  	[tilespmem:s7], [sflag:$0x2] =	stream.indirect.gather @!p0 [hbm4b:s4+s10], $0x80, s0, s10, $0xb8;
	[tilespmem:$0x1FF80] =	vst v63  }
0x8e: {  	_ =	swait.ge [sflag:s30], $0x2000  }
0x8f: {  	[sflag:s30] =	ssyncset.done $0x0  }
0x90: {  	s11 =	rddreg [dreg:$0x7];
	[sflag:s30] =	ssyncadd.s32 $0xFFFFE000  }
0x91: {  	[spmem:s2] =	stream.indirect.scatter.add.f32 [tilespmem:s22], [sflag:$0x3], $0x80, s11, s28, $0xb8;
	[tilespmem:$0x1FF80] =	vst v63  }
0x92: {  	_ =	swait.ge [sflag:s23], $0x2000  }
0x93: {  	[sflag:s23] =	ssyncset.done $0x0  }
0x94: {  	[sflag:s23] =	ssyncadd.s32 $0xFFFFE000  }
0x95: {  	_ =	swait.ge [sflag:s31], $0x2000  }
0x96: {  	[sflag:s31] =	ssyncset.done $0x0  }
0x97: {  	s24 =	rddreg [dreg:$0x8];
	[sflag:s31] =	ssyncadd.s32 $0xFFFFE000  }
0x98: {  	[spmem:s2] =	stream.indirect.scatter.add.f32 [tilespmem:s29], [sflag:$0x3], $0x80, s24, s28, $0xb8;
	[tilespmem:$0x1FF80] =	vst v63  }
0x99: {  	s3 =	sadd.s32 $0x1, s3;
	_ =	swait.ge [sflag:s23], $0x2000  }
0x9a: {  	s25 =	stileid.u32;
	s26 =	sshrl.u32 s6, $0x3;
	[sflag:s23] =	ssyncset.done $0x0  }
0x9b: {  	s0 =	sshll.u32 s25, $0x6;
	p0 =	sne.s32 s3, s13;
	[sflag:s23] =	ssyncadd.s32 $0xFFFFE000  }
.Ltmp2:
0x9c: {  	s0 =	sor.u32 $0x1C03, s0;
	[bflag:$0x0] =	sbarrier.arrive $0xFFFF;
	(pc) =	sbr.rel @p0 .LBB2_1-.Ltmp2, $4  }
0x9d: {  	[hbm:s12], [sflag:s0] =	dma.local [spmem:s26], $0x2780  }
0x9e: {  	_ =	swait.ge [sflag:s23], $0x2780  }
0x9f: {  	[sflag:s23] =	ssyncset.done $0x0  }
0xa0: {  	[sflag:s23] =	ssyncadd.s32 $0xFFFFD880  }
0xa1: {  	_ =	sfence.sel $0x180000  }
0xa2: {  	[bflag:$0x0] =	sbarrier.arrive $0xFFFF  }
0xa3: {  	_ =	strace $0x90000047  }
0xa4: {  	s0 =	stileid.u32;
	[bflag:$0x2] =	sbarrier.arrive $0xFFFF  }
0xa5: {  	p0 =	sne.s32 s0, $0x0;
	s0 =	rddreg [dreg:$0x3]  }
0xa6: {  	s0 =	sadd.s32 @!p0 $0x100000, s0  }
0xa7: {  	[sflag:s0] =	ssyncadd.tile.s32 @!p0 $0x1;
	_ =	shalt  }
.Lfunc_end2:
_tile_overlayer_lowered:
.L_overlay_start_2:
0xa8: {  	(tag) =	ssettag $0x2  }
0xa9: {  	s0 =	rddreg [dreg:$0x0];
	s2 =	stileid.u32  }
0xaa: {  	s1 =	rddreg [dreg:$0x1];
	p0 =	sne.s32 s2, $0x0  }
0xab: {  	s3 =	rddreg [dreg:$0x2];
	[bflag:$0x3] =	sbarrier.arrive $0xFFFF;
	s2 =	simm.s32 @!p0 $0x1C03  }
0xac: {  	[timem:s3], [sflag:s2] =	dma.local @!p0 [hbm:s0], s1  }
0xad: {  	s0 =	simm.s32 @!p0 $0x3  }
0xae: {  	_ =	swait.ge @!p0 [sflag:s0], s1  }
0xaf: {  	s1 =	ssub.s32 @!p0 $0x0, s1;
	[sflag:s0] =	ssyncset.done @!p0 $0x0  }
0xb0: {  	[sflag:s0] =	ssyncadd.s32 @!p0 s1  }
0xb1: {  	[bflag:$0x3] =	sbarrier.arrive $0xFFFF  }
0xb2: {  	_ =	shalt  }

// kernel: kernel.16.cloned.1.call-start
scs
__scs_entry_jumppad:
0x0: {  	(pc) =	sbr.rel $0x88, $3  }
0x1: {  	(tag) =	ssettag $0x0;
	lr =	simm.s32 $0x1  }
0x2: {  	[smem:$0x3F96] =	sst lr;
	_ =	strace $0xD0000000  }
0x3: {  	_ = 	snop  }
0x4: {  	_ = 	snop  }
0x5: {  	_ = 	snop  }
0x6: {  	_ = 	snop  }
0x7: {  	_ = 	snop  }
__scs_overlays_trampoline_lowered:
0x8: {  	[smem:$0x3FA5] =	sst s0  }
0x9: {  	[smem:$0x3FA6] =	sst s1  }
0xa: {  	[smem:$0x3FA7] =	sst s2  }
0xb: {  	[smem:$0x3FA8] =	sst s3  }
0xc: {  	[smem:$0x3FA9] =	sst s4  }
0xd: {  	[smem:$0x3FAA] =	sst s5  }
0xe: {  	[smem:$0x3FAB] =	sst s6  }
0xf: {  	[smem:$0x3FAC] =	sst s7  }
0x10: {  	[smem:$0x3FAD] =	sst s8  }
0x11: {  	[smem:$0x3FAE] =	sst s9;
	s0 =	simm.s32 @!p0 $0x0  }
0x12: {  	s1 =	sld [smem:$0x3F94];
	s0 =	simm.s32 @p0 $0x1  }
0x13: {  	[smem:$0x3FAF] =	sst s0;
	s0 =	simm.s32 @!p1 $0x0  }
0x14: {  	s2 =	sld [smem:$0x3F93];
	s0 =	simm.s32 @p1 $0x1  }
0x15: {  	[smem:$0x3FB0] =	sst s0;
	s0 =	simm.s32 @!p2 $0x0  }
0x16: {  	s3 =	sld [smem:$0x3FDB];
	s0 =	simm.s32 @p2 $0x1  }
0x17: {  	s4 =	simm.s32 $0x1BF5;
	[smem:$0x3FB2] =	sst s0  }
0x18: {  	s0 =	sld [smem:$0x3F95];
	_ =	swait.ge [sflag:s4], $0x0  }
0x19: {  	s7 =	sld [smem:$0x3F96]  }
0x1a: {  	s8 =	sadd.s32 $0xFFFFE003, lr  }
0x1b: {  	s9 =	sadd.s32 $0xFFFFFEF7, lr;
	s5 =	simm.s32 $0xFFFFFFFF;
	p2 =	slt.u32 s8, $0xFFFFF086  }
0x1c: {  	p1 =	slt.u32 s9, $0xF7A;
	s5 =	simm.s32 @!p2 $0x0  }
0x1d: {  	s5 =	simm.s32 @p1 $0x1;
	p0 =	seq.s32 s7, s2  }
0x1e: {  	s7 =	smul.u32 @!p0 $0xF7A, s2;
	p2 =	seq.s32 @!p0 s5, $0x0  }
0x1f: {  	s9 =	smul.u32 $0xF7A, s1;
	s8 =	simm.s32 @!p0 $0x1BF5;
	p2 =	por !p2, p0  }
0x20: {  	[sflag:s8] =	ssyncset.s32 @!p0 $0xFFFFF086;
	s6 =	sadd.s32 @!p0 s3, s7;
	s7 =	simm.s32 @!p0 $0x108  }
0x21: {  	s3 =	sadd.s32 s3, s9;
	s6 =	sadd.s32 @!p0 $0x88, s6;
	s7 =	simm.s32 @p2 $0x1082  }
0x22: {  	[simem:s7], [sflag:s8] =	dma.local @!p0 [hbm:s6], $0xF7A  }
0x23: {  	s9 =	sor.u32 $0xD0000000, s2;
	s6 =	simm.s32 $0x108;
	_ =	swait.ge @!p0 [sflag:s8], $0x0  }
0x24: {  	s3 =	sadd.s32 $0x88, s3;
	s6 =	simm.s32 @!p1 $0x1082;
	[sflag:s4] =	ssyncset.s32 $0xFFFFF086  }
0x25: {  	[simem:s6], [sflag:s4] =	dma.local [hbm:s3], $0xF7A  }
0x26: {  	[smem:$0x3F96] =	sst s1;
	(tag) =	ssettag s2;
	_ =	strace s9  }
0x27: {  	s1 =	sld [smem:$0x3FA6]  }
0x28: {  	s2 =	sld [smem:$0x3FA7]  }
0x29: {  	s4 =	sld [smem:$0x3FA9]  }
0x2a: {  	p0 =	seq.s32 s5, $0x0;
	s5 =	sld [smem:$0x3FAA]  }
0x2b: {  	s6 =	sld [smem:$0x3FAB]  }
0x2c: {  	s7 =	sld [smem:$0x3FAC]  }
0x2d: {  	s3 =	simm.s32 $0x108;
	s8 =	sld [smem:$0x3FAD]  }
0x2e: {  	s3 =	simm.s32 @!p0 $0x1082;
	s9 =	sld [smem:$0x3FAE]  }
0x2f: {  	lr =	sadd.s32 s0, s3;
	s0 =	sld [smem:$0x3FA5]  }
0x30: {  	s3 =	sld [smem:$0x3FA8]  }
0x31: {  	[smem:$0x3FB1] =	sst s10  }
0x32: {  	s10 =	sld [smem:$0x3FAF];
	_ =	sdelay $0x3  }
0x33: {  	p0 =	seq.s32 s10, $0x1;
	s10 =	sld [smem:$0x3FB1];
	_ =	sdelay $0x3  }
0x34: {  	[smem:$0x3FB1] =	sst s10  }
0x35: {  	s10 =	sld [smem:$0x3FB0];
	_ =	sdelay $0x3  }
0x36: {  	p1 =	seq.s32 s10, $0x1;
	s10 =	sld [smem:$0x3FB1];
	_ =	sdelay $0x3  }
0x37: {  	[smem:$0x3FB1] =	sst s10  }
0x38: {  	s10 =	sld [smem:$0x3FB2]  }
0x39: {  	_ = 	snop;
	(pc) =	sbr.ind lr, $3  }
0x3a: {  	_ = 	snop  }
0x3b: {  	_ = 	snop  }
0x3c: {  	p2 =	seq.s32 s10, $0x1;
	s10 =	sld [smem:$0x3FB1]  }
0x3d: {  	_ =	shalt  }
0x3e: {  	_ =	shalt  }
0x3f: {  	_ =	shalt  }
0x40: {  	_ =	shalt  }
0x41: {  	_ =	shalt  }
0x42: {  	_ =	shalt  }
0x43: {  	_ =	shalt  }
0x44: {  	_ =	shalt  }
0x45: {  	_ =	shalt  }
0x46: {  	_ =	shalt  }
0x47: {  	_ =	shalt  }
0x48: {  	_ =	shalt  }
0x49: {  	_ =	shalt  }
0x4a: {  	_ =	shalt  }
0x4b: {  	_ =	shalt  }
0x4c: {  	_ =	shalt  }
0x4d: {  	_ =	shalt  }
0x4e: {  	_ =	shalt  }
0x4f: {  	_ =	shalt  }
0x50: {  	_ =	shalt  }
0x51: {  	_ =	shalt  }
0x52: {  	_ =	shalt  }
0x53: {  	_ =	shalt  }
0x54: {  	_ =	shalt  }
0x55: {  	_ =	shalt  }
0x56: {  	_ =	shalt  }
0x57: {  	_ =	shalt  }
0x58: {  	_ =	shalt  }
0x59: {  	_ =	shalt  }
0x5a: {  	_ =	shalt  }
0x5b: {  	_ =	shalt  }
0x5c: {  	_ =	shalt  }
0x5d: {  	_ =	shalt  }
0x5e: {  	_ =	shalt  }
0x5f: {  	_ =	shalt  }
0x60: {  	_ =	shalt  }
0x61: {  	_ =	shalt  }
0x62: {  	_ =	shalt  }
0x63: {  	_ =	shalt  }
0x64: {  	_ =	shalt  }
0x65: {  	_ =	shalt  }
0x66: {  	_ =	shalt  }
0x67: {  	_ =	shalt  }
0x68: {  	_ =	shalt  }
0x69: {  	_ =	shalt  }
0x6a: {  	_ =	shalt  }
0x6b: {  	_ =	shalt  }
0x6c: {  	_ =	shalt  }
0x6d: {  	_ =	shalt  }
0x6e: {  	_ =	shalt  }
0x6f: {  	_ =	shalt  }
0x70: {  	_ =	shalt  }
0x71: {  	_ =	shalt  }
0x72: {  	_ =	shalt  }
0x73: {  	_ =	shalt  }
0x74: {  	_ =	shalt  }
0x75: {  	_ =	shalt  }
0x76: {  	_ =	shalt  }
0x77: {  	_ =	shalt  }
0x78: {  	_ =	shalt  }
0x79: {  	_ =	shalt  }
0x7a: {  	_ =	shalt  }
0x7b: {  	_ =	shalt  }
0x7c: {  	_ =	shalt  }
0x7d: {  	_ =	shalt  }
0x7e: {  	_ =	shalt  }
0x7f: {  	_ =	shalt  }
0x80: {  	_ =	shalt  }
0x81: {  	_ =	shalt  }
0x82: {  	_ =	shalt  }
0x83: {  	_ =	shalt  }
0x84: {  	_ =	shalt  }
0x85: {  	_ =	shalt  }
0x86: {  	_ =	shalt  }
0x87: {  	_ =	shalt  }
.Lfunc_end0:
.L_simem_size_0:
called_computation.2_lowered:
.L_overlay_start_0:
0x88: {  	s2 =	sld [smem:$0x3FD9]  }
0x89: {  	s3 =	sld [smem:$0x3FFE];
	_ =	sdelay $0x1  }
0x8a: {  	s1 =	srdreg.scid  }
0x8b: {  	s0 =	sand.u32 $0x1, s1  }
0x8c: {  	s17 =	sshll.u32 s0, $0xA;
	s2 =	sadd.s32 s3, s2  }
0x8d: {  	s2 =	sadd.s32 s2, s17  }
0x8e: {  	[smem:$0x3FBD] =	sst s2  }
0x8f: {  	_ = 	snop  }
0x90: {  	s2 =	sld [smem:$0x3FD0];
	(tm) =	ssettm $0x1  }
0x91: {  	s18 =	sld [smem:$0x3FFB];
	_ =	sdelay $0x3  }
0x92: {  	_ =	strace s18  }
0x93: {  	s3 =	sld [smem:$0x3FFC];
	_ =	sdelay $0x3  }
0x94: {  	_ =	strace s3  }
0x95: {  	s3 =	sld [smem:$0x3FFD];
	_ =	sdelay $0x3  }
0x96: {  	_ =	strace s3  }
0x97: {  	_ =	strace $0x8FFFFFFF  }
0x98: {  	s19 =	sld [smem:$0x3FDB];
	_ =	sdelay $0x1  }
0x99: {  	s4 =	simm.s32 $_scs_section_size  }
0x9a: {  	s5 =	simm.s32 $_size__tile_overlayer_lowered;
	s6 =	simm.s32 $_tile_overlayer_lowered  }
0x9b: {  	s22 =	simm.s32 $0x1BFF;
	s21 =	sshll.u32 s6, $0x1;
	s3 =	sadd.s32 s4, s19  }
0x9c: {  	s7 =	simm.s32 $0x0;
	s20 =	sshll.u32 s5, $0x1;
	s5 =	sadd.s32 s21, s3  }
0x9d: {  	[timem:s7], [sflag:s22] =	dma.local [hbm:s5], s20  }
0x9e: {  	_ =	swait.ge [sflag:s22], s20  }
0x9f: {  	s4 =	ssub.s32 $0x0, s20;
	[sflag:s22] =	ssyncset.done $0x0  }
0xa0: {  	[sflag:s22] =	ssyncadd.s32 s4;
	_ =	sdelay $0x1  }
0xa1: {  	s23 =	simm.s32 $0x1B8B  }
0xa2: {  	_ =	swait.ge [sflag:s23], $0x1  }
0xa3: {  	[sflag:s23] =	ssyncset.done $0x0  }
0xa4: {  	s25 =	simm.s32 $0x1B8E;
	s24 =	sld [smem:$0x3FFE];
	[sflag:s23] =	ssyncadd.s32 $0xFFFFFFFF  }
0xa5: {  	s26 =	simm.s32 $execute0_lowered;
	[smem:$0x3FD2] =	sst s25  }
0xa6: {  	s5 =	sshll.u32 s26, $0x1;
	_ =	strace $0x8000004C;
	[dreg:$0x1] =	wrdreg $0xFFFFFFFF  }
0xa7: {  	s28 =	simm.s32 $_size_execute0_lowered;
	s3 =	sadd.s32 s3, s5;
	[dreg:$0x0] =	wrdreg $0x0  }
0xa8: {  	s5 =	sshll.u32 s28, $0x1;
	[dreg:$0x2] =	wrdreg s3  }
0xa9: {  	[dreg:$0x3] =	wrdreg s5  }
0xaa: {  	[dreg:$0x4] =	wrdreg $0xC0  }
0xab: {  	_ =	task [dreg:s7], $0x5FFFF  }
0xac: {  	[dreg:$0x1] =	wrdreg $0xFFFFFFFF  }
0xad: {  	[dreg:$0x0] =	wrdreg $0x60  }
0xae: {  	[dreg:$0x2] =	wrdreg s24  }
0xaf: {  	[dreg:$0x3] =	wrdreg s2  }
0xb0: {  	[dreg:$0x4] =	wrdreg $0xC3800  }
0xb1: {  	[dreg:$0x5] =	wrdreg $0x9  }
0xb2: {  	_ =	task.clear_ibuf [dreg:s7], $0x6FFFF;
	_ =	strace $0x9000004C  }
0xb3: {  	s29 =	simm.s32 $0x9;
	_ =	strace $0x8000004E  }
0xb4: {  	_ =	swait.ge [sflag:s29], $0x1  }
0xb5: {  	[sflag:s29] =	ssyncadd.s32 $0xFFFFFFFF  }
0xb6: {  	_ =	strace $0x9000004E  }
0xb7: {  	_ =	sfence  }
0xb8: {  	s30 =	sld [smem:$0x0];
	_ =	sdelay $0x2  }
0xb9: {  	s31 =	sshll.u32 s1, $0xD;
	s1 =	sshrl.u32 s1, $0x2  }
0xba: {  	s3 =	sand.u32 $0x4000, s31;
	s1 =	sadd.s32 s1, s30  }
0xbb: {  	s0 =	sor.u32 s3, s0;
	s1 =	sshll.u32 s1, $0x11  }
0xbc: {  	s0 =	sor.u32 s1, s0  }
0xbd: {  	s0 =	sadd.s32 $0x8F2B, s0  }
0xbe: {  	[sflag:s0] =	ssyncadd.remote.s32 $0x1  }
0xbf: {  	_ =	sfence.sel $0xFFFF  }
0xc0: {  	[dreg:$0x0] =	wrdreg $0xFFFFFFFF;
	(pc) =	sbr.abs _section_cstart, $3  }
0xc1: {  	[dreg:$0x1] =	wrdreg $0xFFFFFFFF  }
0xc2: {  	_ =	task.clear_ibuf [dreg:s7], $0x2FFFF;
	_ =	strace $0x9FFFFFFF  }
0xc3: {  	(tm) =	ssettm $0x7FFFFFFF  }
tec
execute0_lowered:
.L_overlay_start_1:
0x0: {  	(tag) =	ssettag $0x1  }
0x1: {  	s0 =	rddreg [dreg:$0x0]  }
0x2: {  	s1 =	rddreg [dreg:$0x1]  }
0x3: {  	s2 =	rddreg [dreg:$0x2]  }
0x4: {  	s3 =	srdreg.scid;
	s12 =	stileid.u32  }
0x5: {  	s11 =	simm.s32 $0x5700;
	s28 =	simm.s32 $0x40;
	s29 =	simm.s32 $0xA380  }
0x6: {  	s30 =	simm.s32 $0x1;
	s31 =	simm.s32 $0x2;
	s7 =	smul.u32 $0x13C00, s12  }
0x7: {  	s5 =	sand.u32 $0x1, s3;
	s3 =	simm.s32 $0x0;
	s10 =	smul.u32 $0x4F000, s12  }
0x8: {  	s22 =	sshll.u32 s12, $0x7;
	s4 =	smul.u32 $0x13C000, s5;
	s6 =	sshll.u32 s5, $0x4  }
0x9: {  	[smem:$0x7FF] =	sst s3;
	s9 =	ssub.s32 $0x2, s5;
	p0 =	seq.s32 s5, $0x0  }
0xa: {  	s23 =	sand.u32 $0x380, s22;
	s5 =	simm.s32 $0x56;
	s22 =	simm.s32 $0x8380  }
0xb: {  	s6 =	sor.u32 s12, s6;
	_ =	strace $0x8000004D;
	s20 =	sshrl.u32 s9, $0x1  }
0xc: {  	s11 =	simm.s32 @!p0 $0x4600;
	s10 =	sshrl.u32 s10, $0x2;
	s5 =	simm.s32 @!p0 $0x45  }
0xd: {  	s8 =	smul.u32 $0xB00, s6;
	s7 =	sadd.s32 s7, s4;
	s4 =	sadd.s32 $0x18C00, s0  }
0xe: {  	s21 =	sshrl.u32 s6, $0x3;
	s25 =	sadd.s32 $0x2A80, s11;
	s26 =	sadd.s32 $0x2B00, s11  }
0xf: {  	s7 =	sshrl.u32 s7, $0x3;
	s6 =	smul.u32 $0x15C00, s21;
	[dreg:$0x7] =	wrdreg s25  }
0x10: {  	[dreg:$0x8] =	wrdreg s26;
	s8 =	sadd.s32 s8, s0;
	s0 =	sadd.s32 s7, s0  }
0x11: {  	s7 =	ssub.s32 s9, s20;
	s9 =	sor.u32 s23, s6;
	s6 =	sadd.s32 s10, s2  }
0x12: {  	s24 =	sadd.s32 $0x2C00, s8;
	s12 =	sadd.s32 $0x3FE00, s0;
	s13 =	smax.u32 s7, $0x1  }
0x13: {  	s23 =	simm.s32 $0x3;
	s9 =	sshrl.u32 s9, $0x3;
	s10 =	sadd.s32 $0x12000, s6  }
0x14: {  	[dreg:$0x6] =	wrdreg s24;
	s14 =	sadd.s32 $0x2000, s6;
	s15 =	sadd.s32 $0x4000, s6  }
0x15: {  	s16 =	sadd.s32 $0x6000, s6;
	s17 =	sadd.s32 $0x8000, s6;
	s18 =	sadd.s32 $0xA000, s6  }
0x16: {  	s19 =	sadd.s32 $0xC000, s6;
	[dreg:$0x4] =	wrdreg s10;
	s1 =	sadd.s32 s1, s9  }
0x17: {  	v0 =	vimm.f32 $0.0e+00;
	s20 =	sadd.s32 $0xE000, s6;
	s21 =	sadd.s32 $0x10000, s6;
	[dreg:$0x5] =	wrdreg s1  }
.LBB2_1:
0x18: {  	s0 =	simm.s32 $0x0;
	s1 =	simm.s32 $0x200  }
.LBB2_2:
0x19: {  	p0 =	sne.s32 s1, $0x7E00;
	[tilespmem:s0+$0x83F0] =	vst v0  }
0x1a: {  	[tilespmem:s0+$0x8380] =	vst v0  }
0x1b: {  	[tilespmem:s0+$0x8390] =	vst v0  }
.Ltmp0:
0x1c: {  	[tilespmem:s0+$0x83A0] =	vst v0;
	(pc) =	sbr.rel @p0 .LBB2_2-.Ltmp0, $4  }
0x1d: {  	[tilespmem:s0+$0x83B0] =	vst v0  }
0x1e: {  	[tilespmem:s0+$0x83C0] =	vst v0  }
0x1f: {  	[tilespmem:s0+$0x83D0] =	vst v0  }
0x20: {  	[tilespmem:s0+$0x83E0] =	vst v0;
	s0 =	sshra.s32 s1, $0x2;
	s1 =	sadd.s32 $0x200, s1  }
0x21: {  	[tilespmem:s0+$0x83F0] =	vst v0  }
0x22: {  	[tilespmem:s0+$0x8380] =	vst v0  }
0x23: {  	[tilespmem:s0+$0x8390] =	vst v0  }
0x24: {  	[tilespmem:s0+$0x83A0] =	vst v0  }
0x25: {  	[tilespmem:s0+$0x83B0] =	vst v0  }
0x26: {  	[tilespmem:s0+$0x83C0] =	vst v0  }
0x27: {  	[tilespmem:s0+$0x83D0] =	vst v0  }
0x28: {  	[tilespmem:s0+$0x83E0] =	vst v0  }
0x29: {  	[spmem:s6] =	stream.linear.scatter [tilespmem:s22], [sflag:$0x3], $0x2000, $0x38;
	[tilespmem:$0x1FF80] =	vst v63  }
0x2a: {  	_ =	swait.ge [sflag:s23], $0x2000  }
0x2b: {  	[sflag:s23] =	ssyncset.done $0x0  }
0x2c: {  	[sflag:s23] =	ssyncadd.s32 $0xFFFFE000  }
0x2d: {  	[spmem:s14] =	stream.linear.scatter [tilespmem:s22], [sflag:$0x3], $0x2000, $0x38;
	[tilespmem:$0x1FF80] =	vst v63  }
0x2e: {  	_ =	swait.ge [sflag:s23], $0x2000  }
0x2f: {  	[sflag:s23] =	ssyncset.done $0x0  }
0x30: {  	[sflag:s23] =	ssyncadd.s32 $0xFFFFE000  }
0x31: {  	[spmem:s15] =	stream.linear.scatter [tilespmem:s22], [sflag:$0x3], $0x2000, $0x38;
	[tilespmem:$0x1FF80] =	vst v63  }
0x32: {  	_ =	swait.ge [sflag:s23], $0x2000  }
0x33: {  	[sflag:s23] =	ssyncset.done $0x0  }
0x34: {  	[sflag:s23] =	ssyncadd.s32 $0xFFFFE000  }
0x35: {  	[spmem:s16] =	stream.linear.scatter [tilespmem:s22], [sflag:$0x3], $0x2000, $0x38;
	[tilespmem:$0x1FF80] =	vst v63  }
0x36: {  	_ =	swait.ge [sflag:s23], $0x2000  }
0x37: {  	[sflag:s23] =	ssyncset.done $0x0  }
0x38: {  	[sflag:s23] =	ssyncadd.s32 $0xFFFFE000  }
0x39: {  	[spmem:s17] =	stream.linear.scatter [tilespmem:s22], [sflag:$0x3], $0x2000, $0x38;
	[tilespmem:$0x1FF80] =	vst v63  }
0x3a: {  	_ =	swait.ge [sflag:s23], $0x2000  }
0x3b: {  	[sflag:s23] =	ssyncset.done $0x0  }
0x3c: {  	[sflag:s23] =	ssyncadd.s32 $0xFFFFE000  }
0x3d: {  	[spmem:s18] =	stream.linear.scatter [tilespmem:s22], [sflag:$0x3], $0x2000, $0x38;
	[tilespmem:$0x1FF80] =	vst v63  }
0x3e: {  	_ =	swait.ge [sflag:s23], $0x2000  }
0x3f: {  	[sflag:s23] =	ssyncset.done $0x0  }
0x40: {  	[sflag:s23] =	ssyncadd.s32 $0xFFFFE000  }
0x41: {  	[spmem:s19] =	stream.linear.scatter [tilespmem:s22], [sflag:$0x3], $0x2000, $0x38;
	[tilespmem:$0x1FF80] =	vst v63  }
0x42: {  	_ =	swait.ge [sflag:s23], $0x2000  }
0x43: {  	[sflag:s23] =	ssyncset.done $0x0  }
0x44: {  	[sflag:s23] =	ssyncadd.s32 $0xFFFFE000  }
0x45: {  	[spmem:s20] =	stream.linear.scatter [tilespmem:s22], [sflag:$0x3], $0x2000, $0x38;
	[tilespmem:$0x1FF80] =	vst v63  }
0x46: {  	_ =	swait.ge [sflag:s23], $0x2000  }
0x47: {  	[sflag:s23] =	ssyncset.done $0x0  }
0x48: {  	[sflag:s23] =	ssyncadd.s32 $0xFFFFE000  }
0x49: {  	[spmem:s21] =	stream.linear.scatter [tilespmem:s22], [sflag:$0x3], $0x2000, $0x38;
	[tilespmem:$0x1FF80] =	vst v63  }
0x4a: {  	_ =	swait.ge [sflag:s23], $0x2000  }
0x4b: {  	[sflag:s23] =	ssyncset.done $0x0  }
0x4c: {  	s11 =	rddreg [dreg:$0x4];
	[sflag:s23] =	ssyncadd.s32 $0xFFFFE000  }
0x4d: {  	[spmem:s11] =	stream.linear.scatter [tilespmem:s22], [sflag:$0x3], $0x1C00, $0x38;
	[tilespmem:$0x1FF80] =	vst v63  }
0x4e: {  	_ =	swait.ge [sflag:s23], $0x1C00  }
0x4f: {  	s24 =	simm.s32 $0x0;
	s7 =	simm.s32 $0x80;
	[sflag:s23] =	ssyncset.done $0x0  }
0x50: {  	s8 =	simm.s32 $0x400;
	s1 =	rddreg [dreg:$0x5];
	[sflag:s23] =	ssyncadd.s32 $0xFFFFE400  }
0x51: {  	[tilespmem:s24], [sflag:$0x3] =	stream.strided.gather [hbm4b:s1+s7], $0x2B80, s8, s7, $0x38;
	[tilespmem:$0x1FF80] =	vst v63  }
0x52: {  	_ =	swait.ge [sflag:s23], $0x2B80  }
0x53: {  	[sflag:s23] =	ssyncset.done $0x0  }
0x54: {  	s26 =	simm.s32 $0x2B80;
	s25 =	rddreg [dreg:$0x6];
	[sflag:s23] =	ssyncadd.s32 $0xFFFFD480  }
0x55: {  	[tilespmem:s26], [sflag:$0x3] =	stream.linear.gather [hbm4b:s25+s24], $0x5700, $0x38;
	[tilespmem:$0x1FF80] =	vst v63  }
0x56: {  	_ =	swait.ge [sflag:s23], $0x5700  }
0x57: {  	[sflag:s23] =	ssyncset.done $0x0  }
0x58: {  	[sflag:s23] =	ssyncadd.s32 $0xFFFFA900  }
0x59: {  	p0 =	sle.u32 s5, $0x0;
	[bflag:$0x0] =	sbarrier.arrive $0xFFFF  }
0x5a: {  	[tilespmem:s22], [sflag:$0x1] =	stream.indirect.gather [hbm4b:s4+s28], $0x80, s24, s28, $0xb8;
	[tilespmem:$0x1FF80] =	vst v63  }
0x5b: {  	s0 =	simm.s32 @!p0 $0x1  }
0x5c: {  	[tilespmem:s29], [sflag:$0x2] =	stream.indirect.gather [hbm4b:s4+s28], $0x80, s28, s28, $0xb8;
	[tilespmem:$0x1FF80] =	vst v63  }
0x5d: {  	_ =	swait.ge @!p0 [sflag:s0], $0x2000  }
0x5e: {  	s1 =	simm.s32 @!p0 $0x8380;
	s25 =	simm.s32 @!p0 $0x40;
	[sflag:s0] =	ssyncset.done @!p0 $0x0  }
0x5f: {  	s24 =	simm.s32 @!p0 $0x3;
	[sflag:s0] =	ssyncadd.s32 @!p0 $0xFFFFE000;
	s0 =	simm.s32 @!p0 $0x2B80  }
0x60: {  	[spmem:s2] =	stream.indirect.scatter.add.f32 @!p0 [tilespmem:s1], [sflag:$0x3], $0x80, s0, s25, $0xb8;
	[tilespmem:$0x1FF80] =	vst v63  }
0x61: {  	_ =	swait.ge @!p0 [sflag:s24], $0x2000;
	p0 =	por p0, p0  }
0x62: {  	[sflag:s24] =	ssyncset.done @!p0 $0x0  }
0x63: {  	s0 =	simm.s32 @!p0 $0x80;
	s7 =	simm.s32 @!p0 $0x2;
	[sflag:s24] =	ssyncadd.s32 @!p0 $0xFFFFE000  }
0x64: {  	[tilespmem:s1], [sflag:$0x1] =	stream.indirect.gather @!p0 [hbm4b:s4+s25], $0x80, s0, s25, $0xb8;
	[tilespmem:$0x1FF80] =	vst v63  }
0x65: {  	_ =	swait.ge @!p0 [sflag:s7], $0x2000  }
0x66: {  	p1 =	sle.u32 s5, $0x1;
	[sflag:s7] =	ssyncset.done @!p0 $0x0  }
0x67: {  	s8 =	simm.s32 @!p0 $0xA380;
	s0 =	simm.s32 $0x2C00;
	[sflag:s7] =	ssyncadd.s32 @!p0 $0xFFFFE000  }
0x68: {  	[spmem:s2] =	stream.indirect.scatter.add.f32 @!p0 [tilespmem:s8], [sflag:$0x3], $0x80, s0, s25, $0xb8;
	[tilespmem:$0x1FF80] =	vst v63  }
0x69: {  	s26 =	simm.s32 $0xC0;
	s1 =	simm.s32 $0x2D00;
	_ =	swait.ge @!p0 [sflag:s24], $0x2000  }
0x6a: {  	s7 =	simm.s32 $0x2;
	s0 =	simm.s32 $0x140;
	[sflag:s24] =	ssyncset.done @!p0 $0x0  }
.LBB2_4:
0x6b: {  	s9 =	simm.s32 @!p1 $0x1  }
0x6c: {  	[sflag:s24] =	ssyncadd.s32 @!p0 $0xFFFFE000;
	s10 =	smov.u32 s7;
	s7 =	sadd.s32 $0x1, s7  }
0x6d: {  	[tilespmem:s8], [sflag:$0x2] =	stream.indirect.gather @!p0 [hbm4b:s4+s25], $0x80, s26, s25, $0xb8;
	[tilespmem:$0x1FF80] =	vst v63  }
0x6e: {  	p2 =	sne.s32 s7, $0x56;
	s26 =	smov.u32 s0;
	_ =	swait.ge @!p1 [sflag:s9], $0x2000  }
0x6f: {  	s24 =	simm.s32 @!p1 $0x3;
	s8 =	simm.s32 @!p1 $0x8380;
	[sflag:s9] =	ssyncset.done @!p1 $0x0  }
0x70: {  	s25 =	simm.s32 @!p1 $0x40;
	[sflag:s9] =	ssyncadd.s32 @!p1 $0xFFFFE000;
	s9 =	sadd.s32 @!p1 $0xFFFFFF80, s1  }
0x71: {  	[spmem:s2] =	stream.indirect.scatter.add.f32 @!p1 [tilespmem:s8], [sflag:$0x3], $0x80, s9, s25, $0xb8;
	[tilespmem:$0x1FF80] =	vst v63  }
0x72: {  	p0 =	por p1, p1;
	_ =	swait.ge @!p1 [sflag:s24], $0x2000  }
0x73: {  	[sflag:s24] =	ssyncset.done @!p0 $0x0  }
0x74: {  	s11 =	simm.s32 @!p0 $0x2;
	s9 =	sadd.s32 @!p0 $0xFFFFFFC0, s0;
	[sflag:s24] =	ssyncadd.s32 @!p0 $0xFFFFE000  }
0x75: {  	[tilespmem:s8], [sflag:$0x1] =	stream.indirect.gather @!p0 [hbm4b:s4+s25], $0x80, s9, s25, $0xb8;
	[tilespmem:$0x1FF80] =	vst v63  }
0x76: {  	_ =	swait.ge @!p0 [sflag:s11], $0x2000  }
.Ltmp1:
0x77: {  	[sflag:s11] =	ssyncset.done @!p0 $0x0;
	(pc) =	sbr.rel @p2 .LBB2_4-.Ltmp1, $4  }
0x78: {  	s8 =	simm.s32 @!p0 $0xA380;
	[sflag:s11] =	ssyncadd.s32 @!p0 $0xFFFFE000  }
0x79: {  	[spmem:s2] =	stream.indirect.scatter.add.f32 @!p0 [tilespmem:s8], [sflag:$0x3], $0x80, s1, s25, $0xb8;
	[tilespmem:$0x1FF80] =	vst v63  }
0x7a: {  	s0 =	sadd.s32 $0x80, s0;
	_ =	swait.ge @!p0 [sflag:s24], $0x2000  }
0x7b: {  	p1 =	sge.u32 s10, s5;
	s1 =	sadd.s32 $0x100, s1;
	[sflag:s24] =	ssyncset.done @!p0 $0x0  }
0x7c: {  	s7 =	simm.s32 @!p1 $0x1;
	[sflag:s24] =	ssyncadd.s32 @!p0 $0xFFFFE000  }
0x7d: {  	[tilespmem:s8], [sflag:$0x2] =	stream.indirect.gather @!p0 [hbm4b:s4+s25], $0x80, s26, s25, $0xb8;
	[tilespmem:$0x1FF80] =	vst v63  }
0x7e: {  	_ =	swait.ge @!p1 [sflag:s7], $0x2000  }
0x7f: {  	s9 =	simm.s32 @!p1 $0x3;
	s10 =	simm.s32 @!p1 $0x40;
	[sflag:s7] =	ssyncset.done @!p1 $0x0  }
0x80: {  	s8 =	simm.s32 @!p1 $0x8380;
	[sflag:s7] =	ssyncadd.s32 @!p1 $0xFFFFE000;
	s7 =	sadd.s32 @!p1 $0xFFFFFF80, s1  }
0x81: {  	[spmem:s2] =	stream.indirect.scatter.add.f32 @!p1 [tilespmem:s8], [sflag:$0x3], $0x80, s7, s10, $0xb8;
	[tilespmem:$0x1FF80] =	vst v63  }
0x82: {  	p0 =	por p1, p1;
	_ =	swait.ge @!p1 [sflag:s9], $0x2000  }
0x83: {  	[sflag:s9] =	ssyncset.done @!p0 $0x0  }
0x84: {  	s11 =	simm.s32 @!p0 $0x2;
	s7 =	sadd.s32 @!p0 $0xFFFFFFC0, s0;
	[sflag:s9] =	ssyncadd.s32 @!p0 $0xFFFFE000  }
0x85: {  	[tilespmem:s8], [sflag:$0x1] =	stream.indirect.gather @!p0 [hbm4b:s4+s10], $0x80, s7, s10, $0xb8;
	[tilespmem:$0x1FF80] =	vst v63  }
0x86: {  	_ =	swait.ge @!p0 [sflag:s11], $0x2000  }
0x87: {  	[sflag:s11] =	ssyncset.done @!p0 $0x0  }
0x88: {  	s7 =	simm.s32 @!p0 $0xA380;
	[sflag:s11] =	ssyncadd.s32 @!p0 $0xFFFFE000  }
0x89: {  	[spmem:s2] =	stream.indirect.scatter.add.f32 @!p0 [tilespmem:s7], [sflag:$0x3], $0x80, s1, s10, $0xb8;
	[tilespmem:$0x1FF80] =	vst v63  }
0x8a: {  	_ =	swait.ge @!p0 [sflag:s9], $0x2000  }
0x8b: {  	[sflag:s9] =	ssyncset.done @!p0 $0x0  }
0x8c: {  	[sflag:s9] =	ssyncadd.s32 @!p0 $0xFFFFE000  }
0x8d: {  	[tilespmem:s7], [sflag:$0x2] =	stream.indirect.gather @!p0 [hbm4b:s4+s10], $0x80, s0, s10, $0xb8;
	[tilespmem:$0x1FF80] =	vst v63  }
0x8e: {  	_ =	swait.ge [sflag:s30], $0x2000  }
0x8f: {  	[sflag:s30] =	ssyncset.done $0x0  }
0x90: {  	s11 =	rddreg [dreg:$0x7];
	[sflag:s30] =	ssyncadd.s32 $0xFFFFE000  }
0x91: {  	[spmem:s2] =	stream.indirect.scatter.add.f32 [tilespmem:s22], [sflag:$0x3], $0x80, s11, s28, $0xb8;
	[tilespmem:$0x1FF80] =	vst v63  }
0x92: {  	_ =	swait.ge [sflag:s23], $0x2000  }
0x93: {  	[sflag:s23] =	ssyncset.done $0x0  }
0x94: {  	[sflag:s23] =	ssyncadd.s32 $0xFFFFE000  }
0x95: {  	_ =	swait.ge [sflag:s31], $0x2000  }
0x96: {  	[sflag:s31] =	ssyncset.done $0x0  }
0x97: {  	s24 =	rddreg [dreg:$0x8];
	[sflag:s31] =	ssyncadd.s32 $0xFFFFE000  }
0x98: {  	[spmem:s2] =	stream.indirect.scatter.add.f32 [tilespmem:s29], [sflag:$0x3], $0x80, s24, s28, $0xb8;
	[tilespmem:$0x1FF80] =	vst v63  }
0x99: {  	s3 =	sadd.s32 $0x1, s3;
	_ =	swait.ge [sflag:s23], $0x2000  }
0x9a: {  	s25 =	stileid.u32;
	s26 =	sshrl.u32 s6, $0x3;
	[sflag:s23] =	ssyncset.done $0x0  }
0x9b: {  	s0 =	sshll.u32 s25, $0x6;
	p0 =	sne.s32 s3, s13;
	[sflag:s23] =	ssyncadd.s32 $0xFFFFE000  }
.Ltmp2:
0x9c: {  	s0 =	sor.u32 $0x1C03, s0;
	[bflag:$0x0] =	sbarrier.arrive $0xFFFF;
	(pc) =	sbr.rel @p0 .LBB2_1-.Ltmp2, $4  }
0x9d: {  	[hbm:s12], [sflag:s0] =	dma.local [spmem:s26], $0x2780  }
0x9e: {  	_ =	swait.ge [sflag:s23], $0x2780  }
0x9f: {  	[sflag:s23] =	ssyncset.done $0x0  }
0xa0: {  	[sflag:s23] =	ssyncadd.s32 $0xFFFFD880  }
0xa1: {  	_ =	sfence.sel $0x180000  }
0xa2: {  	[bflag:$0x0] =	sbarrier.arrive $0xFFFF  }
0xa3: {  	_ =	strace $0x9000004D  }
0xa4: {  	s0 =	stileid.u32;
	[bflag:$0x2] =	sbarrier.arrive $0xFFFF  }
0xa5: {  	p0 =	sne.s32 s0, $0x0;
	s0 =	rddreg [dreg:$0x3]  }
0xa6: {  	s0 =	sadd.s32 @!p0 $0x100000, s0  }
0xa7: {  	[sflag:s0] =	ssyncadd.tile.s32 @!p0 $0x1;
	_ =	shalt  }
.Lfunc_end2:
_tile_overlayer_lowered:
.L_overlay_start_2:
0xa8: {  	(tag) =	ssettag $0x2  }
0xa9: {  	s0 =	rddreg [dreg:$0x0];
	s2 =	stileid.u32  }
0xaa: {  	s1 =	rddreg [dreg:$0x1];
	p0 =	sne.s32 s2, $0x0  }
0xab: {  	s3 =	rddreg [dreg:$0x2];
	[bflag:$0x3] =	sbarrier.arrive $0xFFFF;
	s2 =	simm.s32 @!p0 $0x1C03  }
0xac: {  	[timem:s3], [sflag:s2] =	dma.local @!p0 [hbm:s0], s1  }
0xad: {  	s0 =	simm.s32 @!p0 $0x3  }
0xae: {  	_ =	swait.ge @!p0 [sflag:s0], s1  }
0xaf: {  	s1 =	ssub.s32 @!p0 $0x0, s1;
	[sflag:s0] =	ssyncset.done @!p0 $0x0  }
0xb0: {  	[sflag:s0] =	ssyncadd.s32 @!p0 s1  }
0xb1: {  	[bflag:$0x3] =	sbarrier.arrive $0xFFFF  }
0xb2: {  	_ =	shalt  }

// kernel: kernel.19.cloned.1.call-start
scs
__scs_entry_jumppad:
0x0: {  	(pc) =	sbr.rel $0x88, $3  }
0x1: {  	(tag) =	ssettag $0x0;
	lr =	simm.s32 $0x1  }
0x2: {  	[smem:$0x3F96] =	sst lr;
	_ =	strace $0xD0000000  }
0x3: {  	_ = 	snop  }
0x4: {  	_ = 	snop  }
0x5: {  	_ = 	snop  }
0x6: {  	_ = 	snop  }
0x7: {  	_ = 	snop  }
__scs_overlays_trampoline_lowered:
0x8: {  	[smem:$0x3FA5] =	sst s0  }
0x9: {  	[smem:$0x3FA6] =	sst s1  }
0xa: {  	[smem:$0x3FA7] =	sst s2  }
0xb: {  	[smem:$0x3FA8] =	sst s3  }
0xc: {  	[smem:$0x3FA9] =	sst s4  }
0xd: {  	[smem:$0x3FAA] =	sst s5  }
0xe: {  	[smem:$0x3FAB] =	sst s6  }
0xf: {  	[smem:$0x3FAC] =	sst s7  }
0x10: {  	[smem:$0x3FAD] =	sst s8  }
0x11: {  	[smem:$0x3FAE] =	sst s9;
	s0 =	simm.s32 @!p0 $0x0  }
0x12: {  	s1 =	sld [smem:$0x3F94];
	s0 =	simm.s32 @p0 $0x1  }
0x13: {  	[smem:$0x3FAF] =	sst s0;
	s0 =	simm.s32 @!p1 $0x0  }
0x14: {  	s2 =	sld [smem:$0x3F93];
	s0 =	simm.s32 @p1 $0x1  }
0x15: {  	[smem:$0x3FB0] =	sst s0;
	s0 =	simm.s32 @!p2 $0x0  }
0x16: {  	s3 =	sld [smem:$0x3FDB];
	s0 =	simm.s32 @p2 $0x1  }
0x17: {  	s4 =	simm.s32 $0x1BF5;
	[smem:$0x3FB2] =	sst s0  }
0x18: {  	s0 =	sld [smem:$0x3F95];
	_ =	swait.ge [sflag:s4], $0x0  }
0x19: {  	s7 =	sld [smem:$0x3F96]  }
0x1a: {  	s8 =	sadd.s32 $0xFFFFE003, lr  }
0x1b: {  	s9 =	sadd.s32 $0xFFFFFEF7, lr;
	s5 =	simm.s32 $0xFFFFFFFF;
	p2 =	slt.u32 s8, $0xFFFFF086  }
0x1c: {  	p1 =	slt.u32 s9, $0xF7A;
	s5 =	simm.s32 @!p2 $0x0  }
0x1d: {  	s5 =	simm.s32 @p1 $0x1;
	p0 =	seq.s32 s7, s2  }
0x1e: {  	s7 =	smul.u32 @!p0 $0xF7A, s2;
	p2 =	seq.s32 @!p0 s5, $0x0  }
0x1f: {  	s9 =	smul.u32 $0xF7A, s1;
	s8 =	simm.s32 @!p0 $0x1BF5;
	p2 =	por !p2, p0  }
0x20: {  	[sflag:s8] =	ssyncset.s32 @!p0 $0xFFFFF086;
	s6 =	sadd.s32 @!p0 s3, s7;
	s7 =	simm.s32 @!p0 $0x108  }
0x21: {  	s3 =	sadd.s32 s3, s9;
	s6 =	sadd.s32 @!p0 $0x88, s6;
	s7 =	simm.s32 @p2 $0x1082  }
0x22: {  	[simem:s7], [sflag:s8] =	dma.local @!p0 [hbm:s6], $0xF7A  }
0x23: {  	s9 =	sor.u32 $0xD0000000, s2;
	s6 =	simm.s32 $0x108;
	_ =	swait.ge @!p0 [sflag:s8], $0x0  }
0x24: {  	s3 =	sadd.s32 $0x88, s3;
	s6 =	simm.s32 @!p1 $0x1082;
	[sflag:s4] =	ssyncset.s32 $0xFFFFF086  }
0x25: {  	[simem:s6], [sflag:s4] =	dma.local [hbm:s3], $0xF7A  }
0x26: {  	[smem:$0x3F96] =	sst s1;
	(tag) =	ssettag s2;
	_ =	strace s9  }
0x27: {  	s1 =	sld [smem:$0x3FA6]  }
0x28: {  	s2 =	sld [smem:$0x3FA7]  }
0x29: {  	s4 =	sld [smem:$0x3FA9]  }
0x2a: {  	p0 =	seq.s32 s5, $0x0;
	s5 =	sld [smem:$0x3FAA]  }
0x2b: {  	s6 =	sld [smem:$0x3FAB]  }
0x2c: {  	s7 =	sld [smem:$0x3FAC]  }
0x2d: {  	s3 =	simm.s32 $0x108;
	s8 =	sld [smem:$0x3FAD]  }
0x2e: {  	s3 =	simm.s32 @!p0 $0x1082;
	s9 =	sld [smem:$0x3FAE]  }
0x2f: {  	lr =	sadd.s32 s0, s3;
	s0 =	sld [smem:$0x3FA5]  }
0x30: {  	s3 =	sld [smem:$0x3FA8]  }
0x31: {  	[smem:$0x3FB1] =	sst s10  }
0x32: {  	s10 =	sld [smem:$0x3FAF];
	_ =	sdelay $0x3  }
0x33: {  	p0 =	seq.s32 s10, $0x1;
	s10 =	sld [smem:$0x3FB1];
	_ =	sdelay $0x3  }
0x34: {  	[smem:$0x3FB1] =	sst s10  }
0x35: {  	s10 =	sld [smem:$0x3FB0];
	_ =	sdelay $0x3  }
0x36: {  	p1 =	seq.s32 s10, $0x1;
	s10 =	sld [smem:$0x3FB1];
	_ =	sdelay $0x3  }
0x37: {  	[smem:$0x3FB1] =	sst s10  }
0x38: {  	s10 =	sld [smem:$0x3FB2]  }
0x39: {  	_ = 	snop;
	(pc) =	sbr.ind lr, $3  }
0x3a: {  	_ = 	snop  }
0x3b: {  	_ = 	snop  }
0x3c: {  	p2 =	seq.s32 s10, $0x1;
	s10 =	sld [smem:$0x3FB1]  }
0x3d: {  	_ =	shalt  }
0x3e: {  	_ =	shalt  }
0x3f: {  	_ =	shalt  }
0x40: {  	_ =	shalt  }
0x41: {  	_ =	shalt  }
0x42: {  	_ =	shalt  }
0x43: {  	_ =	shalt  }
0x44: {  	_ =	shalt  }
0x45: {  	_ =	shalt  }
0x46: {  	_ =	shalt  }
0x47: {  	_ =	shalt  }
0x48: {  	_ =	shalt  }
0x49: {  	_ =	shalt  }
0x4a: {  	_ =	shalt  }
0x4b: {  	_ =	shalt  }
0x4c: {  	_ =	shalt  }
0x4d: {  	_ =	shalt  }
0x4e: {  	_ =	shalt  }
0x4f: {  	_ =	shalt  }
0x50: {  	_ =	shalt  }
0x51: {  	_ =	shalt  }
0x52: {  	_ =	shalt  }
0x53: {  	_ =	shalt  }
0x54: {  	_ =	shalt  }
0x55: {  	_ =	shalt  }
0x56: {  	_ =	shalt  }
0x57: {  	_ =	shalt  }
0x58: {  	_ =	shalt  }
0x59: {  	_ =	shalt  }
0x5a: {  	_ =	shalt  }
0x5b: {  	_ =	shalt  }
0x5c: {  	_ =	shalt  }
0x5d: {  	_ =	shalt  }
0x5e: {  	_ =	shalt  }
0x5f: {  	_ =	shalt  }
0x60: {  	_ =	shalt  }
0x61: {  	_ =	shalt  }
0x62: {  	_ =	shalt  }
0x63: {  	_ =	shalt  }
0x64: {  	_ =	shalt  }
0x65: {  	_ =	shalt  }
0x66: {  	_ =	shalt  }
0x67: {  	_ =	shalt  }
0x68: {  	_ =	shalt  }
0x69: {  	_ =	shalt  }
0x6a: {  	_ =	shalt  }
0x6b: {  	_ =	shalt  }
0x6c: {  	_ =	shalt  }
0x6d: {  	_ =	shalt  }
0x6e: {  	_ =	shalt  }
0x6f: {  	_ =	shalt  }
0x70: {  	_ =	shalt  }
0x71: {  	_ =	shalt  }
0x72: {  	_ =	shalt  }
0x73: {  	_ =	shalt  }
0x74: {  	_ =	shalt  }
0x75: {  	_ =	shalt  }
0x76: {  	_ =	shalt  }
0x77: {  	_ =	shalt  }
0x78: {  	_ =	shalt  }
0x79: {  	_ =	shalt  }
0x7a: {  	_ =	shalt  }
0x7b: {  	_ =	shalt  }
0x7c: {  	_ =	shalt  }
0x7d: {  	_ =	shalt  }
0x7e: {  	_ =	shalt  }
0x7f: {  	_ =	shalt  }
0x80: {  	_ =	shalt  }
0x81: {  	_ =	shalt  }
0x82: {  	_ =	shalt  }
0x83: {  	_ =	shalt  }
0x84: {  	_ =	shalt  }
0x85: {  	_ =	shalt  }
0x86: {  	_ =	shalt  }
0x87: {  	_ =	shalt  }
.Lfunc_end0:
.L_simem_size_0:
called_computation.3_lowered:
.L_overlay_start_0:
0x88: {  	s2 =	sld [smem:$0x3FD9]  }
0x89: {  	s3 =	sld [smem:$0x3FFE];
	_ =	sdelay $0x1  }
0x8a: {  	s1 =	srdreg.scid  }
0x8b: {  	s0 =	sand.u32 $0x1, s1  }
0x8c: {  	s17 =	sshll.u32 s0, $0xA;
	s2 =	sadd.s32 s3, s2  }
0x8d: {  	s2 =	sadd.s32 s2, s17  }
0x8e: {  	[smem:$0x3FBD] =	sst s2  }
0x8f: {  	_ = 	snop  }
0x90: {  	s2 =	sld [smem:$0x3FD0];
	(tm) =	ssettm $0x1  }
0x91: {  	s18 =	sld [smem:$0x3FFB];
	_ =	sdelay $0x3  }
0x92: {  	_ =	strace s18  }
0x93: {  	s3 =	sld [smem:$0x3FFC];
	_ =	sdelay $0x3  }
0x94: {  	_ =	strace s3  }
0x95: {  	s3 =	sld [smem:$0x3FFD];
	_ =	sdelay $0x3  }
0x96: {  	_ =	strace s3  }
0x97: {  	_ =	strace $0x8FFFFFFF  }
0x98: {  	s19 =	sld [smem:$0x3FDB];
	_ =	sdelay $0x1  }
0x99: {  	s4 =	simm.s32 $_scs_section_size  }
0x9a: {  	s5 =	simm.s32 $_size__tile_overlayer_lowered;
	s6 =	simm.s32 $_tile_overlayer_lowered  }
0x9b: {  	s22 =	simm.s32 $0x1BFF;
	s21 =	sshll.u32 s6, $0x1;
	s3 =	sadd.s32 s4, s19  }
0x9c: {  	s7 =	simm.s32 $0x0;
	s20 =	sshll.u32 s5, $0x1;
	s5 =	sadd.s32 s21, s3  }
0x9d: {  	[timem:s7], [sflag:s22] =	dma.local [hbm:s5], s20  }
0x9e: {  	_ =	swait.ge [sflag:s22], s20  }
0x9f: {  	s4 =	ssub.s32 $0x0, s20;
	[sflag:s22] =	ssyncset.done $0x0  }
0xa0: {  	[sflag:s22] =	ssyncadd.s32 s4;
	_ =	sdelay $0x1  }
0xa1: {  	s23 =	simm.s32 $0x1B8B  }
0xa2: {  	_ =	swait.ge [sflag:s23], $0x1  }
0xa3: {  	[sflag:s23] =	ssyncset.done $0x0  }
0xa4: {  	s25 =	simm.s32 $0x1B8E;
	s24 =	sld [smem:$0x3FFE];
	[sflag:s23] =	ssyncadd.s32 $0xFFFFFFFF  }
0xa5: {  	s26 =	simm.s32 $execute0_lowered;
	[smem:$0x3FD2] =	sst s25  }
0xa6: {  	s5 =	sshll.u32 s26, $0x1;
	_ =	strace $0x8000004F;
	[dreg:$0x1] =	wrdreg $0xFFFFFFFF  }
0xa7: {  	s28 =	simm.s32 $_size_execute0_lowered;
	s3 =	sadd.s32 s3, s5;
	[dreg:$0x0] =	wrdreg $0x0  }
0xa8: {  	s5 =	sshll.u32 s28, $0x1;
	[dreg:$0x2] =	wrdreg s3  }
0xa9: {  	[dreg:$0x3] =	wrdreg s5  }
0xaa: {  	[dreg:$0x4] =	wrdreg $0xC0  }
0xab: {  	_ =	task [dreg:s7], $0x5FFFF  }
0xac: {  	[dreg:$0x1] =	wrdreg $0xFFFFFFFF  }
0xad: {  	[dreg:$0x0] =	wrdreg $0x60  }
0xae: {  	[dreg:$0x2] =	wrdreg s24  }
0xaf: {  	[dreg:$0x3] =	wrdreg s2  }
0xb0: {  	[dreg:$0x4] =	wrdreg $0xC3800  }
0xb1: {  	[dreg:$0x5] =	wrdreg $0x9  }
0xb2: {  	_ =	task.clear_ibuf [dreg:s7], $0x6FFFF;
	_ =	strace $0x9000004F  }
0xb3: {  	s29 =	simm.s32 $0x9;
	_ =	strace $0x80000051  }
0xb4: {  	_ =	swait.ge [sflag:s29], $0x1  }
0xb5: {  	[sflag:s29] =	ssyncadd.s32 $0xFFFFFFFF  }
0xb6: {  	_ =	strace $0x90000051  }
0xb7: {  	_ =	sfence  }
0xb8: {  	s30 =	sld [smem:$0x0];
	_ =	sdelay $0x2  }
0xb9: {  	s31 =	sshll.u32 s1, $0xD;
	s1 =	sshrl.u32 s1, $0x2  }
0xba: {  	s3 =	sand.u32 $0x4000, s31;
	s1 =	sadd.s32 s1, s30  }
0xbb: {  	s0 =	sor.u32 s3, s0;
	s1 =	sshll.u32 s1, $0x11  }
0xbc: {  	s0 =	sor.u32 s1, s0  }
0xbd: {  	s0 =	sadd.s32 $0x8F2B, s0  }
0xbe: {  	[sflag:s0] =	ssyncadd.remote.s32 $0x1  }
0xbf: {  	_ =	sfence.sel $0xFFFF  }
0xc0: {  	[dreg:$0x0] =	wrdreg $0xFFFFFFFF;
	(pc) =	sbr.abs _section_cstart, $3  }
0xc1: {  	[dreg:$0x1] =	wrdreg $0xFFFFFFFF  }
0xc2: {  	_ =	task.clear_ibuf [dreg:s7], $0x2FFFF;
	_ =	strace $0x9FFFFFFF  }
0xc3: {  	(tm) =	ssettm $0x7FFFFFFF  }
tec
execute0_lowered:
.L_overlay_start_1:
0x0: {  	(tag) =	ssettag $0x1  }
0x1: {  	s0 =	rddreg [dreg:$0x0]  }
0x2: {  	s1 =	rddreg [dreg:$0x1]  }
0x3: {  	s2 =	rddreg [dreg:$0x2]  }
0x4: {  	s3 =	srdreg.scid;
	s12 =	stileid.u32  }
0x5: {  	s11 =	simm.s32 $0x5700;
	s28 =	simm.s32 $0x40;
	s29 =	simm.s32 $0xA380  }
0x6: {  	s30 =	simm.s32 $0x1;
	s31 =	simm.s32 $0x2;
	s7 =	smul.u32 $0x13C00, s12  }
0x7: {  	s5 =	sand.u32 $0x1, s3;
	s3 =	simm.s32 $0x0;
	s10 =	smul.u32 $0x4F000, s12  }
0x8: {  	s22 =	sshll.u32 s12, $0x7;
	s4 =	smul.u32 $0x13C000, s5;
	s6 =	sshll.u32 s5, $0x4  }
0x9: {  	[smem:$0x7FF] =	sst s3;
	s9 =	ssub.s32 $0x2, s5;
	p0 =	seq.s32 s5, $0x0  }
0xa: {  	s23 =	sand.u32 $0x380, s22;
	s5 =	simm.s32 $0x56;
	s22 =	simm.s32 $0x8380  }
0xb: {  	s6 =	sor.u32 s12, s6;
	_ =	strace $0x80000050;
	s20 =	sshrl.u32 s9, $0x1  }
0xc: {  	s11 =	simm.s32 @!p0 $0x4600;
	s10 =	sshrl.u32 s10, $0x2;
	s5 =	simm.s32 @!p0 $0x45  }
0xd: {  	s8 =	smul.u32 $0xB00, s6;
	s7 =	sadd.s32 s7, s4;
	s4 =	sadd.s32 $0x18C00, s0  }
0xe: {  	s21 =	sshrl.u32 s6, $0x3;
	s25 =	sadd.s32 $0x2A80, s11;
	s26 =	sadd.s32 $0x2B00, s11  }
0xf: {  	s7 =	sshrl.u32 s7, $0x3;
	s6 =	smul.u32 $0x15C00, s21;
	[dreg:$0x7] =	wrdreg s25  }
0x10: {  	[dreg:$0x8] =	wrdreg s26;
	s8 =	sadd.s32 s8, s0;
	s0 =	sadd.s32 s7, s0  }
0x11: {  	s7 =	ssub.s32 s9, s20;
	s9 =	sor.u32 s23, s6;
	s6 =	sadd.s32 s10, s2  }
0x12: {  	s24 =	sadd.s32 $0x2C00, s8;
	s12 =	sadd.s32 $0x3FE00, s0;
	s13 =	smax.u32 s7, $0x1  }
0x13: {  	s23 =	simm.s32 $0x3;
	s9 =	sshrl.u32 s9, $0x3;
	s10 =	sadd.s32 $0x12000, s6  }
0x14: {  	[dreg:$0x6] =	wrdreg s24;
	s14 =	sadd.s32 $0x2000, s6;
	s15 =	sadd.s32 $0x4000, s6  }
0x15: {  	s16 =	sadd.s32 $0x6000, s6;
	s17 =	sadd.s32 $0x8000, s6;
	s18 =	sadd.s32 $0xA000, s6  }
0x16: {  	s19 =	sadd.s32 $0xC000, s6;
	[dreg:$0x4] =	wrdreg s10;
	s1 =	sadd.s32 s1, s9  }
0x17: {  	v0 =	vimm.f32 $0.0e+00;
	s20 =	sadd.s32 $0xE000, s6;
	s21 =	sadd.s32 $0x10000, s6;
	[dreg:$0x5] =	wrdreg s1  }
.LBB2_1:
0x18: {  	s0 =	simm.s32 $0x0;
	s1 =	simm.s32 $0x200  }
.LBB2_2:
0x19: {  	p0 =	sne.s32 s1, $0x7E00;
	[tilespmem:s0+$0x83F0] =	vst v0  }
0x1a: {  	[tilespmem:s0+$0x8380] =	vst v0  }
0x1b: {  	[tilespmem:s0+$0x8390] =	vst v0  }
.Ltmp0:
0x1c: {  	[tilespmem:s0+$0x83A0] =	vst v0;
	(pc) =	sbr.rel @p0 .LBB2_2-.Ltmp0, $4  }
0x1d: {  	[tilespmem:s0+$0x83B0] =	vst v0  }
0x1e: {  	[tilespmem:s0+$0x83C0] =	vst v0  }
0x1f: {  	[tilespmem:s0+$0x83D0] =	vst v0  }
0x20: {  	[tilespmem:s0+$0x83E0] =	vst v0;
	s0 =	sshra.s32 s1, $0x2;
	s1 =	sadd.s32 $0x200, s1  }
0x21: {  	[tilespmem:s0+$0x83F0] =	vst v0  }
0x22: {  	[tilespmem:s0+$0x8380] =	vst v0  }
0x23: {  	[tilespmem:s0+$0x8390] =	vst v0  }
0x24: {  	[tilespmem:s0+$0x83A0] =	vst v0  }
0x25: {  	[tilespmem:s0+$0x83B0] =	vst v0  }
0x26: {  	[tilespmem:s0+$0x83C0] =	vst v0  }
0x27: {  	[tilespmem:s0+$0x83D0] =	vst v0  }
0x28: {  	[tilespmem:s0+$0x83E0] =	vst v0  }
0x29: {  	[spmem:s6] =	stream.linear.scatter [tilespmem:s22], [sflag:$0x3], $0x2000, $0x38;
	[tilespmem:$0x1FF80] =	vst v63  }
0x2a: {  	_ =	swait.ge [sflag:s23], $0x2000  }
0x2b: {  	[sflag:s23] =	ssyncset.done $0x0  }
0x2c: {  	[sflag:s23] =	ssyncadd.s32 $0xFFFFE000  }
0x2d: {  	[spmem:s14] =	stream.linear.scatter [tilespmem:s22], [sflag:$0x3], $0x2000, $0x38;
	[tilespmem:$0x1FF80] =	vst v63  }
0x2e: {  	_ =	swait.ge [sflag:s23], $0x2000  }
0x2f: {  	[sflag:s23] =	ssyncset.done $0x0  }
0x30: {  	[sflag:s23] =	ssyncadd.s32 $0xFFFFE000  }
0x31: {  	[spmem:s15] =	stream.linear.scatter [tilespmem:s22], [sflag:$0x3], $0x2000, $0x38;
	[tilespmem:$0x1FF80] =	vst v63  }
0x32: {  	_ =	swait.ge [sflag:s23], $0x2000  }
0x33: {  	[sflag:s23] =	ssyncset.done $0x0  }
0x34: {  	[sflag:s23] =	ssyncadd.s32 $0xFFFFE000  }
0x35: {  	[spmem:s16] =	stream.linear.scatter [tilespmem:s22], [sflag:$0x3], $0x2000, $0x38;
	[tilespmem:$0x1FF80] =	vst v63  }
0x36: {  	_ =	swait.ge [sflag:s23], $0x2000  }
0x37: {  	[sflag:s23] =	ssyncset.done $0x0  }
0x38: {  	[sflag:s23] =	ssyncadd.s32 $0xFFFFE000  }
0x39: {  	[spmem:s17] =	stream.linear.scatter [tilespmem:s22], [sflag:$0x3], $0x2000, $0x38;
	[tilespmem:$0x1FF80] =	vst v63  }
0x3a: {  	_ =	swait.ge [sflag:s23], $0x2000  }
0x3b: {  	[sflag:s23] =	ssyncset.done $0x0  }
0x3c: {  	[sflag:s23] =	ssyncadd.s32 $0xFFFFE000  }
0x3d: {  	[spmem:s18] =	stream.linear.scatter [tilespmem:s22], [sflag:$0x3], $0x2000, $0x38;
	[tilespmem:$0x1FF80] =	vst v63  }
0x3e: {  	_ =	swait.ge [sflag:s23], $0x2000  }
0x3f: {  	[sflag:s23] =	ssyncset.done $0x0  }
0x40: {  	[sflag:s23] =	ssyncadd.s32 $0xFFFFE000  }
0x41: {  	[spmem:s19] =	stream.linear.scatter [tilespmem:s22], [sflag:$0x3], $0x2000, $0x38;
	[tilespmem:$0x1FF80] =	vst v63  }
0x42: {  	_ =	swait.ge [sflag:s23], $0x2000  }
0x43: {  	[sflag:s23] =	ssyncset.done $0x0  }
0x44: {  	[sflag:s23] =	ssyncadd.s32 $0xFFFFE000  }
0x45: {  	[spmem:s20] =	stream.linear.scatter [tilespmem:s22], [sflag:$0x3], $0x2000, $0x38;
	[tilespmem:$0x1FF80] =	vst v63  }
0x46: {  	_ =	swait.ge [sflag:s23], $0x2000  }
0x47: {  	[sflag:s23] =	ssyncset.done $0x0  }
0x48: {  	[sflag:s23] =	ssyncadd.s32 $0xFFFFE000  }
0x49: {  	[spmem:s21] =	stream.linear.scatter [tilespmem:s22], [sflag:$0x3], $0x2000, $0x38;
	[tilespmem:$0x1FF80] =	vst v63  }
0x4a: {  	_ =	swait.ge [sflag:s23], $0x2000  }
0x4b: {  	[sflag:s23] =	ssyncset.done $0x0  }
0x4c: {  	s11 =	rddreg [dreg:$0x4];
	[sflag:s23] =	ssyncadd.s32 $0xFFFFE000  }
0x4d: {  	[spmem:s11] =	stream.linear.scatter [tilespmem:s22], [sflag:$0x3], $0x1C00, $0x38;
	[tilespmem:$0x1FF80] =	vst v63  }
0x4e: {  	_ =	swait.ge [sflag:s23], $0x1C00  }
0x4f: {  	s24 =	simm.s32 $0x0;
	s7 =	simm.s32 $0x80;
	[sflag:s23] =	ssyncset.done $0x0  }
0x50: {  	s8 =	simm.s32 $0x400;
	s1 =	rddreg [dreg:$0x5];
	[sflag:s23] =	ssyncadd.s32 $0xFFFFE400  }
0x51: {  	[tilespmem:s24], [sflag:$0x3] =	stream.strided.gather [hbm4b:s1+s7], $0x2B80, s8, s7, $0x38;
	[tilespmem:$0x1FF80] =	vst v63  }
0x52: {  	_ =	swait.ge [sflag:s23], $0x2B80  }
0x53: {  	[sflag:s23] =	ssyncset.done $0x0  }
0x54: {  	s26 =	simm.s32 $0x2B80;
	s25 =	rddreg [dreg:$0x6];
	[sflag:s23] =	ssyncadd.s32 $0xFFFFD480  }
0x55: {  	[tilespmem:s26], [sflag:$0x3] =	stream.linear.gather [hbm4b:s25+s24], $0x5700, $0x38;
	[tilespmem:$0x1FF80] =	vst v63  }
0x56: {  	_ =	swait.ge [sflag:s23], $0x5700  }
0x57: {  	[sflag:s23] =	ssyncset.done $0x0  }
0x58: {  	[sflag:s23] =	ssyncadd.s32 $0xFFFFA900  }
0x59: {  	p0 =	sle.u32 s5, $0x0;
	[bflag:$0x0] =	sbarrier.arrive $0xFFFF  }
0x5a: {  	[tilespmem:s22], [sflag:$0x1] =	stream.indirect.gather [hbm4b:s4+s28], $0x80, s24, s28, $0xb8;
	[tilespmem:$0x1FF80] =	vst v63  }
0x5b: {  	s0 =	simm.s32 @!p0 $0x1  }
0x5c: {  	[tilespmem:s29], [sflag:$0x2] =	stream.indirect.gather [hbm4b:s4+s28], $0x80, s28, s28, $0xb8;
	[tilespmem:$0x1FF80] =	vst v63  }
0x5d: {  	_ =	swait.ge @!p0 [sflag:s0], $0x2000  }
0x5e: {  	s1 =	simm.s32 @!p0 $0x8380;
	s25 =	simm.s32 @!p0 $0x40;
	[sflag:s0] =	ssyncset.done @!p0 $0x0  }
0x5f: {  	s24 =	simm.s32 @!p0 $0x3;
	[sflag:s0] =	ssyncadd.s32 @!p0 $0xFFFFE000;
	s0 =	simm.s32 @!p0 $0x2B80  }
0x60: {  	[spmem:s2] =	stream.indirect.scatter.add.f32 @!p0 [tilespmem:s1], [sflag:$0x3], $0x80, s0, s25, $0xb8;
	[tilespmem:$0x1FF80] =	vst v63  }
0x61: {  	_ =	swait.ge @!p0 [sflag:s24], $0x2000;
	p0 =	por p0, p0  }
0x62: {  	[sflag:s24] =	ssyncset.done @!p0 $0x0  }
0x63: {  	s0 =	simm.s32 @!p0 $0x80;
	s7 =	simm.s32 @!p0 $0x2;
	[sflag:s24] =	ssyncadd.s32 @!p0 $0xFFFFE000  }
0x64: {  	[tilespmem:s1], [sflag:$0x1] =	stream.indirect.gather @!p0 [hbm4b:s4+s25], $0x80, s0, s25, $0xb8;
	[tilespmem:$0x1FF80] =	vst v63  }
0x65: {  	_ =	swait.ge @!p0 [sflag:s7], $0x2000  }
0x66: {  	p1 =	sle.u32 s5, $0x1;
	[sflag:s7] =	ssyncset.done @!p0 $0x0  }
0x67: {  	s8 =	simm.s32 @!p0 $0xA380;
	s0 =	simm.s32 $0x2C00;
	[sflag:s7] =	ssyncadd.s32 @!p0 $0xFFFFE000  }
0x68: {  	[spmem:s2] =	stream.indirect.scatter.add.f32 @!p0 [tilespmem:s8], [sflag:$0x3], $0x80, s0, s25, $0xb8;
	[tilespmem:$0x1FF80] =	vst v63  }
0x69: {  	s26 =	simm.s32 $0xC0;
	s1 =	simm.s32 $0x2D00;
	_ =	swait.ge @!p0 [sflag:s24], $0x2000  }
0x6a: {  	s7 =	simm.s32 $0x2;
	s0 =	simm.s32 $0x140;
	[sflag:s24] =	ssyncset.done @!p0 $0x0  }
.LBB2_4:
0x6b: {  	s9 =	simm.s32 @!p1 $0x1  }
0x6c: {  	[sflag:s24] =	ssyncadd.s32 @!p0 $0xFFFFE000;
	s10 =	smov.u32 s7;
	s7 =	sadd.s32 $0x1, s7  }
0x6d: {  	[tilespmem:s8], [sflag:$0x2] =	stream.indirect.gather @!p0 [hbm4b:s4+s25], $0x80, s26, s25, $0xb8;
	[tilespmem:$0x1FF80] =	vst v63  }
0x6e: {  	p2 =	sne.s32 s7, $0x56;
	s26 =	smov.u32 s0;
	_ =	swait.ge @!p1 [sflag:s9], $0x2000  }
0x6f: {  	s24 =	simm.s32 @!p1 $0x3;
	s8 =	simm.s32 @!p1 $0x8380;
	[sflag:s9] =	ssyncset.done @!p1 $0x0  }
0x70: {  	s25 =	simm.s32 @!p1 $0x40;
	[sflag:s9] =	ssyncadd.s32 @!p1 $0xFFFFE000;
	s9 =	sadd.s32 @!p1 $0xFFFFFF80, s1  }
0x71: {  	[spmem:s2] =	stream.indirect.scatter.add.f32 @!p1 [tilespmem:s8], [sflag:$0x3], $0x80, s9, s25, $0xb8;
	[tilespmem:$0x1FF80] =	vst v63  }
0x72: {  	p0 =	por p1, p1;
	_ =	swait.ge @!p1 [sflag:s24], $0x2000  }
0x73: {  	[sflag:s24] =	ssyncset.done @!p0 $0x0  }
0x74: {  	s11 =	simm.s32 @!p0 $0x2;
	s9 =	sadd.s32 @!p0 $0xFFFFFFC0, s0;
	[sflag:s24] =	ssyncadd.s32 @!p0 $0xFFFFE000  }
0x75: {  	[tilespmem:s8], [sflag:$0x1] =	stream.indirect.gather @!p0 [hbm4b:s4+s25], $0x80, s9, s25, $0xb8;
	[tilespmem:$0x1FF80] =	vst v63  }
0x76: {  	_ =	swait.ge @!p0 [sflag:s11], $0x2000  }
.Ltmp1:
0x77: {  	[sflag:s11] =	ssyncset.done @!p0 $0x0;
	(pc) =	sbr.rel @p2 .LBB2_4-.Ltmp1, $4  }
0x78: {  	s8 =	simm.s32 @!p0 $0xA380;
	[sflag:s11] =	ssyncadd.s32 @!p0 $0xFFFFE000  }
0x79: {  	[spmem:s2] =	stream.indirect.scatter.add.f32 @!p0 [tilespmem:s8], [sflag:$0x3], $0x80, s1, s25, $0xb8;
	[tilespmem:$0x1FF80] =	vst v63  }
0x7a: {  	s0 =	sadd.s32 $0x80, s0;
	_ =	swait.ge @!p0 [sflag:s24], $0x2000  }
0x7b: {  	p1 =	sge.u32 s10, s5;
	s1 =	sadd.s32 $0x100, s1;
	[sflag:s24] =	ssyncset.done @!p0 $0x0  }
0x7c: {  	s7 =	simm.s32 @!p1 $0x1;
	[sflag:s24] =	ssyncadd.s32 @!p0 $0xFFFFE000  }
0x7d: {  	[tilespmem:s8], [sflag:$0x2] =	stream.indirect.gather @!p0 [hbm4b:s4+s25], $0x80, s26, s25, $0xb8;
	[tilespmem:$0x1FF80] =	vst v63  }
0x7e: {  	_ =	swait.ge @!p1 [sflag:s7], $0x2000  }
0x7f: {  	s9 =	simm.s32 @!p1 $0x3;
	s10 =	simm.s32 @!p1 $0x40;
	[sflag:s7] =	ssyncset.done @!p1 $0x0  }
0x80: {  	s8 =	simm.s32 @!p1 $0x8380;
	[sflag:s7] =	ssyncadd.s32 @!p1 $0xFFFFE000;
	s7 =	sadd.s32 @!p1 $0xFFFFFF80, s1  }
0x81: {  	[spmem:s2] =	stream.indirect.scatter.add.f32 @!p1 [tilespmem:s8], [sflag:$0x3], $0x80, s7, s10, $0xb8;
	[tilespmem:$0x1FF80] =	vst v63  }
0x82: {  	p0 =	por p1, p1;
	_ =	swait.ge @!p1 [sflag:s9], $0x2000  }
0x83: {  	[sflag:s9] =	ssyncset.done @!p0 $0x0  }
0x84: {  	s11 =	simm.s32 @!p0 $0x2;
	s7 =	sadd.s32 @!p0 $0xFFFFFFC0, s0;
	[sflag:s9] =	ssyncadd.s32 @!p0 $0xFFFFE000  }
0x85: {  	[tilespmem:s8], [sflag:$0x1] =	stream.indirect.gather @!p0 [hbm4b:s4+s10], $0x80, s7, s10, $0xb8;
	[tilespmem:$0x1FF80] =	vst v63  }
0x86: {  	_ =	swait.ge @!p0 [sflag:s11], $0x2000  }
0x87: {  	[sflag:s11] =	ssyncset.done @!p0 $0x0  }
0x88: {  	s7 =	simm.s32 @!p0 $0xA380;
	[sflag:s11] =	ssyncadd.s32 @!p0 $0xFFFFE000  }
0x89: {  	[spmem:s2] =	stream.indirect.scatter.add.f32 @!p0 [tilespmem:s7], [sflag:$0x3], $0x80, s1, s10, $0xb8;
	[tilespmem:$0x1FF80] =	vst v63  }
0x8a: {  	_ =	swait.ge @!p0 [sflag:s9], $0x2000  }
0x8b: {  	[sflag:s9] =	ssyncset.done @!p0 $0x0  }
0x8c: {  	[sflag:s9] =	ssyncadd.s32 @!p0 $0xFFFFE000  }
0x8d: {  	[tilespmem:s7], [sflag:$0x2] =	stream.indirect.gather @!p0 [hbm4b:s4+s10], $0x80, s0, s10, $0xb8;
	[tilespmem:$0x1FF80] =	vst v63  }
0x8e: {  	_ =	swait.ge [sflag:s30], $0x2000  }
0x8f: {  	[sflag:s30] =	ssyncset.done $0x0  }
0x90: {  	s11 =	rddreg [dreg:$0x7];
	[sflag:s30] =	ssyncadd.s32 $0xFFFFE000  }
0x91: {  	[spmem:s2] =	stream.indirect.scatter.add.f32 [tilespmem:s22], [sflag:$0x3], $0x80, s11, s28, $0xb8;
	[tilespmem:$0x1FF80] =	vst v63  }
0x92: {  	_ =	swait.ge [sflag:s23], $0x2000  }
0x93: {  	[sflag:s23] =	ssyncset.done $0x0  }
0x94: {  	[sflag:s23] =	ssyncadd.s32 $0xFFFFE000  }
0x95: {  	_ =	swait.ge [sflag:s31], $0x2000  }
0x96: {  	[sflag:s31] =	ssyncset.done $0x0  }
0x97: {  	s24 =	rddreg [dreg:$0x8];
	[sflag:s31] =	ssyncadd.s32 $0xFFFFE000  }
0x98: {  	[spmem:s2] =	stream.indirect.scatter.add.f32 [tilespmem:s29], [sflag:$0x3], $0x80, s24, s28, $0xb8;
	[tilespmem:$0x1FF80] =	vst v63  }
0x99: {  	s3 =	sadd.s32 $0x1, s3;
	_ =	swait.ge [sflag:s23], $0x2000  }
0x9a: {  	s25 =	stileid.u32;
	s26 =	sshrl.u32 s6, $0x3;
	[sflag:s23] =	ssyncset.done $0x0  }
0x9b: {  	s0 =	sshll.u32 s25, $0x6;
	p0 =	sne.s32 s3, s13;
	[sflag:s23] =	ssyncadd.s32 $0xFFFFE000  }
.Ltmp2:
0x9c: {  	s0 =	sor.u32 $0x1C03, s0;
	[bflag:$0x0] =	sbarrier.arrive $0xFFFF;
	(pc) =	sbr.rel @p0 .LBB2_1-.Ltmp2, $4  }
0x9d: {  	[hbm:s12], [sflag:s0] =	dma.local [spmem:s26], $0x2780  }
0x9e: {  	_ =	swait.ge [sflag:s23], $0x2780  }
0x9f: {  	[sflag:s23] =	ssyncset.done $0x0  }
0xa0: {  	[sflag:s23] =	ssyncadd.s32 $0xFFFFD880  }
0xa1: {  	_ =	sfence.sel $0x180000  }
0xa2: {  	[bflag:$0x0] =	sbarrier.arrive $0xFFFF  }
0xa3: {  	_ =	strace $0x90000050  }
0xa4: {  	s0 =	stileid.u32;
	[bflag:$0x2] =	sbarrier.arrive $0xFFFF  }
0xa5: {  	p0 =	sne.s32 s0, $0x0;
	s0 =	rddreg [dreg:$0x3]  }
0xa6: {  	s0 =	sadd.s32 @!p0 $0x100000, s0  }
0xa7: {  	[sflag:s0] =	ssyncadd.tile.s32 @!p0 $0x1;
	_ =	shalt  }
.Lfunc_end2:
_tile_overlayer_lowered:
.L_overlay_start_2:
0xa8: {  	(tag) =	ssettag $0x2  }
0xa9: {  	s0 =	rddreg [dreg:$0x0];
	s2 =	stileid.u32  }
0xaa: {  	s1 =	rddreg [dreg:$0x1];
	p0 =	sne.s32 s2, $0x0  }
0xab: {  	s3 =	rddreg [dreg:$0x2];
	[bflag:$0x3] =	sbarrier.arrive $0xFFFF;
	s2 =	simm.s32 @!p0 $0x1C03  }
0xac: {  	[timem:s3], [sflag:s2] =	dma.local @!p0 [hbm:s0], s1  }
0xad: {  	s0 =	simm.s32 @!p0 $0x3  }
0xae: {  	_ =	swait.ge @!p0 [sflag:s0], s1  }
0xaf: {  	s1 =	ssub.s32 @!p0 $0x0, s1;
	[sflag:s0] =	ssyncset.done @!p0 $0x0  }
0xb0: {  	[sflag:s0] =	ssyncadd.s32 @!p0 s1  }
0xb1: {  	[bflag:$0x3] =	sbarrier.arrive $0xFFFF  }
0xb2: {  	_ =	shalt  }

</sc_bundles>
